<compile_context>
chip_gen: v7x
topology: tpu7x:2x2x1
jax: 0.10.2.dev20260603
libtpu: 0.0.44.dev20260713+nightly
codegen_flags: <defaults>
</compile_context>

<pallas_src>
import functools

import jax
import jax.numpy as jnp
from jax import lax
from jax.experimental import pallas as pl
from jax.experimental.pallas import tpu as pltpu
from jax.experimental.pallas import tpu_sc as plsc

N = 10000
D = 128
E = 320000
NC, NS = 2, 16
NW = NC * NS
EPW = E // NW
CHUNK = 125
NCH = EPW // CHUNK
IB = 20
NG = NCH // IB
HGRP = EPW // 16

_sc_mesh = plsc.VectorSubcoreMesh(
    core_axis_name="c", subcore_axis_name="s", num_cores=NC, num_subcores=NS)


@functools.partial(
    pl.kernel,
    out_type=jax.ShapeDtypeStruct((NW, N), jnp.float32),
    mesh=_sc_mesh,
    compiler_params=pltpu.CompilerParams(needs_layout_passes=False),
    scratch_types=[
        pltpu.VMEM((EPW,), jnp.int32),
        pltpu.VMEM((N,), jnp.float32),
        pltpu.SemaphoreType.DMA,
    ],
)
def _sc_degree(dst_hbm, out_hbm, dst_v, hist, sem):
    c = lax.axis_index("c")
    s = lax.axis_index("s")
    wid = c * NS + s
    pltpu.async_copy(dst_hbm.at[wid], dst_v, sem)
    zeros16 = jnp.zeros((16,), jnp.float32)

    @pl.loop(0, N // 16)
    def _(g):
        hist[pl.ds(g * 16, 16)] = zeros16

    pltpu.make_async_copy(dst_hbm.at[wid], dst_v, sem).wait()
    ones = jnp.ones((16,), jnp.float32)

    @pl.loop(0, HGRP)
    def _(g):
        idx = dst_v[pl.ds(g * 16, 16)]
        plsc.addupdate_scatter(hist, [idx], ones)

    pltpu.sync_copy(hist, out_hbm.at[wid])


@functools.partial(
    pl.kernel,
    out_type=jax.ShapeDtypeStruct((NC, N, D), jnp.float32),
    mesh=_sc_mesh,
    compiler_params=pltpu.CompilerParams(needs_layout_passes=False),
    scratch_types=[
        pltpu.VMEM((IB, 2, CHUNK), jnp.int32),
        pltpu.VMEM((IB, 2, CHUNK), jnp.int32),
        pltpu.VMEM((CHUNK, D), jnp.float32),
        pltpu.VMEM((CHUNK, D), jnp.float32),
        pltpu.VMEM_SHARED((N, D), jnp.float32),
        pltpu.SemaphoreType.DMA,
        pltpu.SemaphoreType.DMA,
        pltpu.SemaphoreType.DMA,
        pltpu.SemaphoreType.DMA,
        pltpu.SemaphoreType.DMA,
    ],
)
def _sc_edge_accum(idx_hbm, g_hbm, out_hbm,
                   idx0, idx1, buf0, buf1, acc, semi, sem0, sem1,
                   sems0, sems1):
    c = lax.axis_index("c")
    s = lax.axis_index("s")
    wid = c * NS + s

    def idx_group(g):
        return idx_hbm.at[wid, pl.ds(g * IB, IB)]

    pltpu.async_copy(idx_group(0), idx0, semi)

    zeros16 = jnp.zeros((16,), jnp.float32)

    @pl.loop(0, 40)
    def _(r):
        @pl.loop(0, D // 16)
        def _(k):
            buf0[r, pl.ds(k * 16, 16)] = zeros16

    @pl.loop(0, 15)
    def _(k):
        pltpu.sync_copy(buf0.at[pl.ds(0, 40)],
                        acc.at[pl.ds(s * 624 + k * 40, 40)])

    pltpu.sync_copy(buf0.at[pl.ds(0, 24)], acc.at[pl.ds(s * 624 + 600, 24)])

    @pl.when(s == NS - 1)
    def _():
        pltpu.sync_copy(buf0.at[pl.ds(0, 16)], acc.at[pl.ds(9984, 16)])

    plsc.subcore_barrier()

    def wait_scat1(idx_v):
        pltpu.make_async_copy(buf1, acc.at[idx_v.at[1, 1]], sems1).wait()

    def run_group(idx_v):
        pltpu.async_copy(g_hbm.at[idx_v.at[0, 0]], buf0, sem0)

        @pl.loop(0, IB // 2)
        def _(k):
            j = k * 2
            pltpu.make_async_copy(g_hbm.at[idx_v.at[j, 0]], buf0, sem0).wait()

            @pl.when(j >= 2)
            def _():
                wait_scat1(idx_v)

            pltpu.async_copy(g_hbm.at[idx_v.at[j + 1, 0]], buf1, sem1)
            pltpu.async_copy(buf0, acc.at[idx_v.at[j, 1]], sems0, add=True)
            pltpu.make_async_copy(
                g_hbm.at[idx_v.at[j + 1, 0]], buf1, sem1).wait()
            pltpu.make_async_copy(buf0, acc.at[idx_v.at[j, 1]], sems0).wait()

            @pl.when(j + 2 < IB)
            def _():
                pltpu.async_copy(g_hbm.at[idx_v.at[j + 2, 0]], buf0, sem0)

            pltpu.async_copy(buf1, acc.at[idx_v.at[j + 1, 1]], sems1, add=True)

    @pl.loop(0, NG // 2)
    def _(i):
        g = i * 2
        pltpu.make_async_copy(idx_group(g), idx0, semi).wait()
        pltpu.async_copy(idx_group(g + 1), idx1, semi)

        @pl.when(g > 0)
        def _():
            wait_scat1(idx0)

        run_group(idx0)
        pltpu.make_async_copy(idx_group(g + 1), idx1, semi).wait()

        @pl.when(g + 2 < NG)
        def _():
            pltpu.async_copy(idx_group(g + 2), idx0, semi)

        wait_scat1(idx1)
        run_group(idx1)

    wait_scat1(idx1)
    plsc.subcore_barrier()

    @pl.when(s < NS - 1)
    def _():
        pltpu.sync_copy(acc.at[pl.ds(s * 624, 624)],
                        out_hbm.at[c, pl.ds(s * 624, 624)])

    @pl.when(s == NS - 1)
    def _():
        pltpu.sync_copy(acc.at[pl.ds(9360, 640)],
                        out_hbm.at[c, pl.ds(9360, 640)])


_R = 1000
_GRID = N // _R


def _tc_hg_body(deg_ref, x_ref, w_ref, g_ref, dinv_ref):
    dinv = lax.rsqrt(jnp.sum(deg_ref[...], axis=1) + 1.0)[:, None]
    g_ref[...] = jnp.dot(
        x_ref[...], w_ref[...], preferred_element_type=jnp.float32) * dinv
    dinv_ref[...] = dinv


def _tc_mid_body(dinv_ref, acc_ref, g_ref, b_ref, w_ref, g2_ref):
    dinv = dinv_ref[...]
    z = (acc_ref[0] + acc_ref[1] + g_ref[...]) * dinv + b_ref[...]
    z = jnp.maximum(z, 0.0)
    g2_ref[...] = jnp.dot(
        z, w_ref[...], preferred_element_type=jnp.float32) * dinv


def _tc_out_body(dinv_ref, acc_ref, g_ref, b_ref, o_ref):
    dinv = dinv_ref[...]
    o_ref[...] = (acc_ref[0] + acc_ref[1] + g_ref[...]) * dinv + b_ref[...]


_dinv_spec = pl.BlockSpec((_R, 1), lambda i: (i, 0))
_row_spec = pl.BlockSpec((_R, D), lambda i: (i, 0))
_deg_spec = pl.BlockSpec((_R, NW), lambda i: (i, 0))
_acc_spec = pl.BlockSpec((NC, _R, D), lambda i: (0, i, 0))
_w_spec = pl.BlockSpec((D, D), lambda i: (0, 0))
_b_spec = pl.BlockSpec((1, D), lambda i: (0, 0))
_out_nd = jax.ShapeDtypeStruct((N, D), jnp.float32)

_tc_hg = pl.pallas_call(
    _tc_hg_body, grid=(_GRID,),
    in_specs=[_deg_spec, _row_spec, _w_spec],
    out_specs=[_row_spec, _dinv_spec],
    out_shape=[_out_nd, jax.ShapeDtypeStruct((N, 1), jnp.float32)])

_tc_mid = pl.pallas_call(
    _tc_mid_body, grid=(_GRID,),
    in_specs=[_dinv_spec, _acc_spec, _row_spec, _b_spec, _w_spec],
    out_specs=_row_spec, out_shape=_out_nd)

_tc_out = pl.pallas_call(
    _tc_out_body, grid=(_GRID,),
    in_specs=[_dinv_spec, _acc_spec, _row_spec, _b_spec],
    out_specs=_row_spec, out_shape=_out_nd)


def kernel(x, edge_index, W1, b1, W2, b2):
    src = edge_index[0].astype(jnp.int32).reshape(NW, NCH, CHUNK)
    dst = edge_index[1].astype(jnp.int32).reshape(NW, NCH, CHUNK)
    idx = jnp.stack([src, dst], axis=2)
    dst_flat = edge_index[1].astype(jnp.int32).reshape(NW, EPW)

    deg_parts = _sc_degree(dst_flat)
    b1r = b1.reshape(1, D)
    b2r = b2.reshape(1, D)

    g1, dinv = _tc_hg(deg_parts.T, x, W1)
    acc1 = _sc_edge_accum(idx, g1)
    g2 = _tc_mid(dinv, acc1, g1, b1r, W2)
    acc2 = _sc_edge_accum(idx, g2)
    out = _tc_out(dinv, acc2, g2, b2r)
    return out

# --- scband reference (transcript-rebuilt; emitter-appended) ---
"""Pipeline reference for scband-gnnmodel-81406810128499 (READ-ONLY COPY).

The authoritative reference and input builder live on the scoring server;
editing this copy changes nothing except your own understanding.
"""

import jax, jax.numpy as jnp
import numpy as np

N_NODES = 10000


def gcn_conv(x, edge_index, W, b):
    n = x.shape[0]
    # add self-loops (PyG GCNConv default: add_self_loops=True)
    loop = jnp.arange(n, dtype=edge_index.dtype)
    src = jnp.concatenate([edge_index[0], loop])
    dst = jnp.concatenate([edge_index[1], loop])
    # symmetric normalization: deg^-1/2[src] * deg^-1/2[dst]
    deg = jnp.zeros((n,), dtype=x.dtype).at[dst].add(1.0)
    dinv = jnp.where(deg > 0, jax.lax.rsqrt(jnp.maximum(deg, 1.0)), 0.0)
    norm = dinv[src] * dinv[dst]
    h = x @ W
    msg = jnp.take(h, src, axis=0) * norm[:, None]
    out = jnp.zeros((n, W.shape[1]), dtype=x.dtype).at[dst].add(msg)
    return out + b


def setup_inputs(seed: int = 0) -> dict:
    key = jax.random.key(seed)
    k1, k2, k3, k4 = jax.random.split(key, 4)
    x = jax.random.normal(k1, (N_NODES, 128), dtype=jnp.float32)
    edge_index = jax.random.randint(k2, (2, 320000), 0, N_NODES, dtype=jnp.int64)
    # GCNConv weights (glorot-ish init)
    W1 = jax.random.normal(k3, (128, 128), dtype=jnp.float32) * (1.0 / np.sqrt(128.0))
    b1 = jnp.zeros((128,), dtype=jnp.float32)
    W2 = jax.random.normal(k4, (128, 128), dtype=jnp.float32) * (1.0 / np.sqrt(128.0))
    b2 = jnp.zeros((128,), dtype=jnp.float32)
    return {"x": x, "edge_index": edge_index, "W1": W1, "b1": b1, "W2": W2, "b2": b2}


def reference(x, edge_index, W1, b1, W2, b2):
    h = gcn_conv(x, edge_index, W1, b1)
    h = jax.nn.relu(h)
    out = gcn_conv(h, edge_index, W2, b2)
    return out

if __name__ == "__main__":
    import jax
    _d = setup_inputs()
    print(jax.jit(kernel)(*tuple(_d.values())))

</pallas_src>

<mosaic_0001>
#map = affine_map<(d0, d1) -> (0, 0, 0, 0)>
#map1 = affine_map<(d0, d1) -> (0, 0)>
#map2 = affine_map<(d0, d1) -> (0, 0, 0)>
module attributes {stable_mosaic.version = 14 : i64} {
  func.func @_sc_edge_accum(%arg0: i32, %arg1: i32, %arg2: memref<32x80x2x125xi32, #tpu.memory_space<hbm>>, %arg3: memref<10000x128xf32, #tpu.memory_space<hbm>>, %arg4: memref<2x10000x128xf32, #tpu.memory_space<hbm>>, %arg5: memref<20x2x125xi32, #tpu.memory_space<vmem>>, %arg6: memref<20x2x125xi32, #tpu.memory_space<vmem>>, %arg7: memref<125x128xf32, #tpu.memory_space<vmem>>, %arg8: memref<125x128xf32, #tpu.memory_space<vmem>>, %arg9: memref<10000x128xf32, #tpu.memory_space<vmem_shared>>, %arg10: memref<!tpu.dma_semaphore, #tpu.memory_space<semaphore_mem>>, %arg11: memref<!tpu.dma_semaphore, #tpu.memory_space<semaphore_mem>>, %arg12: memref<!tpu.dma_semaphore, #tpu.memory_space<semaphore_mem>>, %arg13: memref<!tpu.dma_semaphore, #tpu.memory_space<semaphore_mem>>, %arg14: memref<!tpu.dma_semaphore, #tpu.memory_space<semaphore_mem>>) attributes {dimension_semantics = [#tpu.dimension_semantics<core_parallel>, #tpu.dimension_semantics<subcore_parallel>], iteration_bounds = array<i64: 2, 16>, scalar_prefetch = 0 : i64, scratch_operands = 10 : i64, tpu.core_type = #tpu.core_type<sc_vector_subcore>, window_params = [{transform_indices = #map}, {transform_indices = #map1}, {transform_indices = #map2}]} {
    %mul3A = arith.constant 16 : i32
    %mul3A_0 = arith.muli %arg0, %mul3A : i32
    %add3A = arith.addi %mul3A_0, %arg1 : i32
    %dma_start3A = arith.constant 0 : i32
    %dma_start3A_1 = arith.constant 0 : i32
    %dma_start3A_2 = arith.constant 0 : i32
    %dma_start3A_3 = tpu.memref_slice %arg2[%add3A, %dma_start3A, %dma_start3A_1, %dma_start3A_2] : memref<32x80x2x125xi32, #tpu.memory_space<hbm>> -> memref<1x20x2x125xi32, #tpu.memory_space<hbm>>
    %dma_start3A_4 = tpu.memref_squeeze %dma_start3A_3 : memref<1x20x2x125xi32, #tpu.memory_space<hbm>> -> memref<20x2x125xi32, #tpu.memory_space<hbm>>
    %dma_start3A_5 = arith.constant 0 : i32
    %dma_start3A_6 = arith.constant 0 : i32
    %dma_start3A_7 = arith.constant 0 : i32
    %dma_start3A_8 = tpu.memref_slice %arg2[%add3A, %dma_start3A_5, %dma_start3A_6, %dma_start3A_7] : memref<32x80x2x125xi32, #tpu.memory_space<hbm>> -> memref<1x20x2x125xi32, #tpu.memory_space<hbm>>
    %dma_start3A_9 = tpu.memref_squeeze %dma_start3A_8 : memref<1x20x2x125xi32, #tpu.memory_space<hbm>> -> memref<20x2x125xi32, #tpu.memory_space<hbm>>
    tpu.enqueue_dma source(%dma_start3A_9 : memref<20x2x125xi32, #tpu.memory_space<hbm>>) target(%arg5 : memref<20x2x125xi32, #tpu.memory_space<vmem>>) target_semaphore(%arg10 : memref<!tpu.dma_semaphore, #tpu.memory_space<semaphore_mem>>)
    %broadcast_in_dim3A = arith.constant 0.000000e+00 : f32
    %broadcast_in_dim3A_10 = vector.broadcast %broadcast_in_dim3A : f32 to vector<16xf32>
    %scan3A = arith.constant 0 : i32
    %scan3A_11 = arith.constant 40 : i32
    %scan3A_12 = arith.addi %scan3A, %scan3A_11 : i32
    %scan3A_13 = arith.constant 1 : i32
    scf.for %scan3A_48 = %scan3A to %scan3A_12 step %scan3A_13  : i32 {
      %mul3A_49 = arith.constant 1 : i32
      %mul3A_50 = arith.muli %scan3A_48, %mul3A_49 : i32
      %add3A_51 = arith.constant 0 : i32
      %add3A_52 = arith.addi %add3A_51, %mul3A_50 : i32
      %scan3A_53 = arith.constant 0 : i32
      %scan3A_54 = arith.constant 8 : i32
      %scan3A_55 = arith.addi %scan3A_53, %scan3A_54 : i32
      %scan3A_56 = arith.constant 1 : i32
      scf.for %scan3A_58 = %scan3A_53 to %scan3A_55 step %scan3A_56  : i32 {
        %mul3A_59 = arith.constant 1 : i32
        %mul3A_60 = arith.muli %scan3A_58, %mul3A_59 : i32
        %add3A_61 = arith.constant 0 : i32
        %add3A_62 = arith.addi %add3A_61, %mul3A_60 : i32
        %mul3A_63 = arith.constant 16 : i32
        %mul3A_64 = arith.muli %add3A_62, %mul3A_63 : i32
        %swap3A = arith.index_cast %add3A_52 : i32 to index
        %swap3A_65 = arith.index_cast %mul3A_64 : i32 to index
        %swap3A_66 = tpu.vector_load %arg7[%swap3A, %swap3A_65] {strides = array<i32>} : memref<125x128xf32, #tpu.memory_space<vmem>>, vector<16xf32>,
        tpu.vector_store %arg7[%swap3A, %swap3A_65], %broadcast_in_dim3A_10 {strides = array<i32>} : memref<125x128xf32, #tpu.memory_space<vmem>>, vector<16xf32>,
      }
      %scan3A_57 = arith.constant 8 : i32
    }
    %scan3A_14 = arith.constant 40 : i32
    %scan3A_15 = arith.constant 0 : i32
    %scan3A_16 = arith.constant 15 : i32
    %scan3A_17 = arith.addi %scan3A_15, %scan3A_16 : i32
    %scan3A_18 = arith.constant 1 : i32
    scf.for %scan3A_48 = %scan3A_15 to %scan3A_17 step %scan3A_18  : i32 {
      %mul3A_49 = arith.constant 1 : i32
      %mul3A_50 = arith.muli %scan3A_48, %mul3A_49 : i32
      %add3A_51 = arith.constant 0 : i32
      %add3A_52 = arith.addi %add3A_51, %mul3A_50 : i32
      %mul3A_53 = arith.constant 624 : i32
      %mul3A_54 = arith.muli %arg1, %mul3A_53 : i32
      %mul3A_55 = arith.constant 40 : i32
      %mul3A_56 = arith.muli %add3A_52, %mul3A_55 : i32
      %add3A_57 = arith.addi %mul3A_54, %mul3A_56 : i32
      "tpu.region"() ({
        %run_scoped3A = tpu.sem_alloc : memref<!tpu.dma_semaphore, #tpu.memory_space<semaphore_mem>>
        %dma_start3A_58 = arith.constant 0 : i32
        %dma_start3A_59 = arith.constant 0 : i32
        %dma_start3A_60 = tpu.memref_slice %arg7[%dma_start3A_58, %dma_start3A_59] : memref<125x128xf32, #tpu.memory_space<vmem>> -> memref<40x128xf32, #tpu.memory_space<vmem>>
        %dma_start3A_61 = arith.constant 0 : i32
        %dma_start3A_62 = tpu.memref_slice %arg9[%add3A_57, %dma_start3A_61] : memref<10000x128xf32, #tpu.memory_space<vmem_shared>> -> memref<40x128xf32, #tpu.memory_space<vmem_shared>>
        %dma_start3A_63 = arith.constant 0 : i32
        %dma_start3A_64 = tpu.memref_slice %arg9[%add3A_57, %dma_start3A_63] : memref<10000x128xf32, #tpu.memory_space<vmem_shared>> -> memref<40x128xf32, #tpu.memory_space<vmem_shared>>
        %dma_start3A_65 = arith.constant 0 : i32
        %dma_start3A_66 = arith.constant 0 : i32
        %dma_start3A_67 = tpu.memref_slice %arg7[%dma_start3A_65, %dma_start3A_66] : memref<125x128xf32, #tpu.memory_space<vmem>> -> memref<40x128xf32, #tpu.memory_space<vmem>>
        tpu.enqueue_dma source(%dma_start3A_67 : memref<40x128xf32, #tpu.memory_space<vmem>>) target(%dma_start3A_64 : memref<40x128xf32, #tpu.memory_space<vmem_shared>>) target_semaphore(%run_scoped3A : memref<!tpu.dma_semaphore, #tpu.memory_space<semaphore_mem>>)
        %dma_wait3A_68 = arith.constant 0 : i32
        %dma_wait3A_69 = arith.constant 0 : i32
        %dma_wait3A_70 = tpu.memref_slice %arg7[%dma_wait3A_68, %dma_wait3A_69] : memref<125x128xf32, #tpu.memory_space<vmem>> -> memref<40x128xf32, #tpu.memory_space<vmem>>
        %dma_wait3A_71 = arith.constant 0 : i32
        %dma_wait3A_72 = tpu.memref_slice %arg9[%add3A_57, %dma_wait3A_71] : memref<10000x128xf32, #tpu.memory_space<vmem_shared>> -> memref<40x128xf32, #tpu.memory_space<vmem_shared>>
        %dma_wait3A_73 = arith.constant 0 : i32
        %dma_wait3A_74 = tpu.memref_slice %arg9[%add3A_57, %dma_wait3A_73] : memref<10000x128xf32, #tpu.memory_space<vmem_shared>> -> memref<40x128xf32, #tpu.memory_space<vmem_shared>>
        %dma_wait3A_75 = arith.constant 0 : i32
        %dma_wait3A_76 = arith.constant 0 : i32
        %dma_wait3A_77 = tpu.memref_slice %arg7[%dma_wait3A_75, %dma_wait3A_76] : memref<125x128xf32, #tpu.memory_space<vmem>> -> memref<40x128xf32, #tpu.memory_space<vmem>>
        tpu.wait_dma2 semaphore(%run_scoped3A : memref<!tpu.dma_semaphore, #tpu.memory_space<semaphore_mem>>) src(%dma_wait3A_77 : memref<40x128xf32, #tpu.memory_space<vmem>>) dst(%dma_wait3A_74 : memref<40x128xf32, #tpu.memory_space<vmem_shared>>)
        tpu.yield
      }) : () -> ()
    }
    %scan3A_19 = arith.constant 15 : i32
    %mul3A_20 = arith.constant 624 : i32
    %mul3A_21 = arith.muli %arg1, %mul3A_20 : i32
    %add3A_22 = arith.constant 600 : i32
    %add3A_23 = arith.addi %mul3A_21, %add3A_22 : i32
    "tpu.region"() ({
      %run_scoped3A = tpu.sem_alloc : memref<!tpu.dma_semaphore, #tpu.memory_space<semaphore_mem>>
      %dma_start3A_48 = arith.constant 0 : i32
      %dma_start3A_49 = arith.constant 0 : i32
      %dma_start3A_50 = tpu.memref_slice %arg7[%dma_start3A_48, %dma_start3A_49] : memref<125x128xf32, #tpu.memory_space<vmem>> -> memref<24x128xf32, #tpu.memory_space<vmem>>
      %dma_start3A_51 = arith.constant 0 : i32
      %dma_start3A_52 = tpu.memref_slice %arg9[%add3A_23, %dma_start3A_51] : memref<10000x128xf32, #tpu.memory_space<vmem_shared>> -> memref<24x128xf32, #tpu.memory_space<vmem_shared>>
      %dma_start3A_53 = arith.constant 0 : i32
      %dma_start3A_54 = tpu.memref_slice %arg9[%add3A_23, %dma_start3A_53] : memref<10000x128xf32, #tpu.memory_space<vmem_shared>> -> memref<24x128xf32, #tpu.memory_space<vmem_shared>>
      %dma_start3A_55 = arith.constant 0 : i32
      %dma_start3A_56 = arith.constant 0 : i32
      %dma_start3A_57 = tpu.memref_slice %arg7[%dma_start3A_55, %dma_start3A_56] : memref<125x128xf32, #tpu.memory_space<vmem>> -> memref<24x128xf32, #tpu.memory_space<vmem>>
      tpu.enqueue_dma source(%dma_start3A_57 : memref<24x128xf32, #tpu.memory_space<vmem>>) target(%dma_start3A_54 : memref<24x128xf32, #tpu.memory_space<vmem_shared>>) target_semaphore(%run_scoped3A : memref<!tpu.dma_semaphore, #tpu.memory_space<semaphore_mem>>)
      %dma_wait3A_58 = arith.constant 0 : i32
      %dma_wait3A_59 = arith.constant 0 : i32
      %dma_wait3A_60 = tpu.memref_slice %arg7[%dma_wait3A_58, %dma_wait3A_59] : memref<125x128xf32, #tpu.memory_space<vmem>> -> memref<24x128xf32, #tpu.memory_space<vmem>>
      %dma_wait3A_61 = arith.constant 0 : i32
      %dma_wait3A_62 = tpu.memref_slice %arg9[%add3A_23, %dma_wait3A_61] : memref<10000x128xf32, #tpu.memory_space<vmem_shared>> -> memref<24x128xf32, #tpu.memory_space<vmem_shared>>
      %dma_wait3A_63 = arith.constant 0 : i32
      %dma_wait3A_64 = tpu.memref_slice %arg9[%add3A_23, %dma_wait3A_63] : memref<10000x128xf32, #tpu.memory_space<vmem_shared>> -> memref<24x128xf32, #tpu.memory_space<vmem_shared>>
      %dma_wait3A_65 = arith.constant 0 : i32
      %dma_wait3A_66 = arith.constant 0 : i32
      %dma_wait3A_67 = tpu.memref_slice %arg7[%dma_wait3A_65, %dma_wait3A_66] : memref<125x128xf32, #tpu.memory_space<vmem>> -> memref<24x128xf32, #tpu.memory_space<vmem>>
      tpu.wait_dma2 semaphore(%run_scoped3A : memref<!tpu.dma_semaphore, #tpu.memory_space<semaphore_mem>>) src(%dma_wait3A_67 : memref<24x128xf32, #tpu.memory_space<vmem>>) dst(%dma_wait3A_64 : memref<24x128xf32, #tpu.memory_space<vmem_shared>>)
      tpu.yield
    }) : () -> ()
    %eq3A = arith.constant 15 : i32
    %eq3A_24 = arith.cmpi eq, %arg1, %eq3A : i32
    %convert_element_type3A = arith.extui %eq3A_24 : i1 to i32
    %cond3A = arith.constant 0 : i32
    %cond3A_25 = arith.cmpi ne, %convert_element_type3A, %cond3A : i32
    scf.if %cond3A_25 {
      "tpu.region"() ({
        %run_scoped3A = tpu.sem_alloc : memref<!tpu.dma_semaphore, #tpu.memory_space<semaphore_mem>>
        %dma_start3A_48 = arith.constant 0 : i32
        %dma_start3A_49 = arith.constant 0 : i32
        %dma_start3A_50 = tpu.memref_slice %arg7[%dma_start3A_48, %dma_start3A_49] : memref<125x128xf32, #tpu.memory_space<vmem>> -> memref<16x128xf32, #tpu.memory_space<vmem>>
        %dma_start3A_51 = arith.constant 9984 : i32
        %dma_start3A_52 = arith.constant 0 : i32
        %dma_start3A_53 = tpu.memref_slice %arg9[%dma_start3A_51, %dma_start3A_52] : memref<10000x128xf32, #tpu.memory_space<vmem_shared>> -> memref<16x128xf32, #tpu.memory_space<vmem_shared>>
        %dma_start3A_54 = arith.constant 9984 : i32
        %dma_start3A_55 = arith.constant 0 : i32
        %dma_start3A_56 = tpu.memref_slice %arg9[%dma_start3A_54, %dma_start3A_55] : memref<10000x128xf32, #tpu.memory_space<vmem_shared>> -> memref<16x128xf32, #tpu.memory_space<vmem_shared>>
        %dma_start3A_57 = arith.constant 0 : i32
        %dma_start3A_58 = arith.constant 0 : i32
        %dma_start3A_59 = tpu.memref_slice %arg7[%dma_start3A_57, %dma_start3A_58] : memref<125x128xf32, #tpu.memory_space<vmem>> -> memref<16x128xf32, #tpu.memory_space<vmem>>
        tpu.enqueue_dma source(%dma_start3A_59 : memref<16x128xf32, #tpu.memory_space<vmem>>) target(%dma_start3A_56 : memref<16x128xf32, #tpu.memory_space<vmem_shared>>) target_semaphore(%run_scoped3A : memref<!tpu.dma_semaphore, #tpu.memory_space<semaphore_mem>>)
        %dma_wait3A_60 = arith.constant 0 : i32
        %dma_wait3A_61 = arith.constant 0 : i32
        %dma_wait3A_62 = tpu.memref_slice %arg7[%dma_wait3A_60, %dma_wait3A_61] : memref<125x128xf32, #tpu.memory_space<vmem>> -> memref<16x128xf32, #tpu.memory_space<vmem>>
        %dma_wait3A_63 = arith.constant 9984 : i32
        %dma_wait3A_64 = arith.constant 0 : i32
        %dma_wait3A_65 = tpu.memref_slice %arg9[%dma_wait3A_63, %dma_wait3A_64] : memref<10000x128xf32, #tpu.memory_space<vmem_shared>> -> memref<16x128xf32, #tpu.memory_space<vmem_shared>>
        %dma_wait3A_66 = arith.constant 9984 : i32
        %dma_wait3A_67 = arith.constant 0 : i32
        %dma_wait3A_68 = tpu.memref_slice %arg9[%dma_wait3A_66, %dma_wait3A_67] : memref<10000x128xf32, #tpu.memory_space<vmem_shared>> -> memref<16x128xf32, #tpu.memory_space<vmem_shared>>
        %dma_wait3A_69 = arith.constant 0 : i32
        %dma_wait3A_70 = arith.constant 0 : i32
        %dma_wait3A_71 = tpu.memref_slice %arg7[%dma_wait3A_69, %dma_wait3A_70] : memref<125x128xf32, #tpu.memory_space<vmem>> -> memref<16x128xf32, #tpu.memory_space<vmem>>
        tpu.wait_dma2 semaphore(%run_scoped3A : memref<!tpu.dma_semaphore, #tpu.memory_space<semaphore_mem>>) src(%dma_wait3A_71 : memref<16x128xf32, #tpu.memory_space<vmem>>) dst(%dma_wait3A_68 : memref<16x128xf32, #tpu.memory_space<vmem_shared>>)
        tpu.yield
      }) : () -> ()
    } else {
    }
    %barrier3A = arith.constant 0 : index
    tpu.barrier barrier_id(%barrier3A)
    %scan3A_26 = arith.constant 0 : i32
    %scan3A_27 = arith.constant 2 : i32
    %scan3A_28 = arith.addi %scan3A_26, %scan3A_27 : i32
    %scan3A_29 = arith.constant 1 : i32
    scf.for %scan3A_48 = %scan3A_26 to %scan3A_28 step %scan3A_29  : i32 {
      %mul3A_49 = arith.constant 1 : i32
      %mul3A_50 = arith.muli %scan3A_48, %mul3A_49 : i32
      %add3A_51 = arith.constant 0 : i32
      %add3A_52 = arith.addi %add3A_51, %mul3A_50 : i32
      %mul3A_53 = arith.constant 2 : i32
      %mul3A_54 = arith.muli %add3A_52, %mul3A_53 : i32
      %mul3A_55 = arith.constant 20 : i32
      %mul3A_56 = arith.muli %mul3A_54, %mul3A_55 : i32
      %dma_wait3A_57 = arith.constant 0 : i32
      %dma_wait3A_58 = arith.constant 0 : i32
      %dma_wait3A_59 = tpu.memref_slice %arg2[%add3A, %mul3A_56, %dma_wait3A_57, %dma_wait3A_58] : memref<32x80x2x125xi32, #tpu.memory_space<hbm>> -> memref<1x20x2x125xi32, #tpu.memory_space<hbm>>
      %dma_wait3A_60 = tpu.memref_squeeze %dma_wait3A_59 : memref<1x20x2x125xi32, #tpu.memory_space<hbm>> -> memref<20x2x125xi32, #tpu.memory_space<hbm>>
      %dma_wait3A_61 = arith.constant 0 : i32
      %dma_wait3A_62 = arith.constant 0 : i32
      %dma_wait3A_63 = tpu.memref_slice %arg2[%add3A, %mul3A_56, %dma_wait3A_61, %dma_wait3A_62] : memref<32x80x2x125xi32, #tpu.memory_space<hbm>> -> memref<1x20x2x125xi32, #tpu.memory_space<hbm>>
      %dma_wait3A_64 = tpu.memref_squeeze %dma_wait3A_63 : memref<1x20x2x125xi32, #tpu.memory_space<hbm>> -> memref<20x2x125xi32, #tpu.memory_space<hbm>>
      tpu.wait_dma2 semaphore(%arg10 : memref<!tpu.dma_semaphore, #tpu.memory_space<semaphore_mem>>) src(%dma_wait3A_64 : memref<20x2x125xi32, #tpu.memory_space<hbm>>) dst(%arg5 : memref<20x2x125xi32, #tpu.memory_space<vmem>>)
      %add3A_65 = arith.constant 1 : i32
      %add3A_66 = arith.addi %mul3A_54, %add3A_65 : i32
      %mul3A_67 = arith.constant 20 : i32
      %mul3A_68 = arith.muli %add3A_66, %mul3A_67 : i32
      %dma_start3A_69 = arith.constant 0 : i32
      %dma_start3A_70 = arith.constant 0 : i32
      %dma_start3A_71 = tpu.memref_slice %arg2[%add3A, %mul3A_68, %dma_start3A_69, %dma_start3A_70] : memref<32x80x2x125xi32, #tpu.memory_space<hbm>> -> memref<1x20x2x125xi32, #tpu.memory_space<hbm>>
      %dma_start3A_72 = tpu.memref_squeeze %dma_start3A_71 : memref<1x20x2x125xi32, #tpu.memory_space<hbm>> -> memref<20x2x125xi32, #tpu.memory_space<hbm>>
      %dma_start3A_73 = arith.constant 0 : i32
      %dma_start3A_74 = arith.constant 0 : i32
      %dma_start3A_75 = tpu.memref_slice %arg2[%add3A, %mul3A_68, %dma_start3A_73, %dma_start3A_74] : memref<32x80x2x125xi32, #tpu.memory_space<hbm>> -> memref<1x20x2x125xi32, #tpu.memory_space<hbm>>
      %dma_start3A_76 = tpu.memref_squeeze %dma_start3A_75 : memref<1x20x2x125xi32, #tpu.memory_space<hbm>> -> memref<20x2x125xi32, #tpu.memory_space<hbm>>
      tpu.enqueue_dma source(%dma_start3A_76 : memref<20x2x125xi32, #tpu.memory_space<hbm>>) target(%arg6 : memref<20x2x125xi32, #tpu.memory_space<vmem>>) target_semaphore(%arg10 : memref<!tpu.dma_semaphore, #tpu.memory_space<semaphore_mem>>)
      %gt3A = arith.constant 0 : i32
      %gt3A_77 = arith.cmpi sgt, %mul3A_54, %gt3A : i32
      %convert_element_type3A_78 = arith.extui %gt3A_77 : i1 to i32
      %cond3A_79 = arith.constant 0 : i32
      %cond3A_80 = arith.cmpi ne, %convert_element_type3A_78, %cond3A_79 : i32
      scf.if %cond3A_80 {
        %dma_wait3A_134 = arith.constant 1 : i32
        %dma_wait3A_135 = arith.constant 1 : i32
        %dma_wait3A_136 = arith.constant 0 : i32
        %dma_wait3A_137 = tpu.memref_slice %arg5[%dma_wait3A_134, %dma_wait3A_135, %dma_wait3A_136] : memref<20x2x125xi32, #tpu.memory_space<vmem>> -> memref<1x1x125xi32, #tpu.memory_space<vmem>>
        %dma_wait3A_138 = tpu.memref_squeeze %dma_wait3A_137 : memref<1x1x125xi32, #tpu.memory_space<vmem>> -> memref<125xi32, #tpu.memory_space<vmem>>
        %dma_wait3A_139 = arith.constant 0 : i32
        %dma_wait3A_140 = arith.constant 0 : i32
        %dma_wait3A_141 = tpu.memref_slice %arg9[%dma_wait3A_139, %dma_wait3A_140] : memref<10000x128xf32, #tpu.memory_space<vmem_shared>> -> memref<10000x128xf32, #tpu.memory_space<vmem_shared>>
        tpu.wait_indirect_dma semaphore(%arg14 : memref<!tpu.dma_semaphore, #tpu.memory_space<semaphore_mem>>) src(%arg8 : memref<125x128xf32, #tpu.memory_space<vmem>>) dst(%dma_wait3A_141 : memref<10000x128xf32, #tpu.memory_space<vmem_shared>>)
      } else {
      }
      %dma_start3A_81 = arith.constant 0 : i32
      %dma_start3A_82 = arith.constant 0 : i32
      %dma_start3A_83 = arith.constant 0 : i32
      %dma_start3A_84 = tpu.memref_slice %arg5[%dma_start3A_81, %dma_start3A_82, %dma_start3A_83] : memref<20x2x125xi32, #tpu.memory_space<vmem>> -> memref<1x1x125xi32, #tpu.memory_space<vmem>>
      %dma_start3A_85 = tpu.memref_squeeze %dma_start3A_84 : memref<1x1x125xi32, #tpu.memory_space<vmem>> -> memref<125xi32, #tpu.memory_space<vmem>>
      %dma_start3A_86 = arith.constant 0 : i32
      %dma_start3A_87 = arith.constant 0 : i32
      %dma_start3A_88 = tpu.memref_slice %arg3[%dma_start3A_86, %dma_start3A_87] : memref<10000x128xf32, #tpu.memory_space<hbm>> -> memref<10000x128xf32, #tpu.memory_space<hbm>>
      tpu.enqueue_indirect_dma source(%dma_start3A_88 : memref<10000x128xf32, #tpu.memory_space<hbm>>) target(%arg7 : memref<125x128xf32, #tpu.memory_space<vmem>>) offsets(%dma_start3A_85 : memref<125xi32, #tpu.memory_space<vmem>>) semaphore(%arg11 : memref<!tpu.dma_semaphore, #tpu.memory_space<semaphore_mem>>)
      %scan3A_89 = arith.constant 0 : i32
      %scan3A_90 = arith.constant 10 : i32
      %scan3A_91 = arith.addi %scan3A_89, %scan3A_90 : i32
      %scan3A_92 = arith.constant 1 : i32
      scf.for %scan3A_134 = %scan3A_89 to %scan3A_91 step %scan3A_92  : i32 {
        %mul3A_135 = arith.constant 1 : i32
        %mul3A_136 = arith.muli %scan3A_134, %mul3A_135 : i32
        %add3A_137 = arith.constant 0 : i32
        %add3A_138 = arith.addi %add3A_137, %mul3A_136 : i32
        %mul3A_139 = arith.constant 2 : i32
        %mul3A_140 = arith.muli %add3A_138, %mul3A_139 : i32
        %dma_wait3A_141 = arith.constant 0 : i32
        %dma_wait3A_142 = arith.constant 0 : i32
        %dma_wait3A_143 = tpu.memref_slice %arg5[%mul3A_140, %dma_wait3A_141, %dma_wait3A_142] : memref<20x2x125xi32, #tpu.memory_space<vmem>> -> memref<1x1x125xi32, #tpu.memory_space<vmem>>
        %dma_wait3A_144 = tpu.memref_squeeze %dma_wait3A_143 : memref<1x1x125xi32, #tpu.memory_space<vmem>> -> memref<125xi32, #tpu.memory_space<vmem>>
        %dma_wait3A_145 = arith.constant 0 : i32
        %dma_wait3A_146 = arith.constant 0 : i32
        %dma_wait3A_147 = tpu.memref_slice %arg3[%dma_wait3A_145, %dma_wait3A_146] : memref<10000x128xf32, #tpu.memory_space<hbm>> -> memref<10000x128xf32, #tpu.memory_space<hbm>>
        tpu.wait_indirect_dma semaphore(%arg11 : memref<!tpu.dma_semaphore, #tpu.memory_space<semaphore_mem>>) src(%dma_wait3A_147 : memref<10000x128xf32, #tpu.memory_space<hbm>>) dst(%arg7 : memref<125x128xf32, #tpu.memory_space<vmem>>)
        %ge3A = arith.constant 2 : i32
        %ge3A_148 = arith.cmpi sge, %mul3A_140, %ge3A : i32
        %convert_element_type3A_149 = arith.extui %ge3A_148 : i1 to i32
        %cond3A_150 = arith.constant 0 : i32
        %cond3A_151 = arith.cmpi ne, %convert_element_type3A_149, %cond3A_150 : i32
        scf.if %cond3A_151 {
          %dma_wait3A_200 = arith.constant 1 : i32
          %dma_wait3A_201 = arith.constant 1 : i32
          %dma_wait3A_202 = arith.constant 0 : i32
          %dma_wait3A_203 = tpu.memref_slice %arg5[%dma_wait3A_200, %dma_wait3A_201, %dma_wait3A_202] : memref<20x2x125xi32, #tpu.memory_space<vmem>> -> memref<1x1x125xi32, #tpu.memory_space<vmem>>
          %dma_wait3A_204 = tpu.memref_squeeze %dma_wait3A_203 : memref<1x1x125xi32, #tpu.memory_space<vmem>> -> memref<125xi32, #tpu.memory_space<vmem>>
          %dma_wait3A_205 = arith.constant 0 : i32
          %dma_wait3A_206 = arith.constant 0 : i32
          %dma_wait3A_207 = tpu.memref_slice %arg9[%dma_wait3A_205, %dma_wait3A_206] : memref<10000x128xf32, #tpu.memory_space<vmem_shared>> -> memref<10000x128xf32, #tpu.memory_space<vmem_shared>>
          tpu.wait_indirect_dma semaphore(%arg14 : memref<!tpu.dma_semaphore, #tpu.memory_space<semaphore_mem>>) src(%arg8 : memref<125x128xf32, #tpu.memory_space<vmem>>) dst(%dma_wait3A_207 : memref<10000x128xf32, #tpu.memory_space<vmem_shared>>)
        } else {
        }
        %add3A_152 = arith.constant 1 : i32
        %add3A_153 = arith.addi %mul3A_140, %add3A_152 : i32
        %dma_start3A_154 = arith.constant 0 : i32
        %dma_start3A_155 = arith.constant 0 : i32
        %dma_start3A_156 = tpu.memref_slice %arg5[%add3A_153, %dma_start3A_154, %dma_start3A_155] : memref<20x2x125xi32, #tpu.memory_space<vmem>> -> memref<1x1x125xi32, #tpu.memory_space<vmem>>
        %dma_start3A_157 = tpu.memref_squeeze %dma_start3A_156 : memref<1x1x125xi32, #tpu.memory_space<vmem>> -> memref<125xi32, #tpu.memory_space<vmem>>
        %dma_start3A_158 = arith.constant 0 : i32
        %dma_start3A_159 = arith.constant 0 : i32
        %dma_start3A_160 = tpu.memref_slice %arg3[%dma_start3A_158, %dma_start3A_159] : memref<10000x128xf32, #tpu.memory_space<hbm>> -> memref<10000x128xf32, #tpu.memory_space<hbm>>
        tpu.enqueue_indirect_dma source(%dma_start3A_160 : memref<10000x128xf32, #tpu.memory_space<hbm>>) target(%arg8 : memref<125x128xf32, #tpu.memory_space<vmem>>) offsets(%dma_start3A_157 : memref<125xi32, #tpu.memory_space<vmem>>) semaphore(%arg12 : memref<!tpu.dma_semaphore, #tpu.memory_space<semaphore_mem>>)
        %dma_start3A_161 = arith.constant 1 : i32
        %dma_start3A_162 = arith.constant 0 : i32
        %dma_start3A_163 = tpu.memref_slice %arg5[%mul3A_140, %dma_start3A_161, %dma_start3A_162] : memref<20x2x125xi32, #tpu.memory_space<vmem>> -> memref<1x1x125xi32, #tpu.memory_space<vmem>>
        %dma_start3A_164 = tpu.memref_squeeze %dma_start3A_163 : memref<1x1x125xi32, #tpu.memory_space<vmem>> -> memref<125xi32, #tpu.memory_space<vmem>>
        %dma_start3A_165 = arith.constant 0 : i32
        %dma_start3A_166 = arith.constant 0 : i32
        %dma_start3A_167 = tpu.memref_slice %arg9[%dma_start3A_165, %dma_start3A_166] : memref<10000x128xf32, #tpu.memory_space<vmem_shared>> -> memref<10000x128xf32, #tpu.memory_space<vmem_shared>>
        tpu.enqueue_indirect_dma source(%arg7 : memref<125x128xf32, #tpu.memory_space<vmem>>) target(%dma_start3A_167 : memref<10000x128xf32, #tpu.memory_space<vmem_shared>>) offsets(%dma_start3A_164 : memref<125xi32, #tpu.memory_space<vmem>>) semaphore(%arg13 : memref<!tpu.dma_semaphore, #tpu.memory_space<semaphore_mem>>) {add = true}
        %add3A_168 = arith.constant 1 : i32
        %add3A_169 = arith.addi %mul3A_140, %add3A_168 : i32
        %dma_wait3A_170 = arith.constant 0 : i32
        %dma_wait3A_171 = arith.constant 0 : i32
        %dma_wait3A_172 = tpu.memref_slice %arg5[%add3A_169, %dma_wait3A_170, %dma_wait3A_171] : memref<20x2x125xi32, #tpu.memory_space<vmem>> -> memref<1x1x125xi32, #tpu.memory_space<vmem>>
        %dma_wait3A_173 = tpu.memref_squeeze %dma_wait3A_172 : memref<1x1x125xi32, #tpu.memory_space<vmem>> -> memref<125xi32, #tpu.memory_space<vmem>>
        %dma_wait3A_174 = arith.constant 0 : i32
        %dma_wait3A_175 = arith.constant 0 : i32
        %dma_wait3A_176 = tpu.memref_slice %arg3[%dma_wait3A_174, %dma_wait3A_175] : memref<10000x128xf32, #tpu.memory_space<hbm>> -> memref<10000x128xf32, #tpu.memory_space<hbm>>
        tpu.wait_indirect_dma semaphore(%arg12 : memref<!tpu.dma_semaphore, #tpu.memory_space<semaphore_mem>>) src(%dma_wait3A_176 : memref<10000x128xf32, #tpu.memory_space<hbm>>) dst(%arg8 : memref<125x128xf32, #tpu.memory_space<vmem>>)
        %dma_wait3A_177 = arith.constant 1 : i32
        %dma_wait3A_178 = arith.constant 0 : i32
        %dma_wait3A_179 = tpu.memref_slice %arg5[%mul3A_140, %dma_wait3A_177, %dma_wait3A_178] : memref<20x2x125xi32, #tpu.memory_space<vmem>> -> memref<1x1x125xi32, #tpu.memory_space<vmem>>
        %dma_wait3A_180 = tpu.memref_squeeze %dma_wait3A_179 : memref<1x1x125xi32, #tpu.memory_space<vmem>> -> memref<125xi32, #tpu.memory_space<vmem>>
        %dma_wait3A_181 = arith.constant 0 : i32
        %dma_wait3A_182 = arith.constant 0 : i32
        %dma_wait3A_183 = tpu.memref_slice %arg9[%dma_wait3A_181, %dma_wait3A_182] : memref<10000x128xf32, #tpu.memory_space<vmem_shared>> -> memref<10000x128xf32, #tpu.memory_space<vmem_shared>>
        tpu.wait_indirect_dma semaphore(%arg13 : memref<!tpu.dma_semaphore, #tpu.memory_space<semaphore_mem>>) src(%arg7 : memref<125x128xf32, #tpu.memory_space<vmem>>) dst(%dma_wait3A_183 : memref<10000x128xf32, #tpu.memory_space<vmem_shared>>)
        %add3A_184 = arith.constant 2 : i32
        %add3A_185 = arith.addi %mul3A_140, %add3A_184 : i32
        %lt3A_186 = arith.constant 20 : i32
        %lt3A_187 = arith.cmpi slt, %add3A_185, %lt3A_186 : i32
        %convert_element_type3A_188 = arith.extui %lt3A_187 : i1 to i32
        %cond3A_189 = arith.constant 0 : i32
        %cond3A_190 = arith.cmpi ne, %convert_element_type3A_188, %cond3A_189 : i32
        scf.if %cond3A_190 {
          %add3A_200 = arith.constant 2 : i32
          %add3A_201 = arith.addi %mul3A_140, %add3A_200 : i32
          %dma_start3A_202 = arith.constant 0 : i32
          %dma_start3A_203 = arith.constant 0 : i32
          %dma_start3A_204 = tpu.memref_slice %arg5[%add3A_201, %dma_start3A_202, %dma_start3A_203] : memref<20x2x125xi32, #tpu.memory_space<vmem>> -> memref<1x1x125xi32, #tpu.memory_space<vmem>>
          %dma_start3A_205 = tpu.memref_squeeze %dma_start3A_204 : memref<1x1x125xi32, #tpu.memory_space<vmem>> -> memref<125xi32, #tpu.memory_space<vmem>>
          %dma_start3A_206 = arith.constant 0 : i32
          %dma_start3A_207 = arith.constant 0 : i32
          %dma_start3A_208 = tpu.memref_slice %arg3[%dma_start3A_206, %dma_start3A_207] : memref<10000x128xf32, #tpu.memory_space<hbm>> -> memref<10000x128xf32, #tpu.memory_space<hbm>>
          tpu.enqueue_indirect_dma source(%dma_start3A_208 : memref<10000x128xf32, #tpu.memory_space<hbm>>) target(%arg7 : memref<125x128xf32, #tpu.memory_space<vmem>>) offsets(%dma_start3A_205 : memref<125xi32, #tpu.memory_space<vmem>>) semaphore(%arg11 : memref<!tpu.dma_semaphore, #tpu.memory_space<semaphore_mem>>)
        } else {
        }
        %add3A_191 = arith.constant 1 : i32
        %add3A_192 = arith.addi %mul3A_140, %add3A_191 : i32
        %dma_start3A_193 = arith.constant 1 : i32
        %dma_start3A_194 = arith.constant 0 : i32
        %dma_start3A_195 = tpu.memref_slice %arg5[%add3A_192, %dma_start3A_193, %dma_start3A_194] : memref<20x2x125xi32, #tpu.memory_space<vmem>> -> memref<1x1x125xi32, #tpu.memory_space<vmem>>
        %dma_start3A_196 = tpu.memref_squeeze %dma_start3A_195 : memref<1x1x125xi32, #tpu.memory_space<vmem>> -> memref<125xi32, #tpu.memory_space<vmem>>
        %dma_start3A_197 = arith.constant 0 : i32
        %dma_start3A_198 = arith.constant 0 : i32
        %dma_start3A_199 = tpu.memref_slice %arg9[%dma_start3A_197, %dma_start3A_198] : memref<10000x128xf32, #tpu.memory_space<vmem_shared>> -> memref<10000x128xf32, #tpu.memory_space<vmem_shared>>
        tpu.enqueue_indirect_dma source(%arg8 : memref<125x128xf32, #tpu.memory_space<vmem>>) target(%dma_start3A_199 : memref<10000x128xf32, #tpu.memory_space<vmem_shared>>) offsets(%dma_start3A_196 : memref<125xi32, #tpu.memory_space<vmem>>) semaphore(%arg14 : memref<!tpu.dma_semaphore, #tpu.memory_space<semaphore_mem>>) {add = true}
      }
      %scan3A_93 = arith.constant 10 : i32
      %add3A_94 = arith.constant 1 : i32
      %add3A_95 = arith.addi %mul3A_54, %add3A_94 : i32
      %mul3A_96 = arith.constant 20 : i32
      %mul3A_97 = arith.muli %add3A_95, %mul3A_96 : i32
      %dma_wait3A_98 = arith.constant 0 : i32
      %dma_wait3A_99 = arith.constant 0 : i32
      %dma_wait3A_100 = tpu.memref_slice %arg2[%add3A, %mul3A_97, %dma_wait3A_98, %dma_wait3A_99] : memref<32x80x2x125xi32, #tpu.memory_space<hbm>> -> memref<1x20x2x125xi32, #tpu.memory_space<hbm>>
      %dma_wait3A_101 = tpu.memref_squeeze %dma_wait3A_100 : memref<1x20x2x125xi32, #tpu.memory_space<hbm>> -> memref<20x2x125xi32, #tpu.memory_space<hbm>>
      %dma_wait3A_102 = arith.constant 0 : i32
      %dma_wait3A_103 = arith.constant 0 : i32
      %dma_wait3A_104 = tpu.memref_slice %arg2[%add3A, %mul3A_97, %dma_wait3A_102, %dma_wait3A_103] : memref<32x80x2x125xi32, #tpu.memory_space<hbm>> -> memref<1x20x2x125xi32, #tpu.memory_space<hbm>>
      %dma_wait3A_105 = tpu.memref_squeeze %dma_wait3A_104 : memref<1x20x2x125xi32, #tpu.memory_space<hbm>> -> memref<20x2x125xi32, #tpu.memory_space<hbm>>
      tpu.wait_dma2 semaphore(%arg10 : memref<!tpu.dma_semaphore, #tpu.memory_space<semaphore_mem>>) src(%dma_wait3A_105 : memref<20x2x125xi32, #tpu.memory_space<hbm>>) dst(%arg6 : memref<20x2x125xi32, #tpu.memory_space<vmem>>)
      %add3A_106 = arith.constant 2 : i32
      %add3A_107 = arith.addi %mul3A_54, %add3A_106 : i32
      %lt3A_108 = arith.constant 4 : i32
      %lt3A_109 = arith.cmpi slt, %add3A_107, %lt3A_108 : i32
      %convert_element_type3A_110 = arith.extui %lt3A_109 : i1 to i32
      %cond3A_111 = arith.constant 0 : i32
      %cond3A_112 = arith.cmpi ne, %convert_element_type3A_110, %cond3A_111 : i32
      scf.if %cond3A_112 {
        %add3A_134 = arith.constant 2 : i32
        %add3A_135 = arith.addi %mul3A_54, %add3A_134 : i32
        %mul3A_136 = arith.constant 20 : i32
        %mul3A_137 = arith.muli %add3A_135, %mul3A_136 : i32
        %dma_start3A_138 = arith.constant 0 : i32
        %dma_start3A_139 = arith.constant 0 : i32
        %dma_start3A_140 = tpu.memref_slice %arg2[%add3A, %mul3A_137, %dma_start3A_138, %dma_start3A_139] : memref<32x80x2x125xi32, #tpu.memory_space<hbm>> -> memref<1x20x2x125xi32, #tpu.memory_space<hbm>>
        %dma_start3A_141 = tpu.memref_squeeze %dma_start3A_140 : memref<1x20x2x125xi32, #tpu.memory_space<hbm>> -> memref<20x2x125xi32, #tpu.memory_space<hbm>>
        %dma_start3A_142 = arith.constant 0 : i32
        %dma_start3A_143 = arith.constant 0 : i32
        %dma_start3A_144 = tpu.memref_slice %arg2[%add3A, %mul3A_137, %dma_start3A_142, %dma_start3A_143] : memref<32x80x2x125xi32, #tpu.memory_space<hbm>> -> memref<1x20x2x125xi32, #tpu.memory_space<hbm>>
        %dma_start3A_145 = tpu.memref_squeeze %dma_start3A_144 : memref<1x20x2x125xi32, #tpu.memory_space<hbm>> -> memref<20x2x125xi32, #tpu.memory_space<hbm>>
        tpu.enqueue_dma source(%dma_start3A_145 : memref<20x2x125xi32, #tpu.memory_space<hbm>>) target(%arg5 : memref<20x2x125xi32, #tpu.memory_space<vmem>>) target_semaphore(%arg10 : memref<!tpu.dma_semaphore, #tpu.memory_space<semaphore_mem>>)
      } else {
      }
      %dma_wait3A_113 = arith.constant 1 : i32
      %dma_wait3A_114 = arith.constant 1 : i32
      %dma_wait3A_115 = arith.constant 0 : i32
      %dma_wait3A_116 = tpu.memref_slice %arg6[%dma_wait3A_113, %dma_wait3A_114, %dma_wait3A_115] : memref<20x2x125xi32, #tpu.memory_space<vmem>> -> memref<1x1x125xi32, #tpu.memory_space<vmem>>
      %dma_wait3A_117 = tpu.memref_squeeze %dma_wait3A_116 : memref<1x1x125xi32, #tpu.memory_space<vmem>> -> memref<125xi32, #tpu.memory_space<vmem>>
      %dma_wait3A_118 = arith.constant 0 : i32
      %dma_wait3A_119 = arith.constant 0 : i32
      %dma_wait3A_120 = tpu.memref_slice %arg9[%dma_wait3A_118, %dma_wait3A_119] : memref<10000x128xf32, #tpu.memory_space<vmem_shared>> -> memref<10000x128xf32, #tpu.memory_space<vmem_shared>>
      tpu.wait_indirect_dma semaphore(%arg14 : memref<!tpu.dma_semaphore, #tpu.memory_space<semaphore_mem>>) src(%arg8 : memref<125x128xf32, #tpu.memory_space<vmem>>) dst(%dma_wait3A_120 : memref<10000x128xf32, #tpu.memory_space<vmem_shared>>)
      %dma_start3A_121 = arith.constant 0 : i32
      %dma_start3A_122 = arith.constant 0 : i32
      %dma_start3A_123 = arith.constant 0 : i32
      %dma_start3A_124 = tpu.memref_slice %arg6[%dma_start3A_121, %dma_start3A_122, %dma_start3A_123] : memref<20x2x125xi32, #tpu.memory_space<vmem>> -> memref<1x1x125xi32, #tpu.memory_space<vmem>>
      %dma_start3A_125 = tpu.memref_squeeze %dma_start3A_124 : memref<1x1x125xi32, #tpu.memory_space<vmem>> -> memref<125xi32, #tpu.memory_space<vmem>>
      %dma_start3A_126 = arith.constant 0 : i32
      %dma_start3A_127 = arith.constant 0 : i32
      %dma_start3A_128 = tpu.memref_slice %arg3[%dma_start3A_126, %dma_start3A_127] : memref<10000x128xf32, #tpu.memory_space<hbm>> -> memref<10000x128xf32, #tpu.memory_space<hbm>>
      tpu.enqueue_indirect_dma source(%dma_start3A_128 : memref<10000x128xf32, #tpu.memory_space<hbm>>) target(%arg7 : memref<125x128xf32, #tpu.memory_space<vmem>>) offsets(%dma_start3A_125 : memref<125xi32, #tpu.memory_space<vmem>>) semaphore(%arg11 : memref<!tpu.dma_semaphore, #tpu.memory_space<semaphore_mem>>)
      %scan3A_129 = arith.constant 0 : i32
      %scan3A_130 = arith.constant 10 : i32
      %scan3A_131 = arith.addi %scan3A_129, %scan3A_130 : i32
      %scan3A_132 = arith.constant 1 : i32
      scf.for %scan3A_134 = %scan3A_129 to %scan3A_131 step %scan3A_132  : i32 {
        %mul3A_135 = arith.constant 1 : i32
        %mul3A_136 = arith.muli %scan3A_134, %mul3A_135 : i32
        %add3A_137 = arith.constant 0 : i32
        %add3A_138 = arith.addi %add3A_137, %mul3A_136 : i32
        %mul3A_139 = arith.constant 2 : i32
        %mul3A_140 = arith.muli %add3A_138, %mul3A_139 : i32
        %dma_wait3A_141 = arith.constant 0 : i32
        %dma_wait3A_142 = arith.constant 0 : i32
        %dma_wait3A_143 = tpu.memref_slice %arg6[%mul3A_140, %dma_wait3A_141, %dma_wait3A_142] : memref<20x2x125xi32, #tpu.memory_space<vmem>> -> memref<1x1x125xi32, #tpu.memory_space<vmem>>
        %dma_wait3A_144 = tpu.memref_squeeze %dma_wait3A_143 : memref<1x1x125xi32, #tpu.memory_space<vmem>> -> memref<125xi32, #tpu.memory_space<vmem>>
        %dma_wait3A_145 = arith.constant 0 : i32
        %dma_wait3A_146 = arith.constant 0 : i32
        %dma_wait3A_147 = tpu.memref_slice %arg3[%dma_wait3A_145, %dma_wait3A_146] : memref<10000x128xf32, #tpu.memory_space<hbm>> -> memref<10000x128xf32, #tpu.memory_space<hbm>>
        tpu.wait_indirect_dma semaphore(%arg11 : memref<!tpu.dma_semaphore, #tpu.memory_space<semaphore_mem>>) src(%dma_wait3A_147 : memref<10000x128xf32, #tpu.memory_space<hbm>>) dst(%arg7 : memref<125x128xf32, #tpu.memory_space<vmem>>)
        %ge3A = arith.constant 2 : i32
        %ge3A_148 = arith.cmpi sge, %mul3A_140, %ge3A : i32
        %convert_element_type3A_149 = arith.extui %ge3A_148 : i1 to i32
        %cond3A_150 = arith.constant 0 : i32
        %cond3A_151 = arith.cmpi ne, %convert_element_type3A_149, %cond3A_150 : i32
        scf.if %cond3A_151 {
          %dma_wait3A_200 = arith.constant 1 : i32
          %dma_wait3A_201 = arith.constant 1 : i32
          %dma_wait3A_202 = arith.constant 0 : i32
          %dma_wait3A_203 = tpu.memref_slice %arg6[%dma_wait3A_200, %dma_wait3A_201, %dma_wait3A_202] : memref<20x2x125xi32, #tpu.memory_space<vmem>> -> memref<1x1x125xi32, #tpu.memory_space<vmem>>
          %dma_wait3A_204 = tpu.memref_squeeze %dma_wait3A_203 : memref<1x1x125xi32, #tpu.memory_space<vmem>> -> memref<125xi32, #tpu.memory_space<vmem>>
          %dma_wait3A_205 = arith.constant 0 : i32
          %dma_wait3A_206 = arith.constant 0 : i32
          %dma_wait3A_207 = tpu.memref_slice %arg9[%dma_wait3A_205, %dma_wait3A_206] : memref<10000x128xf32, #tpu.memory_space<vmem_shared>> -> memref<10000x128xf32, #tpu.memory_space<vmem_shared>>
          tpu.wait_indirect_dma semaphore(%arg14 : memref<!tpu.dma_semaphore, #tpu.memory_space<semaphore_mem>>) src(%arg8 : memref<125x128xf32, #tpu.memory_space<vmem>>) dst(%dma_wait3A_207 : memref<10000x128xf32, #tpu.memory_space<vmem_shared>>)
        } else {
        }
        %add3A_152 = arith.constant 1 : i32
        %add3A_153 = arith.addi %mul3A_140, %add3A_152 : i32
        %dma_start3A_154 = arith.constant 0 : i32
        %dma_start3A_155 = arith.constant 0 : i32
        %dma_start3A_156 = tpu.memref_slice %arg6[%add3A_153, %dma_start3A_154, %dma_start3A_155] : memref<20x2x125xi32, #tpu.memory_space<vmem>> -> memref<1x1x125xi32, #tpu.memory_space<vmem>>
        %dma_start3A_157 = tpu.memref_squeeze %dma_start3A_156 : memref<1x1x125xi32, #tpu.memory_space<vmem>> -> memref<125xi32, #tpu.memory_space<vmem>>
        %dma_start3A_158 = arith.constant 0 : i32
        %dma_start3A_159 = arith.constant 0 : i32
        %dma_start3A_160 = tpu.memref_slice %arg3[%dma_start3A_158, %dma_start3A_159] : memref<10000x128xf32, #tpu.memory_space<hbm>> -> memref<10000x128xf32, #tpu.memory_space<hbm>>
        tpu.enqueue_indirect_dma source(%dma_start3A_160 : memref<10000x128xf32, #tpu.memory_space<hbm>>) target(%arg8 : memref<125x128xf32, #tpu.memory_space<vmem>>) offsets(%dma_start3A_157 : memref<125xi32, #tpu.memory_space<vmem>>) semaphore(%arg12 : memref<!tpu.dma_semaphore, #tpu.memory_space<semaphore_mem>>)
        %dma_start3A_161 = arith.constant 1 : i32
        %dma_start3A_162 = arith.constant 0 : i32
        %dma_start3A_163 = tpu.memref_slice %arg6[%mul3A_140, %dma_start3A_161, %dma_start3A_162] : memref<20x2x125xi32, #tpu.memory_space<vmem>> -> memref<1x1x125xi32, #tpu.memory_space<vmem>>
        %dma_start3A_164 = tpu.memref_squeeze %dma_start3A_163 : memref<1x1x125xi32, #tpu.memory_space<vmem>> -> memref<125xi32, #tpu.memory_space<vmem>>
        %dma_start3A_165 = arith.constant 0 : i32
        %dma_start3A_166 = arith.constant 0 : i32
        %dma_start3A_167 = tpu.memref_slice %arg9[%dma_start3A_165, %dma_start3A_166] : memref<10000x128xf32, #tpu.memory_space<vmem_shared>> -> memref<10000x128xf32, #tpu.memory_space<vmem_shared>>
        tpu.enqueue_indirect_dma source(%arg7 : memref<125x128xf32, #tpu.memory_space<vmem>>) target(%dma_start3A_167 : memref<10000x128xf32, #tpu.memory_space<vmem_shared>>) offsets(%dma_start3A_164 : memref<125xi32, #tpu.memory_space<vmem>>) semaphore(%arg13 : memref<!tpu.dma_semaphore, #tpu.memory_space<semaphore_mem>>) {add = true}
        %add3A_168 = arith.constant 1 : i32
        %add3A_169 = arith.addi %mul3A_140, %add3A_168 : i32
        %dma_wait3A_170 = arith.constant 0 : i32
        %dma_wait3A_171 = arith.constant 0 : i32
        %dma_wait3A_172 = tpu.memref_slice %arg6[%add3A_169, %dma_wait3A_170, %dma_wait3A_171] : memref<20x2x125xi32, #tpu.memory_space<vmem>> -> memref<1x1x125xi32, #tpu.memory_space<vmem>>
        %dma_wait3A_173 = tpu.memref_squeeze %dma_wait3A_172 : memref<1x1x125xi32, #tpu.memory_space<vmem>> -> memref<125xi32, #tpu.memory_space<vmem>>
        %dma_wait3A_174 = arith.constant 0 : i32
        %dma_wait3A_175 = arith.constant 0 : i32
        %dma_wait3A_176 = tpu.memref_slice %arg3[%dma_wait3A_174, %dma_wait3A_175] : memref<10000x128xf32, #tpu.memory_space<hbm>> -> memref<10000x128xf32, #tpu.memory_space<hbm>>
        tpu.wait_indirect_dma semaphore(%arg12 : memref<!tpu.dma_semaphore, #tpu.memory_space<semaphore_mem>>) src(%dma_wait3A_176 : memref<10000x128xf32, #tpu.memory_space<hbm>>) dst(%arg8 : memref<125x128xf32, #tpu.memory_space<vmem>>)
        %dma_wait3A_177 = arith.constant 1 : i32
        %dma_wait3A_178 = arith.constant 0 : i32
        %dma_wait3A_179 = tpu.memref_slice %arg6[%mul3A_140, %dma_wait3A_177, %dma_wait3A_178] : memref<20x2x125xi32, #tpu.memory_space<vmem>> -> memref<1x1x125xi32, #tpu.memory_space<vmem>>
        %dma_wait3A_180 = tpu.memref_squeeze %dma_wait3A_179 : memref<1x1x125xi32, #tpu.memory_space<vmem>> -> memref<125xi32, #tpu.memory_space<vmem>>
        %dma_wait3A_181 = arith.constant 0 : i32
        %dma_wait3A_182 = arith.constant 0 : i32
        %dma_wait3A_183 = tpu.memref_slice %arg9[%dma_wait3A_181, %dma_wait3A_182] : memref<10000x128xf32, #tpu.memory_space<vmem_shared>> -> memref<10000x128xf32, #tpu.memory_space<vmem_shared>>
        tpu.wait_indirect_dma semaphore(%arg13 : memref<!tpu.dma_semaphore, #tpu.memory_space<semaphore_mem>>) src(%arg7 : memref<125x128xf32, #tpu.memory_space<vmem>>) dst(%dma_wait3A_183 : memref<10000x128xf32, #tpu.memory_space<vmem_shared>>)
        %add3A_184 = arith.constant 2 : i32
        %add3A_185 = arith.addi %mul3A_140, %add3A_184 : i32
        %lt3A_186 = arith.constant 20 : i32
        %lt3A_187 = arith.cmpi slt, %add3A_185, %lt3A_186 : i32
        %convert_element_type3A_188 = arith.extui %lt3A_187 : i1 to i32
        %cond3A_189 = arith.constant 0 : i32
        %cond3A_190 = arith.cmpi ne, %convert_element_type3A_188, %cond3A_189 : i32
        scf.if %cond3A_190 {
          %add3A_200 = arith.constant 2 : i32
          %add3A_201 = arith.addi %mul3A_140, %add3A_200 : i32
          %dma_start3A_202 = arith.constant 0 : i32
          %dma_start3A_203 = arith.constant 0 : i32
          %dma_start3A_204 = tpu.memref_slice %arg6[%add3A_201, %dma_start3A_202, %dma_start3A_203] : memref<20x2x125xi32, #tpu.memory_space<vmem>> -> memref<1x1x125xi32, #tpu.memory_space<vmem>>
          %dma_start3A_205 = tpu.memref_squeeze %dma_start3A_204 : memref<1x1x125xi32, #tpu.memory_space<vmem>> -> memref<125xi32, #tpu.memory_space<vmem>>
          %dma_start3A_206 = arith.constant 0 : i32
          %dma_start3A_207 = arith.constant 0 : i32
          %dma_start3A_208 = tpu.memref_slice %arg3[%dma_start3A_206, %dma_start3A_207] : memref<10000x128xf32, #tpu.memory_space<hbm>> -> memref<10000x128xf32, #tpu.memory_space<hbm>>
          tpu.enqueue_indirect_dma source(%dma_start3A_208 : memref<10000x128xf32, #tpu.memory_space<hbm>>) target(%arg7 : memref<125x128xf32, #tpu.memory_space<vmem>>) offsets(%dma_start3A_205 : memref<125xi32, #tpu.memory_space<vmem>>) semaphore(%arg11 : memref<!tpu.dma_semaphore, #tpu.memory_space<semaphore_mem>>)
        } else {
        }
        %add3A_191 = arith.constant 1 : i32
        %add3A_192 = arith.addi %mul3A_140, %add3A_191 : i32
        %dma_start3A_193 = arith.constant 1 : i32
        %dma_start3A_194 = arith.constant 0 : i32
        %dma_start3A_195 = tpu.memref_slice %arg6[%add3A_192, %dma_start3A_193, %dma_start3A_194] : memref<20x2x125xi32, #tpu.memory_space<vmem>> -> memref<1x1x125xi32, #tpu.memory_space<vmem>>
        %dma_start3A_196 = tpu.memref_squeeze %dma_start3A_195 : memref<1x1x125xi32, #tpu.memory_space<vmem>> -> memref<125xi32, #tpu.memory_space<vmem>>
        %dma_start3A_197 = arith.constant 0 : i32
        %dma_start3A_198 = arith.constant 0 : i32
        %dma_start3A_199 = tpu.memref_slice %arg9[%dma_start3A_197, %dma_start3A_198] : memref<10000x128xf32, #tpu.memory_space<vmem_shared>> -> memref<10000x128xf32, #tpu.memory_space<vmem_shared>>
        tpu.enqueue_indirect_dma source(%arg8 : memref<125x128xf32, #tpu.memory_space<vmem>>) target(%dma_start3A_199 : memref<10000x128xf32, #tpu.memory_space<vmem_shared>>) offsets(%dma_start3A_196 : memref<125xi32, #tpu.memory_space<vmem>>) semaphore(%arg14 : memref<!tpu.dma_semaphore, #tpu.memory_space<semaphore_mem>>) {add = true}
      }
      %scan3A_133 = arith.constant 10 : i32
    }
    %scan3A_30 = arith.constant 2 : i32
    %dma_wait3A = arith.constant 1 : i32
    %dma_wait3A_31 = arith.constant 1 : i32
    %dma_wait3A_32 = arith.constant 0 : i32
    %dma_wait3A_33 = tpu.memref_slice %arg6[%dma_wait3A, %dma_wait3A_31, %dma_wait3A_32] : memref<20x2x125xi32, #tpu.memory_space<vmem>> -> memref<1x1x125xi32, #tpu.memory_space<vmem>>
    %dma_wait3A_34 = tpu.memref_squeeze %dma_wait3A_33 : memref<1x1x125xi32, #tpu.memory_space<vmem>> -> memref<125xi32, #tpu.memory_space<vmem>>
    %dma_wait3A_35 = arith.constant 0 : i32
    %dma_wait3A_36 = arith.constant 0 : i32
    %dma_wait3A_37 = tpu.memref_slice %arg9[%dma_wait3A_35, %dma_wait3A_36] : memref<10000x128xf32, #tpu.memory_space<vmem_shared>> -> memref<10000x128xf32, #tpu.memory_space<vmem_shared>>
    tpu.wait_indirect_dma semaphore(%arg14 : memref<!tpu.dma_semaphore, #tpu.memory_space<semaphore_mem>>) src(%arg8 : memref<125x128xf32, #tpu.memory_space<vmem>>) dst(%dma_wait3A_37 : memref<10000x128xf32, #tpu.memory_space<vmem_shared>>)
    %barrier3A_38 = arith.constant 0 : index
    tpu.barrier barrier_id(%barrier3A_38)
    %lt3A = arith.constant 15 : i32
    %lt3A_39 = arith.cmpi slt, %arg1, %lt3A : i32
    %convert_element_type3A_40 = arith.extui %lt3A_39 : i1 to i32
    %cond3A_41 = arith.constant 0 : i32
    %cond3A_42 = arith.cmpi ne, %convert_element_type3A_40, %cond3A_41 : i32
    scf.if %cond3A_42 {
      %mul3A_48 = arith.constant 624 : i32
      %mul3A_49 = arith.muli %arg1, %mul3A_48 : i32
      %mul3A_50 = arith.constant 624 : i32
      %mul3A_51 = arith.muli %arg1, %mul3A_50 : i32
      "tpu.region"() ({
        %run_scoped3A = tpu.sem_alloc : memref<!tpu.dma_semaphore, #tpu.memory_space<semaphore_mem>>
        %dma_start3A_52 = arith.constant 0 : i32
        %dma_start3A_53 = tpu.memref_slice %arg4[%arg0, %mul3A_51, %dma_start3A_52] : memref<2x10000x128xf32, #tpu.memory_space<hbm>> -> memref<1x624x128xf32, #tpu.memory_space<hbm>>
        %dma_start3A_54 = tpu.memref_squeeze %dma_start3A_53 : memref<1x624x128xf32, #tpu.memory_space<hbm>> -> memref<624x128xf32, #tpu.memory_space<hbm>>
        %dma_start3A_55 = arith.constant 0 : i32
        %dma_start3A_56 = tpu.memref_slice %arg9[%mul3A_49, %dma_start3A_55] : memref<10000x128xf32, #tpu.memory_space<vmem_shared>> -> memref<624x128xf32, #tpu.memory_space<vmem_shared>>
        tpu.enqueue_dma source(%dma_start3A_56 : memref<624x128xf32, #tpu.memory_space<vmem_shared>>) target(%dma_start3A_54 : memref<624x128xf32, #tpu.memory_space<hbm>>) target_semaphore(%run_scoped3A : memref<!tpu.dma_semaphore, #tpu.memory_space<semaphore_mem>>)
        %dma_wait3A_57 = arith.constant 0 : i32
        %dma_wait3A_58 = tpu.memref_slice %arg4[%arg0, %mul3A_51, %dma_wait3A_57] : memref<2x10000x128xf32, #tpu.memory_space<hbm>> -> memref<1x624x128xf32, #tpu.memory_space<hbm>>
        %dma_wait3A_59 = tpu.memref_squeeze %dma_wait3A_58 : memref<1x624x128xf32, #tpu.memory_space<hbm>> -> memref<624x128xf32, #tpu.memory_space<hbm>>
        %dma_wait3A_60 = arith.constant 0 : i32
        %dma_wait3A_61 = tpu.memref_slice %arg9[%mul3A_49, %dma_wait3A_60] : memref<10000x128xf32, #tpu.memory_space<vmem_shared>> -> memref<624x128xf32, #tpu.memory_space<vmem_shared>>
        tpu.wait_dma2 semaphore(%run_scoped3A : memref<!tpu.dma_semaphore, #tpu.memory_space<semaphore_mem>>) src(%dma_wait3A_61 : memref<624x128xf32, #tpu.memory_space<vmem_shared>>) dst(%dma_wait3A_59 : memref<624x128xf32, #tpu.memory_space<hbm>>)
        tpu.yield
      }) : () -> ()
    } else {
    }
    %eq3A_43 = arith.constant 15 : i32
    %eq3A_44 = arith.cmpi eq, %arg1, %eq3A_43 : i32
    %convert_element_type3A_45 = arith.extui %eq3A_44 : i1 to i32
    %cond3A_46 = arith.constant 0 : i32
    %cond3A_47 = arith.cmpi ne, %convert_element_type3A_45, %cond3A_46 : i32
    scf.if %cond3A_47 {
      "tpu.region"() ({
        %run_scoped3A = tpu.sem_alloc : memref<!tpu.dma_semaphore, #tpu.memory_space<semaphore_mem>>
        %dma_start3A_48 = arith.constant 9360 : i32
        %dma_start3A_49 = arith.constant 0 : i32
        %dma_start3A_50 = tpu.memref_slice %arg4[%arg0, %dma_start3A_48, %dma_start3A_49] : memref<2x10000x128xf32, #tpu.memory_space<hbm>> -> memref<1x640x128xf32, #tpu.memory_space<hbm>>
        %dma_start3A_51 = tpu.memref_squeeze %dma_start3A_50 : memref<1x640x128xf32, #tpu.memory_space<hbm>> -> memref<640x128xf32, #tpu.memory_space<hbm>>
        %dma_start3A_52 = arith.constant 9360 : i32
        %dma_start3A_53 = arith.constant 0 : i32
        %dma_start3A_54 = tpu.memref_slice %arg9[%dma_start3A_52, %dma_start3A_53] : memref<10000x128xf32, #tpu.memory_space<vmem_shared>> -> memref<640x128xf32, #tpu.memory_space<vmem_shared>>
        tpu.enqueue_dma source(%dma_start3A_54 : memref<640x128xf32, #tpu.memory_space<vmem_shared>>) target(%dma_start3A_51 : memref<640x128xf32, #tpu.memory_space<hbm>>) target_semaphore(%run_scoped3A : memref<!tpu.dma_semaphore, #tpu.memory_space<semaphore_mem>>)
        %dma_wait3A_55 = arith.constant 9360 : i32
        %dma_wait3A_56 = arith.constant 0 : i32
        %dma_wait3A_57 = tpu.memref_slice %arg4[%arg0, %dma_wait3A_55, %dma_wait3A_56] : memref<2x10000x128xf32, #tpu.memory_space<hbm>> -> memref<1x640x128xf32, #tpu.memory_space<hbm>>
        %dma_wait3A_58 = tpu.memref_squeeze %dma_wait3A_57 : memref<1x640x128xf32, #tpu.memory_space<hbm>> -> memref<640x128xf32, #tpu.memory_space<hbm>>
        %dma_wait3A_59 = arith.constant 9360 : i32
        %dma_wait3A_60 = arith.constant 0 : i32
        %dma_wait3A_61 = tpu.memref_slice %arg9[%dma_wait3A_59, %dma_wait3A_60] : memref<10000x128xf32, #tpu.memory_space<vmem_shared>> -> memref<640x128xf32, #tpu.memory_space<vmem_shared>>
        tpu.wait_dma2 semaphore(%run_scoped3A : memref<!tpu.dma_semaphore, #tpu.memory_space<semaphore_mem>>) src(%dma_wait3A_61 : memref<640x128xf32, #tpu.memory_space<vmem_shared>>) dst(%dma_wait3A_58 : memref<640x128xf32, #tpu.memory_space<hbm>>)
        tpu.yield
      }) : () -> ()
    } else {
    }
    return
  }
}

#map = affine_map<(d0, d1) -> (0, 0)>
module attributes {stable_mosaic.version = 14 : i64} {
  func.func @_sc_degree(%arg0: i32, %arg1: i32, %arg2: memref<32x10000xi32, #tpu.memory_space<hbm>>, %arg3: memref<32x10000xf32, #tpu.memory_space<hbm>>, %arg4: memref<10000xi32, #tpu.memory_space<vmem>>, %arg5: memref<10000xf32, #tpu.memory_space<vmem>>, %arg6: memref<!tpu.dma_semaphore, #tpu.memory_space<semaphore_mem>>) attributes {dimension_semantics = [#tpu.dimension_semantics<core_parallel>, #tpu.dimension_semantics<subcore_parallel>], iteration_bounds = array<i64: 2, 16>, scalar_prefetch = 0 : i64, scratch_operands = 3 : i64, tpu.core_type = #tpu.core_type<sc_vector_subcore>, window_params = [{transform_indices = #map}, {transform_indices = #map}]} {
    %mul3A = arith.constant 16 : i32
    %mul3A_0 = arith.muli %arg0, %mul3A : i32
    %add3A = arith.addi %mul3A_0, %arg1 : i32
    %dma_start3A = arith.constant 0 : i32
    %dma_start3A_1 = tpu.memref_slice %arg2[%add3A, %dma_start3A] : memref<32x10000xi32, #tpu.memory_space<hbm>> -> memref<1x10000xi32, #tpu.memory_space<hbm>>
    %dma_start3A_2 = tpu.memref_squeeze %dma_start3A_1 : memref<1x10000xi32, #tpu.memory_space<hbm>> -> memref<10000xi32, #tpu.memory_space<hbm>>
    %dma_start3A_3 = arith.constant 0 : i32
    %dma_start3A_4 = tpu.memref_slice %arg2[%add3A, %dma_start3A_3] : memref<32x10000xi32, #tpu.memory_space<hbm>> -> memref<1x10000xi32, #tpu.memory_space<hbm>>
    %dma_start3A_5 = tpu.memref_squeeze %dma_start3A_4 : memref<1x10000xi32, #tpu.memory_space<hbm>> -> memref<10000xi32, #tpu.memory_space<hbm>>
    tpu.enqueue_dma source(%dma_start3A_5 : memref<10000xi32, #tpu.memory_space<hbm>>) target(%arg4 : memref<10000xi32, #tpu.memory_space<vmem>>) target_semaphore(%arg6 : memref<!tpu.dma_semaphore, #tpu.memory_space<semaphore_mem>>)
    %broadcast_in_dim3A = arith.constant 0.000000e+00 : f32
    %broadcast_in_dim3A_6 = vector.broadcast %broadcast_in_dim3A : f32 to vector<16xf32>
    %scan3A = arith.constant 0 : i32
    %scan3A_7 = arith.constant 625 : i32
    %scan3A_8 = arith.addi %scan3A, %scan3A_7 : i32
    %scan3A_9 = arith.constant 1 : i32
    scf.for %scan3A_23 = %scan3A to %scan3A_8 step %scan3A_9  : i32 {
      %mul3A_24 = arith.constant 1 : i32
      %mul3A_25 = arith.muli %scan3A_23, %mul3A_24 : i32
      %add3A_26 = arith.constant 0 : i32
      %add3A_27 = arith.addi %add3A_26, %mul3A_25 : i32
      %mul3A_28 = arith.constant 16 : i32
      %mul3A_29 = arith.muli %add3A_27, %mul3A_28 : i32
      %swap3A = arith.index_cast %mul3A_29 : i32 to index
      %swap3A_30 = tpu.vector_load %arg5[%swap3A] {strides = array<i32>} : memref<10000xf32, #tpu.memory_space<vmem>>, vector<16xf32>,
      tpu.vector_store %arg5[%swap3A], %broadcast_in_dim3A_6 {strides = array<i32>} : memref<10000xf32, #tpu.memory_space<vmem>>, vector<16xf32>,
    }
    %scan3A_10 = arith.constant 625 : i32
    %dma_wait3A = arith.constant 0 : i32
    %dma_wait3A_11 = tpu.memref_slice %arg2[%add3A, %dma_wait3A] : memref<32x10000xi32, #tpu.memory_space<hbm>> -> memref<1x10000xi32, #tpu.memory_space<hbm>>
    %dma_wait3A_12 = tpu.memref_squeeze %dma_wait3A_11 : memref<1x10000xi32, #tpu.memory_space<hbm>> -> memref<10000xi32, #tpu.memory_space<hbm>>
    %dma_wait3A_13 = arith.constant 0 : i32
    %dma_wait3A_14 = tpu.memref_slice %arg2[%add3A, %dma_wait3A_13] : memref<32x10000xi32, #tpu.memory_space<hbm>> -> memref<1x10000xi32, #tpu.memory_space<hbm>>
    %dma_wait3A_15 = tpu.memref_squeeze %dma_wait3A_14 : memref<1x10000xi32, #tpu.memory_space<hbm>> -> memref<10000xi32, #tpu.memory_space<hbm>>
    tpu.wait_dma2 semaphore(%arg6 : memref<!tpu.dma_semaphore, #tpu.memory_space<semaphore_mem>>) src(%dma_wait3A_15 : memref<10000xi32, #tpu.memory_space<hbm>>) dst(%arg4 : memref<10000xi32, #tpu.memory_space<vmem>>)
    %broadcast_in_dim3A_16 = arith.constant 1.000000e+00 : f32
    %broadcast_in_dim3A_17 = vector.broadcast %broadcast_in_dim3A_16 : f32 to vector<16xf32>
    %scan3A_18 = arith.constant 0 : i32
    %scan3A_19 = arith.constant 625 : i32
    %scan3A_20 = arith.addi %scan3A_18, %scan3A_19 : i32
    %scan3A_21 = arith.constant 1 : i32
    scf.for %scan3A_23 = %scan3A_18 to %scan3A_20 step %scan3A_21  : i32 {
      %mul3A_24 = arith.constant 1 : i32
      %mul3A_25 = arith.muli %scan3A_23, %mul3A_24 : i32
      %add3A_26 = arith.constant 0 : i32
      %add3A_27 = arith.addi %add3A_26, %mul3A_25 : i32
      %mul3A_28 = arith.constant 16 : i32
      %mul3A_29 = arith.muli %add3A_27, %mul3A_28 : i32
      %get3A = arith.index_cast %mul3A_29 : i32 to index
      %get3A_30 = tpu.vector_load %arg4[%get3A] {strides = array<i32>} : memref<10000xi32, #tpu.memory_space<vmem>>, vector<16xi32>,
      tpu.vector_store_idx %arg5[%get3A_30], %broadcast_in_dim3A_17 {add = true} : memref<10000xf32, #tpu.memory_space<vmem>>[vector<16xi32>], vector<16xf32>,
    }
    %scan3A_22 = arith.constant 625 : i32
    "tpu.region"() ({
      %run_scoped3A = tpu.sem_alloc : memref<!tpu.dma_semaphore, #tpu.memory_space<semaphore_mem>>
      %dma_start3A_23 = arith.constant 0 : i32
      %dma_start3A_24 = tpu.memref_slice %arg3[%add3A, %dma_start3A_23] : memref<32x10000xf32, #tpu.memory_space<hbm>> -> memref<1x10000xf32, #tpu.memory_space<hbm>>
      %dma_start3A_25 = tpu.memref_squeeze %dma_start3A_24 : memref<1x10000xf32, #tpu.memory_space<hbm>> -> memref<10000xf32, #tpu.memory_space<hbm>>
      %dma_start3A_26 = arith.constant 0 : i32
      %dma_start3A_27 = tpu.memref_slice %arg3[%add3A, %dma_start3A_26] : memref<32x10000xf32, #tpu.memory_space<hbm>> -> memref<1x10000xf32, #tpu.memory_space<hbm>>
      %dma_start3A_28 = tpu.memref_squeeze %dma_start3A_27 : memref<1x10000xf32, #tpu.memory_space<hbm>> -> memref<10000xf32, #tpu.memory_space<hbm>>
      tpu.enqueue_dma source(%arg5 : memref<10000xf32, #tpu.memory_space<vmem>>) target(%dma_start3A_28 : memref<10000xf32, #tpu.memory_space<hbm>>) target_semaphore(%run_scoped3A : memref<!tpu.dma_semaphore, #tpu.memory_space<semaphore_mem>>)
      %dma_wait3A_29 = arith.constant 0 : i32
      %dma_wait3A_30 = tpu.memref_slice %arg3[%add3A, %dma_wait3A_29] : memref<32x10000xf32, #tpu.memory_space<hbm>> -> memref<1x10000xf32, #tpu.memory_space<hbm>>
      %dma_wait3A_31 = tpu.memref_squeeze %dma_wait3A_30 : memref<1x10000xf32, #tpu.memory_space<hbm>> -> memref<10000xf32, #tpu.memory_space<hbm>>
      %dma_wait3A_32 = arith.constant 0 : i32
      %dma_wait3A_33 = tpu.memref_slice %arg3[%add3A, %dma_wait3A_32] : memref<32x10000xf32, #tpu.memory_space<hbm>> -> memref<1x10000xf32, #tpu.memory_space<hbm>>
      %dma_wait3A_34 = tpu.memref_squeeze %dma_wait3A_33 : memref<1x10000xf32, #tpu.memory_space<hbm>> -> memref<10000xf32, #tpu.memory_space<hbm>>
      tpu.wait_dma2 semaphore(%run_scoped3A : memref<!tpu.dma_semaphore, #tpu.memory_space<semaphore_mem>>) src(%arg5 : memref<10000xf32, #tpu.memory_space<vmem>>) dst(%dma_wait3A_34 : memref<10000xf32, #tpu.memory_space<hbm>>)
      tpu.yield
    }) : () -> ()
    return
  }
}

#map = affine_map<(d0, d1) -> (0, 0, 0, 0)>
#map1 = affine_map<(d0, d1) -> (0, 0)>
#map2 = affine_map<(d0, d1) -> (0, 0, 0)>
module attributes {stable_mosaic.version = 14 : i64} {
  func.func @_sc_edge_accum(%arg0: i32, %arg1: i32, %arg2: memref<32x80x2x125xi32, #tpu.memory_space<hbm>>, %arg3: memref<10000x128xf32, #tpu.memory_space<hbm>>, %arg4: memref<2x10000x128xf32, #tpu.memory_space<hbm>>, %arg5: memref<20x2x125xi32, #tpu.memory_space<vmem>>, %arg6: memref<20x2x125xi32, #tpu.memory_space<vmem>>, %arg7: memref<125x128xf32, #tpu.memory_space<vmem>>, %arg8: memref<125x128xf32, #tpu.memory_space<vmem>>, %arg9: memref<10000x128xf32, #tpu.memory_space<vmem_shared>>, %arg10: memref<!tpu.dma_semaphore, #tpu.memory_space<semaphore_mem>>, %arg11: memref<!tpu.dma_semaphore, #tpu.memory_space<semaphore_mem>>, %arg12: memref<!tpu.dma_semaphore, #tpu.memory_space<semaphore_mem>>, %arg13: memref<!tpu.dma_semaphore, #tpu.memory_space<semaphore_mem>>, %arg14: memref<!tpu.dma_semaphore, #tpu.memory_space<semaphore_mem>>) attributes {dimension_semantics = [#tpu.dimension_semantics<core_parallel>, #tpu.dimension_semantics<subcore_parallel>], iteration_bounds = array<i64: 2, 16>, scalar_prefetch = 0 : i64, scratch_operands = 10 : i64, tpu.core_type = #tpu.core_type<sc_vector_subcore>, window_params = [{transform_indices = #map}, {transform_indices = #map1}, {transform_indices = #map2}]} {
    %mul3A = arith.constant 16 : i32
    %mul3A_0 = arith.muli %arg0, %mul3A : i32
    %add3A = arith.addi %mul3A_0, %arg1 : i32
    %dma_start3A = arith.constant 0 : i32
    %dma_start3A_1 = arith.constant 0 : i32
    %dma_start3A_2 = arith.constant 0 : i32
    %dma_start3A_3 = tpu.memref_slice %arg2[%add3A, %dma_start3A, %dma_start3A_1, %dma_start3A_2] : memref<32x80x2x125xi32, #tpu.memory_space<hbm>> -> memref<1x20x2x125xi32, #tpu.memory_space<hbm>>
    %dma_start3A_4 = tpu.memref_squeeze %dma_start3A_3 : memref<1x20x2x125xi32, #tpu.memory_space<hbm>> -> memref<20x2x125xi32, #tpu.memory_space<hbm>>
    %dma_start3A_5 = arith.constant 0 : i32
    %dma_start3A_6 = arith.constant 0 : i32
    %dma_start3A_7 = arith.constant 0 : i32
    %dma_start3A_8 = tpu.memref_slice %arg2[%add3A, %dma_start3A_5, %dma_start3A_6, %dma_start3A_7] : memref<32x80x2x125xi32, #tpu.memory_space<hbm>> -> memref<1x20x2x125xi32, #tpu.memory_space<hbm>>
    %dma_start3A_9 = tpu.memref_squeeze %dma_start3A_8 : memref<1x20x2x125xi32, #tpu.memory_space<hbm>> -> memref<20x2x125xi32, #tpu.memory_space<hbm>>
    tpu.enqueue_dma source(%dma_start3A_9 : memref<20x2x125xi32, #tpu.memory_space<hbm>>) target(%arg5 : memref<20x2x125xi32, #tpu.memory_space<vmem>>) target_semaphore(%arg10 : memref<!tpu.dma_semaphore, #tpu.memory_space<semaphore_mem>>)
    %broadcast_in_dim3A = arith.constant 0.000000e+00 : f32
    %broadcast_in_dim3A_10 = vector.broadcast %broadcast_in_dim3A : f32 to vector<16xf32>
    %scan3A = arith.constant 0 : i32
    %scan3A_11 = arith.constant 40 : i32
    %scan3A_12 = arith.addi %scan3A, %scan3A_11 : i32
    %scan3A_13 = arith.constant 1 : i32
    scf.for %scan3A_48 = %scan3A to %scan3A_12 step %scan3A_13  : i32 {
      %mul3A_49 = arith.constant 1 : i32
      %mul3A_50 = arith.muli %scan3A_48, %mul3A_49 : i32
      %add3A_51 = arith.constant 0 : i32
      %add3A_52 = arith.addi %add3A_51, %mul3A_50 : i32
      %scan3A_53 = arith.constant 0 : i32
      %scan3A_54 = arith.constant 8 : i32
      %scan3A_55 = arith.addi %scan3A_53, %scan3A_54 : i32
      %scan3A_56 = arith.constant 1 : i32
      scf.for %scan3A_58 = %scan3A_53 to %scan3A_55 step %scan3A_56  : i32 {
        %mul3A_59 = arith.constant 1 : i32
        %mul3A_60 = arith.muli %scan3A_58, %mul3A_59 : i32
        %add3A_61 = arith.constant 0 : i32
        %add3A_62 = arith.addi %add3A_61, %mul3A_60 : i32
        %mul3A_63 = arith.constant 16 : i32
        %mul3A_64 = arith.muli %add3A_62, %mul3A_63 : i32
        %swap3A = arith.index_cast %add3A_52 : i32 to index
        %swap3A_65 = arith.index_cast %mul3A_64 : i32 to index
        %swap3A_66 = tpu.vector_load %arg7[%swap3A, %swap3A_65] {strides = array<i32>} : memref<125x128xf32, #tpu.memory_space<vmem>>, vector<16xf32>,
        tpu.vector_store %arg7[%swap3A, %swap3A_65], %broadcast_in_dim3A_10 {strides = array<i32>} : memref<125x128xf32, #tpu.memory_space<vmem>>, vector<16xf32>,
      }
      %scan3A_57 = arith.constant 8 : i32
    }
    %scan3A_14 = arith.constant 40 : i32
    %scan3A_15 = arith.constant 0 : i32
    %scan3A_16 = arith.constant 15 : i32
    %scan3A_17 = arith.addi %scan3A_15, %scan3A_16 : i32
    %scan3A_18 = arith.constant 1 : i32
    scf.for %scan3A_48 = %scan3A_15 to %scan3A_17 step %scan3A_18  : i32 {
      %mul3A_49 = arith.constant 1 : i32
      %mul3A_50 = arith.muli %scan3A_48, %mul3A_49 : i32
      %add3A_51 = arith.constant 0 : i32
      %add3A_52 = arith.addi %add3A_51, %mul3A_50 : i32
      %mul3A_53 = arith.constant 624 : i32
      %mul3A_54 = arith.muli %arg1, %mul3A_53 : i32
      %mul3A_55 = arith.constant 40 : i32
      %mul3A_56 = arith.muli %add3A_52, %mul3A_55 : i32
      %add3A_57 = arith.addi %mul3A_54, %mul3A_56 : i32
      "tpu.region"() ({
        %run_scoped3A = tpu.sem_alloc : memref<!tpu.dma_semaphore, #tpu.memory_space<semaphore_mem>>
        %dma_start3A_58 = arith.constant 0 : i32
        %dma_start3A_59 = arith.constant 0 : i32
        %dma_start3A_60 = tpu.memref_slice %arg7[%dma_start3A_58, %dma_start3A_59] : memref<125x128xf32, #tpu.memory_space<vmem>> -> memref<40x128xf32, #tpu.memory_space<vmem>>
        %dma_start3A_61 = arith.constant 0 : i32
        %dma_start3A_62 = tpu.memref_slice %arg9[%add3A_57, %dma_start3A_61] : memref<10000x128xf32, #tpu.memory_space<vmem_shared>> -> memref<40x128xf32, #tpu.memory_space<vmem_shared>>
        %dma_start3A_63 = arith.constant 0 : i32
        %dma_start3A_64 = tpu.memref_slice %arg9[%add3A_57, %dma_start3A_63] : memref<10000x128xf32, #tpu.memory_space<vmem_shared>> -> memref<40x128xf32, #tpu.memory_space<vmem_shared>>
        %dma_start3A_65 = arith.constant 0 : i32
        %dma_start3A_66 = arith.constant 0 : i32
        %dma_start3A_67 = tpu.memref_slice %arg7[%dma_start3A_65, %dma_start3A_66] : memref<125x128xf32, #tpu.memory_space<vmem>> -> memref<40x128xf32, #tpu.memory_space<vmem>>
        tpu.enqueue_dma source(%dma_start3A_67 : memref<40x128xf32, #tpu.memory_space<vmem>>) target(%dma_start3A_64 : memref<40x128xf32, #tpu.memory_space<vmem_shared>>) target_semaphore(%run_scoped3A : memref<!tpu.dma_semaphore, #tpu.memory_space<semaphore_mem>>)
        %dma_wait3A_68 = arith.constant 0 : i32
        %dma_wait3A_69 = arith.constant 0 : i32
        %dma_wait3A_70 = tpu.memref_slice %arg7[%dma_wait3A_68, %dma_wait3A_69] : memref<125x128xf32, #tpu.memory_space<vmem>> -> memref<40x128xf32, #tpu.memory_space<vmem>>
        %dma_wait3A_71 = arith.constant 0 : i32
        %dma_wait3A_72 = tpu.memref_slice %arg9[%add3A_57, %dma_wait3A_71] : memref<10000x128xf32, #tpu.memory_space<vmem_shared>> -> memref<40x128xf32, #tpu.memory_space<vmem_shared>>
        %dma_wait3A_73 = arith.constant 0 : i32
        %dma_wait3A_74 = tpu.memref_slice %arg9[%add3A_57, %dma_wait3A_73] : memref<10000x128xf32, #tpu.memory_space<vmem_shared>> -> memref<40x128xf32, #tpu.memory_space<vmem_shared>>
        %dma_wait3A_75 = arith.constant 0 : i32
        %dma_wait3A_76 = arith.constant 0 : i32
        %dma_wait3A_77 = tpu.memref_slice %arg7[%dma_wait3A_75, %dma_wait3A_76] : memref<125x128xf32, #tpu.memory_space<vmem>> -> memref<40x128xf32, #tpu.memory_space<vmem>>
        tpu.wait_dma2 semaphore(%run_scoped3A : memref<!tpu.dma_semaphore, #tpu.memory_space<semaphore_mem>>) src(%dma_wait3A_77 : memref<40x128xf32, #tpu.memory_space<vmem>>) dst(%dma_wait3A_74 : memref<40x128xf32, #tpu.memory_space<vmem_shared>>)
        tpu.yield
      }) : () -> ()
    }
    %scan3A_19 = arith.constant 15 : i32
    %mul3A_20 = arith.constant 624 : i32
    %mul3A_21 = arith.muli %arg1, %mul3A_20 : i32
    %add3A_22 = arith.constant 600 : i32
    %add3A_23 = arith.addi %mul3A_21, %add3A_22 : i32
    "tpu.region"() ({
      %run_scoped3A = tpu.sem_alloc : memref<!tpu.dma_semaphore, #tpu.memory_space<semaphore_mem>>
      %dma_start3A_48 = arith.constant 0 : i32
      %dma_start3A_49 = arith.constant 0 : i32
      %dma_start3A_50 = tpu.memref_slice %arg7[%dma_start3A_48, %dma_start3A_49] : memref<125x128xf32, #tpu.memory_space<vmem>> -> memref<24x128xf32, #tpu.memory_space<vmem>>
      %dma_start3A_51 = arith.constant 0 : i32
      %dma_start3A_52 = tpu.memref_slice %arg9[%add3A_23, %dma_start3A_51] : memref<10000x128xf32, #tpu.memory_space<vmem_shared>> -> memref<24x128xf32, #tpu.memory_space<vmem_shared>>
      %dma_start3A_53 = arith.constant 0 : i32
      %dma_start3A_54 = tpu.memref_slice %arg9[%add3A_23, %dma_start3A_53] : memref<10000x128xf32, #tpu.memory_space<vmem_shared>> -> memref<24x128xf32, #tpu.memory_space<vmem_shared>>
      %dma_start3A_55 = arith.constant 0 : i32
      %dma_start3A_56 = arith.constant 0 : i32
      %dma_start3A_57 = tpu.memref_slice %arg7[%dma_start3A_55, %dma_start3A_56] : memref<125x128xf32, #tpu.memory_space<vmem>> -> memref<24x128xf32, #tpu.memory_space<vmem>>
      tpu.enqueue_dma source(%dma_start3A_57 : memref<24x128xf32, #tpu.memory_space<vmem>>) target(%dma_start3A_54 : memref<24x128xf32, #tpu.memory_space<vmem_shared>>) target_semaphore(%run_scoped3A : memref<!tpu.dma_semaphore, #tpu.memory_space<semaphore_mem>>)
      %dma_wait3A_58 = arith.constant 0 : i32
      %dma_wait3A_59 = arith.constant 0 : i32
      %dma_wait3A_60 = tpu.memref_slice %arg7[%dma_wait3A_58, %dma_wait3A_59] : memref<125x128xf32, #tpu.memory_space<vmem>> -> memref<24x128xf32, #tpu.memory_space<vmem>>
      %dma_wait3A_61 = arith.constant 0 : i32
      %dma_wait3A_62 = tpu.memref_slice %arg9[%add3A_23, %dma_wait3A_61] : memref<10000x128xf32, #tpu.memory_space<vmem_shared>> -> memref<24x128xf32, #tpu.memory_space<vmem_shared>>
      %dma_wait3A_63 = arith.constant 0 : i32
      %dma_wait3A_64 = tpu.memref_slice %arg9[%add3A_23, %dma_wait3A_63] : memref<10000x128xf32, #tpu.memory_space<vmem_shared>> -> memref<24x128xf32, #tpu.memory_space<vmem_shared>>
      %dma_wait3A_65 = arith.constant 0 : i32
      %dma_wait3A_66 = arith.constant 0 : i32
      %dma_wait3A_67 = tpu.memref_slice %arg7[%dma_wait3A_65, %dma_wait3A_66] : memref<125x128xf32, #tpu.memory_space<vmem>> -> memref<24x128xf32, #tpu.memory_space<vmem>>
      tpu.wait_dma2 semaphore(%run_scoped3A : memref<!tpu.dma_semaphore, #tpu.memory_space<semaphore_mem>>) src(%dma_wait3A_67 : memref<24x128xf32, #tpu.memory_space<vmem>>) dst(%dma_wait3A_64 : memref<24x128xf32, #tpu.memory_space<vmem_shared>>)
      tpu.yield
    }) : () -> ()
    %eq3A = arith.constant 15 : i32
    %eq3A_24 = arith.cmpi eq, %arg1, %eq3A : i32
    %convert_element_type3A = arith.extui %eq3A_24 : i1 to i32
    %cond3A = arith.constant 0 : i32
    %cond3A_25 = arith.cmpi ne, %convert_element_type3A, %cond3A : i32
    scf.if %cond3A_25 {
      "tpu.region"() ({
        %run_scoped3A = tpu.sem_alloc : memref<!tpu.dma_semaphore, #tpu.memory_space<semaphore_mem>>
        %dma_start3A_48 = arith.constant 0 : i32
        %dma_start3A_49 = arith.constant 0 : i32
        %dma_start3A_50 = tpu.memref_slice %arg7[%dma_start3A_48, %dma_start3A_49] : memref<125x128xf32, #tpu.memory_space<vmem>> -> memref<16x128xf32, #tpu.memory_space<vmem>>
        %dma_start3A_51 = arith.constant 9984 : i32
        %dma_start3A_52 = arith.constant 0 : i32
        %dma_start3A_53 = tpu.memref_slice %arg9[%dma_start3A_51, %dma_start3A_52] : memref<10000x128xf32, #tpu.memory_space<vmem_shared>> -> memref<16x128xf32, #tpu.memory_space<vmem_shared>>
        %dma_start3A_54 = arith.constant 9984 : i32
        %dma_start3A_55 = arith.constant 0 : i32
        %dma_start3A_56 = tpu.memref_slice %arg9[%dma_start3A_54, %dma_start3A_55] : memref<10000x128xf32, #tpu.memory_space<vmem_shared>> -> memref<16x128xf32, #tpu.memory_space<vmem_shared>>
        %dma_start3A_57 = arith.constant 0 : i32
        %dma_start3A_58 = arith.constant 0 : i32
        %dma_start3A_59 = tpu.memref_slice %arg7[%dma_start3A_57, %dma_start3A_58] : memref<125x128xf32, #tpu.memory_space<vmem>> -> memref<16x128xf32, #tpu.memory_space<vmem>>
        tpu.enqueue_dma source(%dma_start3A_59 : memref<16x128xf32, #tpu.memory_space<vmem>>) target(%dma_start3A_56 : memref<16x128xf32, #tpu.memory_space<vmem_shared>>) target_semaphore(%run_scoped3A : memref<!tpu.dma_semaphore, #tpu.memory_space<semaphore_mem>>)
        %dma_wait3A_60 = arith.constant 0 : i32
        %dma_wait3A_61 = arith.constant 0 : i32
        %dma_wait3A_62 = tpu.memref_slice %arg7[%dma_wait3A_60, %dma_wait3A_61] : memref<125x128xf32, #tpu.memory_space<vmem>> -> memref<16x128xf32, #tpu.memory_space<vmem>>
        %dma_wait3A_63 = arith.constant 9984 : i32
        %dma_wait3A_64 = arith.constant 0 : i32
        %dma_wait3A_65 = tpu.memref_slice %arg9[%dma_wait3A_63, %dma_wait3A_64] : memref<10000x128xf32, #tpu.memory_space<vmem_shared>> -> memref<16x128xf32, #tpu.memory_space<vmem_shared>>
        %dma_wait3A_66 = arith.constant 9984 : i32
        %dma_wait3A_67 = arith.constant 0 : i32
        %dma_wait3A_68 = tpu.memref_slice %arg9[%dma_wait3A_66, %dma_wait3A_67] : memref<10000x128xf32, #tpu.memory_space<vmem_shared>> -> memref<16x128xf32, #tpu.memory_space<vmem_shared>>
        %dma_wait3A_69 = arith.constant 0 : i32
        %dma_wait3A_70 = arith.constant 0 : i32
        %dma_wait3A_71 = tpu.memref_slice %arg7[%dma_wait3A_69, %dma_wait3A_70] : memref<125x128xf32, #tpu.memory_space<vmem>> -> memref<16x128xf32, #tpu.memory_space<vmem>>
        tpu.wait_dma2 semaphore(%run_scoped3A : memref<!tpu.dma_semaphore, #tpu.memory_space<semaphore_mem>>) src(%dma_wait3A_71 : memref<16x128xf32, #tpu.memory_space<vmem>>) dst(%dma_wait3A_68 : memref<16x128xf32, #tpu.memory_space<vmem_shared>>)
        tpu.yield
      }) : () -> ()
    } else {
    }
    %barrier3A = arith.constant 0 : index
    tpu.barrier barrier_id(%barrier3A)
    %scan3A_26 = arith.constant 0 : i32
    %scan3A_27 = arith.constant 2 : i32
    %scan3A_28 = arith.addi %scan3A_26, %scan3A_27 : i32
    %scan3A_29 = arith.constant 1 : i32
    scf.for %scan3A_48 = %scan3A_26 to %scan3A_28 step %scan3A_29  : i32 {
      %mul3A_49 = arith.constant 1 : i32
      %mul3A_50 = arith.muli %scan3A_48, %mul3A_49 : i32
      %add3A_51 = arith.constant 0 : i32
      %add3A_52 = arith.addi %add3A_51, %mul3A_50 : i32
      %mul3A_53 = arith.constant 2 : i32
      %mul3A_54 = arith.muli %add3A_52, %mul3A_53 : i32
      %mul3A_55 = arith.constant 20 : i32
      %mul3A_56 = arith.muli %mul3A_54, %mul3A_55 : i32
      %dma_wait3A_57 = arith.constant 0 : i32
      %dma_wait3A_58 = arith.constant 0 : i32
      %dma_wait3A_59 = tpu.memref_slice %arg2[%add3A, %mul3A_56, %dma_wait3A_57, %dma_wait3A_58] : memref<32x80x2x125xi32, #tpu.memory_space<hbm>> -> memref<1x20x2x125xi32, #tpu.memory_space<hbm>>
      %dma_wait3A_60 = tpu.memref_squeeze %dma_wait3A_59 : memref<1x20x2x125xi32, #tpu.memory_space<hbm>> -> memref<20x2x125xi32, #tpu.memory_space<hbm>>
      %dma_wait3A_61 = arith.constant 0 : i32
      %dma_wait3A_62 = arith.constant 0 : i32
      %dma_wait3A_63 = tpu.memref_slice %arg2[%add3A, %mul3A_56, %dma_wait3A_61, %dma_wait3A_62] : memref<32x80x2x125xi32, #tpu.memory_space<hbm>> -> memref<1x20x2x125xi32, #tpu.memory_space<hbm>>
      %dma_wait3A_64 = tpu.memref_squeeze %dma_wait3A_63 : memref<1x20x2x125xi32, #tpu.memory_space<hbm>> -> memref<20x2x125xi32, #tpu.memory_space<hbm>>
      tpu.wait_dma2 semaphore(%arg10 : memref<!tpu.dma_semaphore, #tpu.memory_space<semaphore_mem>>) src(%dma_wait3A_64 : memref<20x2x125xi32, #tpu.memory_space<hbm>>) dst(%arg5 : memref<20x2x125xi32, #tpu.memory_space<vmem>>)
      %add3A_65 = arith.constant 1 : i32
      %add3A_66 = arith.addi %mul3A_54, %add3A_65 : i32
      %mul3A_67 = arith.constant 20 : i32
      %mul3A_68 = arith.muli %add3A_66, %mul3A_67 : i32
      %dma_start3A_69 = arith.constant 0 : i32
      %dma_start3A_70 = arith.constant 0 : i32
      %dma_start3A_71 = tpu.memref_slice %arg2[%add3A, %mul3A_68, %dma_start3A_69, %dma_start3A_70] : memref<32x80x2x125xi32, #tpu.memory_space<hbm>> -> memref<1x20x2x125xi32, #tpu.memory_space<hbm>>
      %dma_start3A_72 = tpu.memref_squeeze %dma_start3A_71 : memref<1x20x2x125xi32, #tpu.memory_space<hbm>> -> memref<20x2x125xi32, #tpu.memory_space<hbm>>
      %dma_start3A_73 = arith.constant 0 : i32
      %dma_start3A_74 = arith.constant 0 : i32
      %dma_start3A_75 = tpu.memref_slice %arg2[%add3A, %mul3A_68, %dma_start3A_73, %dma_start3A_74] : memref<32x80x2x125xi32, #tpu.memory_space<hbm>> -> memref<1x20x2x125xi32, #tpu.memory_space<hbm>>
      %dma_start3A_76 = tpu.memref_squeeze %dma_start3A_75 : memref<1x20x2x125xi32, #tpu.memory_space<hbm>> -> memref<20x2x125xi32, #tpu.memory_space<hbm>>
      tpu.enqueue_dma source(%dma_start3A_76 : memref<20x2x125xi32, #tpu.memory_space<hbm>>) target(%arg6 : memref<20x2x125xi32, #tpu.memory_space<vmem>>) target_semaphore(%arg10 : memref<!tpu.dma_semaphore, #tpu.memory_space<semaphore_mem>>)
      %gt3A = arith.constant 0 : i32
      %gt3A_77 = arith.cmpi sgt, %mul3A_54, %gt3A : i32
      %convert_element_type3A_78 = arith.extui %gt3A_77 : i1 to i32
      %cond3A_79 = arith.constant 0 : i32
      %cond3A_80 = arith.cmpi ne, %convert_element_type3A_78, %cond3A_79 : i32
      scf.if %cond3A_80 {
        %dma_wait3A_134 = arith.constant 1 : i32
        %dma_wait3A_135 = arith.constant 1 : i32
        %dma_wait3A_136 = arith.constant 0 : i32
        %dma_wait3A_137 = tpu.memref_slice %arg5[%dma_wait3A_134, %dma_wait3A_135, %dma_wait3A_136] : memref<20x2x125xi32, #tpu.memory_space<vmem>> -> memref<1x1x125xi32, #tpu.memory_space<vmem>>
        %dma_wait3A_138 = tpu.memref_squeeze %dma_wait3A_137 : memref<1x1x125xi32, #tpu.memory_space<vmem>> -> memref<125xi32, #tpu.memory_space<vmem>>
        %dma_wait3A_139 = arith.constant 0 : i32
        %dma_wait3A_140 = arith.constant 0 : i32
        %dma_wait3A_141 = tpu.memref_slice %arg9[%dma_wait3A_139, %dma_wait3A_140] : memref<10000x128xf32, #tpu.memory_space<vmem_shared>> -> memref<10000x128xf32, #tpu.memory_space<vmem_shared>>
        tpu.wait_indirect_dma semaphore(%arg14 : memref<!tpu.dma_semaphore, #tpu.memory_space<semaphore_mem>>) src(%arg8 : memref<125x128xf32, #tpu.memory_space<vmem>>) dst(%dma_wait3A_141 : memref<10000x128xf32, #tpu.memory_space<vmem_shared>>)
      } else {
      }
      %dma_start3A_81 = arith.constant 0 : i32
      %dma_start3A_82 = arith.constant 0 : i32
      %dma_start3A_83 = arith.constant 0 : i32
      %dma_start3A_84 = tpu.memref_slice %arg5[%dma_start3A_81, %dma_start3A_82, %dma_start3A_83] : memref<20x2x125xi32, #tpu.memory_space<vmem>> -> memref<1x1x125xi32, #tpu.memory_space<vmem>>
      %dma_start3A_85 = tpu.memref_squeeze %dma_start3A_84 : memref<1x1x125xi32, #tpu.memory_space<vmem>> -> memref<125xi32, #tpu.memory_space<vmem>>
      %dma_start3A_86 = arith.constant 0 : i32
      %dma_start3A_87 = arith.constant 0 : i32
      %dma_start3A_88 = tpu.memref_slice %arg3[%dma_start3A_86, %dma_start3A_87] : memref<10000x128xf32, #tpu.memory_space<hbm>> -> memref<10000x128xf32, #tpu.memory_space<hbm>>
      tpu.enqueue_indirect_dma source(%dma_start3A_88 : memref<10000x128xf32, #tpu.memory_space<hbm>>) target(%arg7 : memref<125x128xf32, #tpu.memory_space<vmem>>) offsets(%dma_start3A_85 : memref<125xi32, #tpu.memory_space<vmem>>) semaphore(%arg11 : memref<!tpu.dma_semaphore, #tpu.memory_space<semaphore_mem>>)
      %scan3A_89 = arith.constant 0 : i32
      %scan3A_90 = arith.constant 10 : i32
      %scan3A_91 = arith.addi %scan3A_89, %scan3A_90 : i32
      %scan3A_92 = arith.constant 1 : i32
      scf.for %scan3A_134 = %scan3A_89 to %scan3A_91 step %scan3A_92  : i32 {
        %mul3A_135 = arith.constant 1 : i32
        %mul3A_136 = arith.muli %scan3A_134, %mul3A_135 : i32
        %add3A_137 = arith.constant 0 : i32
        %add3A_138 = arith.addi %add3A_137, %mul3A_136 : i32
        %mul3A_139 = arith.constant 2 : i32
        %mul3A_140 = arith.muli %add3A_138, %mul3A_139 : i32
        %dma_wait3A_141 = arith.constant 0 : i32
        %dma_wait3A_142 = arith.constant 0 : i32
        %dma_wait3A_143 = tpu.memref_slice %arg5[%mul3A_140, %dma_wait3A_141, %dma_wait3A_142] : memref<20x2x125xi32, #tpu.memory_space<vmem>> -> memref<1x1x125xi32, #tpu.memory_space<vmem>>
        %dma_wait3A_144 = tpu.memref_squeeze %dma_wait3A_143 : memref<1x1x125xi32, #tpu.memory_space<vmem>> -> memref<125xi32, #tpu.memory_space<vmem>>
        %dma_wait3A_145 = arith.constant 0 : i32
        %dma_wait3A_146 = arith.constant 0 : i32
        %dma_wait3A_147 = tpu.memref_slice %arg3[%dma_wait3A_145, %dma_wait3A_146] : memref<10000x128xf32, #tpu.memory_space<hbm>> -> memref<10000x128xf32, #tpu.memory_space<hbm>>
        tpu.wait_indirect_dma semaphore(%arg11 : memref<!tpu.dma_semaphore, #tpu.memory_space<semaphore_mem>>) src(%dma_wait3A_147 : memref<10000x128xf32, #tpu.memory_space<hbm>>) dst(%arg7 : memref<125x128xf32, #tpu.memory_space<vmem>>)
        %ge3A = arith.constant 2 : i32
        %ge3A_148 = arith.cmpi sge, %mul3A_140, %ge3A : i32
        %convert_element_type3A_149 = arith.extui %ge3A_148 : i1 to i32
        %cond3A_150 = arith.constant 0 : i32
        %cond3A_151 = arith.cmpi ne, %convert_element_type3A_149, %cond3A_150 : i32
        scf.if %cond3A_151 {
          %dma_wait3A_200 = arith.constant 1 : i32
          %dma_wait3A_201 = arith.constant 1 : i32
          %dma_wait3A_202 = arith.constant 0 : i32
          %dma_wait3A_203 = tpu.memref_slice %arg5[%dma_wait3A_200, %dma_wait3A_201, %dma_wait3A_202] : memref<20x2x125xi32, #tpu.memory_space<vmem>> -> memref<1x1x125xi32, #tpu.memory_space<vmem>>
          %dma_wait3A_204 = tpu.memref_squeeze %dma_wait3A_203 : memref<1x1x125xi32, #tpu.memory_space<vmem>> -> memref<125xi32, #tpu.memory_space<vmem>>
          %dma_wait3A_205 = arith.constant 0 : i32
          %dma_wait3A_206 = arith.constant 0 : i32
          %dma_wait3A_207 = tpu.memref_slice %arg9[%dma_wait3A_205, %dma_wait3A_206] : memref<10000x128xf32, #tpu.memory_space<vmem_shared>> -> memref<10000x128xf32, #tpu.memory_space<vmem_shared>>
          tpu.wait_indirect_dma semaphore(%arg14 : memref<!tpu.dma_semaphore, #tpu.memory_space<semaphore_mem>>) src(%arg8 : memref<125x128xf32, #tpu.memory_space<vmem>>) dst(%dma_wait3A_207 : memref<10000x128xf32, #tpu.memory_space<vmem_shared>>)
        } else {
        }
        %add3A_152 = arith.constant 1 : i32
        %add3A_153 = arith.addi %mul3A_140, %add3A_152 : i32
        %dma_start3A_154 = arith.constant 0 : i32
        %dma_start3A_155 = arith.constant 0 : i32
        %dma_start3A_156 = tpu.memref_slice %arg5[%add3A_153, %dma_start3A_154, %dma_start3A_155] : memref<20x2x125xi32, #tpu.memory_space<vmem>> -> memref<1x1x125xi32, #tpu.memory_space<vmem>>
        %dma_start3A_157 = tpu.memref_squeeze %dma_start3A_156 : memref<1x1x125xi32, #tpu.memory_space<vmem>> -> memref<125xi32, #tpu.memory_space<vmem>>
        %dma_start3A_158 = arith.constant 0 : i32
        %dma_start3A_159 = arith.constant 0 : i32
        %dma_start3A_160 = tpu.memref_slice %arg3[%dma_start3A_158, %dma_start3A_159] : memref<10000x128xf32, #tpu.memory_space<hbm>> -> memref<10000x128xf32, #tpu.memory_space<hbm>>
        tpu.enqueue_indirect_dma source(%dma_start3A_160 : memref<10000x128xf32, #tpu.memory_space<hbm>>) target(%arg8 : memref<125x128xf32, #tpu.memory_space<vmem>>) offsets(%dma_start3A_157 : memref<125xi32, #tpu.memory_space<vmem>>) semaphore(%arg12 : memref<!tpu.dma_semaphore, #tpu.memory_space<semaphore_mem>>)
        %dma_start3A_161 = arith.constant 1 : i32
        %dma_start3A_162 = arith.constant 0 : i32
        %dma_start3A_163 = tpu.memref_slice %arg5[%mul3A_140, %dma_start3A_161, %dma_start3A_162] : memref<20x2x125xi32, #tpu.memory_space<vmem>> -> memref<1x1x125xi32, #tpu.memory_space<vmem>>
        %dma_start3A_164 = tpu.memref_squeeze %dma_start3A_163 : memref<1x1x125xi32, #tpu.memory_space<vmem>> -> memref<125xi32, #tpu.memory_space<vmem>>
        %dma_start3A_165 = arith.constant 0 : i32
        %dma_start3A_166 = arith.constant 0 : i32
        %dma_start3A_167 = tpu.memref_slice %arg9[%dma_start3A_165, %dma_start3A_166] : memref<10000x128xf32, #tpu.memory_space<vmem_shared>> -> memref<10000x128xf32, #tpu.memory_space<vmem_shared>>
        tpu.enqueue_indirect_dma source(%arg7 : memref<125x128xf32, #tpu.memory_space<vmem>>) target(%dma_start3A_167 : memref<10000x128xf32, #tpu.memory_space<vmem_shared>>) offsets(%dma_start3A_164 : memref<125xi32, #tpu.memory_space<vmem>>) semaphore(%arg13 : memref<!tpu.dma_semaphore, #tpu.memory_space<semaphore_mem>>) {add = true}
        %add3A_168 = arith.constant 1 : i32
        %add3A_169 = arith.addi %mul3A_140, %add3A_168 : i32
        %dma_wait3A_170 = arith.constant 0 : i32
        %dma_wait3A_171 = arith.constant 0 : i32
        %dma_wait3A_172 = tpu.memref_slice %arg5[%add3A_169, %dma_wait3A_170, %dma_wait3A_171] : memref<20x2x125xi32, #tpu.memory_space<vmem>> -> memref<1x1x125xi32, #tpu.memory_space<vmem>>
        %dma_wait3A_173 = tpu.memref_squeeze %dma_wait3A_172 : memref<1x1x125xi32, #tpu.memory_space<vmem>> -> memref<125xi32, #tpu.memory_space<vmem>>
        %dma_wait3A_174 = arith.constant 0 : i32
        %dma_wait3A_175 = arith.constant 0 : i32
        %dma_wait3A_176 = tpu.memref_slice %arg3[%dma_wait3A_174, %dma_wait3A_175] : memref<10000x128xf32, #tpu.memory_space<hbm>> -> memref<10000x128xf32, #tpu.memory_space<hbm>>
        tpu.wait_indirect_dma semaphore(%arg12 : memref<!tpu.dma_semaphore, #tpu.memory_space<semaphore_mem>>) src(%dma_wait3A_176 : memref<10000x128xf32, #tpu.memory_space<hbm>>) dst(%arg8 : memref<125x128xf32, #tpu.memory_space<vmem>>)
        %dma_wait3A_177 = arith.constant 1 : i32
        %dma_wait3A_178 = arith.constant 0 : i32
        %dma_wait3A_179 = tpu.memref_slice %arg5[%mul3A_140, %dma_wait3A_177, %dma_wait3A_178] : memref<20x2x125xi32, #tpu.memory_space<vmem>> -> memref<1x1x125xi32, #tpu.memory_space<vmem>>
        %dma_wait3A_180 = tpu.memref_squeeze %dma_wait3A_179 : memref<1x1x125xi32, #tpu.memory_space<vmem>> -> memref<125xi32, #tpu.memory_space<vmem>>
        %dma_wait3A_181 = arith.constant 0 : i32
        %dma_wait3A_182 = arith.constant 0 : i32
        %dma_wait3A_183 = tpu.memref_slice %arg9[%dma_wait3A_181, %dma_wait3A_182] : memref<10000x128xf32, #tpu.memory_space<vmem_shared>> -> memref<10000x128xf32, #tpu.memory_space<vmem_shared>>
        tpu.wait_indirect_dma semaphore(%arg13 : memref<!tpu.dma_semaphore, #tpu.memory_space<semaphore_mem>>) src(%arg7 : memref<125x128xf32, #tpu.memory_space<vmem>>) dst(%dma_wait3A_183 : memref<10000x128xf32, #tpu.memory_space<vmem_shared>>)
        %add3A_184 = arith.constant 2 : i32
        %add3A_185 = arith.addi %mul3A_140, %add3A_184 : i32
        %lt3A_186 = arith.constant 20 : i32
        %lt3A_187 = arith.cmpi slt, %add3A_185, %lt3A_186 : i32
        %convert_element_type3A_188 = arith.extui %lt3A_187 : i1 to i32
        %cond3A_189 = arith.constant 0 : i32
        %cond3A_190 = arith.cmpi ne, %convert_element_type3A_188, %cond3A_189 : i32
        scf.if %cond3A_190 {
          %add3A_200 = arith.constant 2 : i32
          %add3A_201 = arith.addi %mul3A_140, %add3A_200 : i32
          %dma_start3A_202 = arith.constant 0 : i32
          %dma_start3A_203 = arith.constant 0 : i32
          %dma_start3A_204 = tpu.memref_slice %arg5[%add3A_201, %dma_start3A_202, %dma_start3A_203] : memref<20x2x125xi32, #tpu.memory_space<vmem>> -> memref<1x1x125xi32, #tpu.memory_space<vmem>>
          %dma_start3A_205 = tpu.memref_squeeze %dma_start3A_204 : memref<1x1x125xi32, #tpu.memory_space<vmem>> -> memref<125xi32, #tpu.memory_space<vmem>>
          %dma_start3A_206 = arith.constant 0 : i32
          %dma_start3A_207 = arith.constant 0 : i32
          %dma_start3A_208 = tpu.memref_slice %arg3[%dma_start3A_206, %dma_start3A_207] : memref<10000x128xf32, #tpu.memory_space<hbm>> -> memref<10000x128xf32, #tpu.memory_space<hbm>>
          tpu.enqueue_indirect_dma source(%dma_start3A_208 : memref<10000x128xf32, #tpu.memory_space<hbm>>) target(%arg7 : memref<125x128xf32, #tpu.memory_space<vmem>>) offsets(%dma_start3A_205 : memref<125xi32, #tpu.memory_space<vmem>>) semaphore(%arg11 : memref<!tpu.dma_semaphore, #tpu.memory_space<semaphore_mem>>)
        } else {
        }
        %add3A_191 = arith.constant 1 : i32
        %add3A_192 = arith.addi %mul3A_140, %add3A_191 : i32
        %dma_start3A_193 = arith.constant 1 : i32
        %dma_start3A_194 = arith.constant 0 : i32
        %dma_start3A_195 = tpu.memref_slice %arg5[%add3A_192, %dma_start3A_193, %dma_start3A_194] : memref<20x2x125xi32, #tpu.memory_space<vmem>> -> memref<1x1x125xi32, #tpu.memory_space<vmem>>
        %dma_start3A_196 = tpu.memref_squeeze %dma_start3A_195 : memref<1x1x125xi32, #tpu.memory_space<vmem>> -> memref<125xi32, #tpu.memory_space<vmem>>
        %dma_start3A_197 = arith.constant 0 : i32
        %dma_start3A_198 = arith.constant 0 : i32
        %dma_start3A_199 = tpu.memref_slice %arg9[%dma_start3A_197, %dma_start3A_198] : memref<10000x128xf32, #tpu.memory_space<vmem_shared>> -> memref<10000x128xf32, #tpu.memory_space<vmem_shared>>
        tpu.enqueue_indirect_dma source(%arg8 : memref<125x128xf32, #tpu.memory_space<vmem>>) target(%dma_start3A_199 : memref<10000x128xf32, #tpu.memory_space<vmem_shared>>) offsets(%dma_start3A_196 : memref<125xi32, #tpu.memory_space<vmem>>) semaphore(%arg14 : memref<!tpu.dma_semaphore, #tpu.memory_space<semaphore_mem>>) {add = true}
      }
      %scan3A_93 = arith.constant 10 : i32
      %add3A_94 = arith.constant 1 : i32
      %add3A_95 = arith.addi %mul3A_54, %add3A_94 : i32
      %mul3A_96 = arith.constant 20 : i32
      %mul3A_97 = arith.muli %add3A_95, %mul3A_96 : i32
      %dma_wait3A_98 = arith.constant 0 : i32
      %dma_wait3A_99 = arith.constant 0 : i32
      %dma_wait3A_100 = tpu.memref_slice %arg2[%add3A, %mul3A_97, %dma_wait3A_98, %dma_wait3A_99] : memref<32x80x2x125xi32, #tpu.memory_space<hbm>> -> memref<1x20x2x125xi32, #tpu.memory_space<hbm>>
      %dma_wait3A_101 = tpu.memref_squeeze %dma_wait3A_100 : memref<1x20x2x125xi32, #tpu.memory_space<hbm>> -> memref<20x2x125xi32, #tpu.memory_space<hbm>>
      %dma_wait3A_102 = arith.constant 0 : i32
      %dma_wait3A_103 = arith.constant 0 : i32
      %dma_wait3A_104 = tpu.memref_slice %arg2[%add3A, %mul3A_97, %dma_wait3A_102, %dma_wait3A_103] : memref<32x80x2x125xi32, #tpu.memory_space<hbm>> -> memref<1x20x2x125xi32, #tpu.memory_space<hbm>>
      %dma_wait3A_105 = tpu.memref_squeeze %dma_wait3A_104 : memref<1x20x2x125xi32, #tpu.memory_space<hbm>> -> memref<20x2x125xi32, #tpu.memory_space<hbm>>
      tpu.wait_dma2 semaphore(%arg10 : memref<!tpu.dma_semaphore, #tpu.memory_space<semaphore_mem>>) src(%dma_wait3A_105 : memref<20x2x125xi32, #tpu.memory_space<hbm>>) dst(%arg6 : memref<20x2x125xi32, #tpu.memory_space<vmem>>)
      %add3A_106 = arith.constant 2 : i32
      %add3A_107 = arith.addi %mul3A_54, %add3A_106 : i32
      %lt3A_108 = arith.constant 4 : i32
      %lt3A_109 = arith.cmpi slt, %add3A_107, %lt3A_108 : i32
      %convert_element_type3A_110 = arith.extui %lt3A_109 : i1 to i32
      %cond3A_111 = arith.constant 0 : i32
      %cond3A_112 = arith.cmpi ne, %convert_element_type3A_110, %cond3A_111 : i32
      scf.if %cond3A_112 {
        %add3A_134 = arith.constant 2 : i32
        %add3A_135 = arith.addi %mul3A_54, %add3A_134 : i32
        %mul3A_136 = arith.constant 20 : i32
        %mul3A_137 = arith.muli %add3A_135, %mul3A_136 : i32
        %dma_start3A_138 = arith.constant 0 : i32
        %dma_start3A_139 = arith.constant 0 : i32
        %dma_start3A_140 = tpu.memref_slice %arg2[%add3A, %mul3A_137, %dma_start3A_138, %dma_start3A_139] : memref<32x80x2x125xi32, #tpu.memory_space<hbm>> -> memref<1x20x2x125xi32, #tpu.memory_space<hbm>>
        %dma_start3A_141 = tpu.memref_squeeze %dma_start3A_140 : memref<1x20x2x125xi32, #tpu.memory_space<hbm>> -> memref<20x2x125xi32, #tpu.memory_space<hbm>>
        %dma_start3A_142 = arith.constant 0 : i32
        %dma_start3A_143 = arith.constant 0 : i32
        %dma_start3A_144 = tpu.memref_slice %arg2[%add3A, %mul3A_137, %dma_start3A_142, %dma_start3A_143] : memref<32x80x2x125xi32, #tpu.memory_space<hbm>> -> memref<1x20x2x125xi32, #tpu.memory_space<hbm>>
        %dma_start3A_145 = tpu.memref_squeeze %dma_start3A_144 : memref<1x20x2x125xi32, #tpu.memory_space<hbm>> -> memref<20x2x125xi32, #tpu.memory_space<hbm>>
        tpu.enqueue_dma source(%dma_start3A_145 : memref<20x2x125xi32, #tpu.memory_space<hbm>>) target(%arg5 : memref<20x2x125xi32, #tpu.memory_space<vmem>>) target_semaphore(%arg10 : memref<!tpu.dma_semaphore, #tpu.memory_space<semaphore_mem>>)
      } else {
      }
      %dma_wait3A_113 = arith.constant 1 : i32
      %dma_wait3A_114 = arith.constant 1 : i32
      %dma_wait3A_115 = arith.constant 0 : i32
      %dma_wait3A_116 = tpu.memref_slice %arg6[%dma_wait3A_113, %dma_wait3A_114, %dma_wait3A_115] : memref<20x2x125xi32, #tpu.memory_space<vmem>> -> memref<1x1x125xi32, #tpu.memory_space<vmem>>
      %dma_wait3A_117 = tpu.memref_squeeze %dma_wait3A_116 : memref<1x1x125xi32, #tpu.memory_space<vmem>> -> memref<125xi32, #tpu.memory_space<vmem>>
      %dma_wait3A_118 = arith.constant 0 : i32
      %dma_wait3A_119 = arith.constant 0 : i32
      %dma_wait3A_120 = tpu.memref_slice %arg9[%dma_wait3A_118, %dma_wait3A_119] : memref<10000x128xf32, #tpu.memory_space<vmem_shared>> -> memref<10000x128xf32, #tpu.memory_space<vmem_shared>>
      tpu.wait_indirect_dma semaphore(%arg14 : memref<!tpu.dma_semaphore, #tpu.memory_space<semaphore_mem>>) src(%arg8 : memref<125x128xf32, #tpu.memory_space<vmem>>) dst(%dma_wait3A_120 : memref<10000x128xf32, #tpu.memory_space<vmem_shared>>)
      %dma_start3A_121 = arith.constant 0 : i32
      %dma_start3A_122 = arith.constant 0 : i32
      %dma_start3A_123 = arith.constant 0 : i32
      %dma_start3A_124 = tpu.memref_slice %arg6[%dma_start3A_121, %dma_start3A_122, %dma_start3A_123] : memref<20x2x125xi32, #tpu.memory_space<vmem>> -> memref<1x1x125xi32, #tpu.memory_space<vmem>>
      %dma_start3A_125 = tpu.memref_squeeze %dma_start3A_124 : memref<1x1x125xi32, #tpu.memory_space<vmem>> -> memref<125xi32, #tpu.memory_space<vmem>>
      %dma_start3A_126 = arith.constant 0 : i32
      %dma_start3A_127 = arith.constant 0 : i32
      %dma_start3A_128 = tpu.memref_slice %arg3[%dma_start3A_126, %dma_start3A_127] : memref<10000x128xf32, #tpu.memory_space<hbm>> -> memref<10000x128xf32, #tpu.memory_space<hbm>>
      tpu.enqueue_indirect_dma source(%dma_start3A_128 : memref<10000x128xf32, #tpu.memory_space<hbm>>) target(%arg7 : memref<125x128xf32, #tpu.memory_space<vmem>>) offsets(%dma_start3A_125 : memref<125xi32, #tpu.memory_space<vmem>>) semaphore(%arg11 : memref<!tpu.dma_semaphore, #tpu.memory_space<semaphore_mem>>)
      %scan3A_129 = arith.constant 0 : i32
      %scan3A_130 = arith.constant 10 : i32
      %scan3A_131 = arith.addi %scan3A_129, %scan3A_130 : i32
      %scan3A_132 = arith.constant 1 : i32
      scf.for %scan3A_134 = %scan3A_129 to %scan3A_131 step %scan3A_132  : i32 {
        %mul3A_135 = arith.constant 1 : i32
        %mul3A_136 = arith.muli %scan3A_134, %mul3A_135 : i32
        %add3A_137 = arith.constant 0 : i32
        %add3A_138 = arith.addi %add3A_137, %mul3A_136 : i32
        %mul3A_139 = arith.constant 2 : i32
        %mul3A_140 = arith.muli %add3A_138, %mul3A_139 : i32
        %dma_wait3A_141 = arith.constant 0 : i32
        %dma_wait3A_142 = arith.constant 0 : i32
        %dma_wait3A_143 = tpu.memref_slice %arg6[%mul3A_140, %dma_wait3A_141, %dma_wait3A_142] : memref<20x2x125xi32, #tpu.memory_space<vmem>> -> memref<1x1x125xi32, #tpu.memory_space<vmem>>
        %dma_wait3A_144 = tpu.memref_squeeze %dma_wait3A_143 : memref<1x1x125xi32, #tpu.memory_space<vmem>> -> memref<125xi32, #tpu.memory_space<vmem>>
        %dma_wait3A_145 = arith.constant 0 : i32
        %dma_wait3A_146 = arith.constant 0 : i32
        %dma_wait3A_147 = tpu.memref_slice %arg3[%dma_wait3A_145, %dma_wait3A_146] : memref<10000x128xf32, #tpu.memory_space<hbm>> -> memref<10000x128xf32, #tpu.memory_space<hbm>>
        tpu.wait_indirect_dma semaphore(%arg11 : memref<!tpu.dma_semaphore, #tpu.memory_space<semaphore_mem>>) src(%dma_wait3A_147 : memref<10000x128xf32, #tpu.memory_space<hbm>>) dst(%arg7 : memref<125x128xf32, #tpu.memory_space<vmem>>)
        %ge3A = arith.constant 2 : i32
        %ge3A_148 = arith.cmpi sge, %mul3A_140, %ge3A : i32
        %convert_element_type3A_149 = arith.extui %ge3A_148 : i1 to i32
        %cond3A_150 = arith.constant 0 : i32
        %cond3A_151 = arith.cmpi ne, %convert_element_type3A_149, %cond3A_150 : i32
        scf.if %cond3A_151 {
          %dma_wait3A_200 = arith.constant 1 : i32
          %dma_wait3A_201 = arith.constant 1 : i32
          %dma_wait3A_202 = arith.constant 0 : i32
          %dma_wait3A_203 = tpu.memref_slice %arg6[%dma_wait3A_200, %dma_wait3A_201, %dma_wait3A_202] : memref<20x2x125xi32, #tpu.memory_space<vmem>> -> memref<1x1x125xi32, #tpu.memory_space<vmem>>
          %dma_wait3A_204 = tpu.memref_squeeze %dma_wait3A_203 : memref<1x1x125xi32, #tpu.memory_space<vmem>> -> memref<125xi32, #tpu.memory_space<vmem>>
          %dma_wait3A_205 = arith.constant 0 : i32
          %dma_wait3A_206 = arith.constant 0 : i32
          %dma_wait3A_207 = tpu.memref_slice %arg9[%dma_wait3A_205, %dma_wait3A_206] : memref<10000x128xf32, #tpu.memory_space<vmem_shared>> -> memref<10000x128xf32, #tpu.memory_space<vmem_shared>>
          tpu.wait_indirect_dma semaphore(%arg14 : memref<!tpu.dma_semaphore, #tpu.memory_space<semaphore_mem>>) src(%arg8 : memref<125x128xf32, #tpu.memory_space<vmem>>) dst(%dma_wait3A_207 : memref<10000x128xf32, #tpu.memory_space<vmem_shared>>)
        } else {
        }
        %add3A_152 = arith.constant 1 : i32
        %add3A_153 = arith.addi %mul3A_140, %add3A_152 : i32
        %dma_start3A_154 = arith.constant 0 : i32
        %dma_start3A_155 = arith.constant 0 : i32
        %dma_start3A_156 = tpu.memref_slice %arg6[%add3A_153, %dma_start3A_154, %dma_start3A_155] : memref<20x2x125xi32, #tpu.memory_space<vmem>> -> memref<1x1x125xi32, #tpu.memory_space<vmem>>
        %dma_start3A_157 = tpu.memref_squeeze %dma_start3A_156 : memref<1x1x125xi32, #tpu.memory_space<vmem>> -> memref<125xi32, #tpu.memory_space<vmem>>
        %dma_start3A_158 = arith.constant 0 : i32
        %dma_start3A_159 = arith.constant 0 : i32
        %dma_start3A_160 = tpu.memref_slice %arg3[%dma_start3A_158, %dma_start3A_159] : memref<10000x128xf32, #tpu.memory_space<hbm>> -> memref<10000x128xf32, #tpu.memory_space<hbm>>
        tpu.enqueue_indirect_dma source(%dma_start3A_160 : memref<10000x128xf32, #tpu.memory_space<hbm>>) target(%arg8 : memref<125x128xf32, #tpu.memory_space<vmem>>) offsets(%dma_start3A_157 : memref<125xi32, #tpu.memory_space<vmem>>) semaphore(%arg12 : memref<!tpu.dma_semaphore, #tpu.memory_space<semaphore_mem>>)
        %dma_start3A_161 = arith.constant 1 : i32
        %dma_start3A_162 = arith.constant 0 : i32
        %dma_start3A_163 = tpu.memref_slice %arg6[%mul3A_140, %dma_start3A_161, %dma_start3A_162] : memref<20x2x125xi32, #tpu.memory_space<vmem>> -> memref<1x1x125xi32, #tpu.memory_space<vmem>>
        %dma_start3A_164 = tpu.memref_squeeze %dma_start3A_163 : memref<1x1x125xi32, #tpu.memory_space<vmem>> -> memref<125xi32, #tpu.memory_space<vmem>>
        %dma_start3A_165 = arith.constant 0 : i32
        %dma_start3A_166 = arith.constant 0 : i32
        %dma_start3A_167 = tpu.memref_slice %arg9[%dma_start3A_165, %dma_start3A_166] : memref<10000x128xf32, #tpu.memory_space<vmem_shared>> -> memref<10000x128xf32, #tpu.memory_space<vmem_shared>>
        tpu.enqueue_indirect_dma source(%arg7 : memref<125x128xf32, #tpu.memory_space<vmem>>) target(%dma_start3A_167 : memref<10000x128xf32, #tpu.memory_space<vmem_shared>>) offsets(%dma_start3A_164 : memref<125xi32, #tpu.memory_space<vmem>>) semaphore(%arg13 : memref<!tpu.dma_semaphore, #tpu.memory_space<semaphore_mem>>) {add = true}
        %add3A_168 = arith.constant 1 : i32
        %add3A_169 = arith.addi %mul3A_140, %add3A_168 : i32
        %dma_wait3A_170 = arith.constant 0 : i32
        %dma_wait3A_171 = arith.constant 0 : i32
        %dma_wait3A_172 = tpu.memref_slice %arg6[%add3A_169, %dma_wait3A_170, %dma_wait3A_171] : memref<20x2x125xi32, #tpu.memory_space<vmem>> -> memref<1x1x125xi32, #tpu.memory_space<vmem>>
        %dma_wait3A_173 = tpu.memref_squeeze %dma_wait3A_172 : memref<1x1x125xi32, #tpu.memory_space<vmem>> -> memref<125xi32, #tpu.memory_space<vmem>>
        %dma_wait3A_174 = arith.constant 0 : i32
        %dma_wait3A_175 = arith.constant 0 : i32
        %dma_wait3A_176 = tpu.memref_slice %arg3[%dma_wait3A_174, %dma_wait3A_175] : memref<10000x128xf32, #tpu.memory_space<hbm>> -> memref<10000x128xf32, #tpu.memory_space<hbm>>
        tpu.wait_indirect_dma semaphore(%arg12 : memref<!tpu.dma_semaphore, #tpu.memory_space<semaphore_mem>>) src(%dma_wait3A_176 : memref<10000x128xf32, #tpu.memory_space<hbm>>) dst(%arg8 : memref<125x128xf32, #tpu.memory_space<vmem>>)
        %dma_wait3A_177 = arith.constant 1 : i32
        %dma_wait3A_178 = arith.constant 0 : i32
        %dma_wait3A_179 = tpu.memref_slice %arg6[%mul3A_140, %dma_wait3A_177, %dma_wait3A_178] : memref<20x2x125xi32, #tpu.memory_space<vmem>> -> memref<1x1x125xi32, #tpu.memory_space<vmem>>
        %dma_wait3A_180 = tpu.memref_squeeze %dma_wait3A_179 : memref<1x1x125xi32, #tpu.memory_space<vmem>> -> memref<125xi32, #tpu.memory_space<vmem>>
        %dma_wait3A_181 = arith.constant 0 : i32
        %dma_wait3A_182 = arith.constant 0 : i32
        %dma_wait3A_183 = tpu.memref_slice %arg9[%dma_wait3A_181, %dma_wait3A_182] : memref<10000x128xf32, #tpu.memory_space<vmem_shared>> -> memref<10000x128xf32, #tpu.memory_space<vmem_shared>>
        tpu.wait_indirect_dma semaphore(%arg13 : memref<!tpu.dma_semaphore, #tpu.memory_space<semaphore_mem>>) src(%arg7 : memref<125x128xf32, #tpu.memory_space<vmem>>) dst(%dma_wait3A_183 : memref<10000x128xf32, #tpu.memory_space<vmem_shared>>)
        %add3A_184 = arith.constant 2 : i32
        %add3A_185 = arith.addi %mul3A_140, %add3A_184 : i32
        %lt3A_186 = arith.constant 20 : i32
        %lt3A_187 = arith.cmpi slt, %add3A_185, %lt3A_186 : i32
        %convert_element_type3A_188 = arith.extui %lt3A_187 : i1 to i32
        %cond3A_189 = arith.constant 0 : i32
        %cond3A_190 = arith.cmpi ne, %convert_element_type3A_188, %cond3A_189 : i32
        scf.if %cond3A_190 {
          %add3A_200 = arith.constant 2 : i32
          %add3A_201 = arith.addi %mul3A_140, %add3A_200 : i32
          %dma_start3A_202 = arith.constant 0 : i32
          %dma_start3A_203 = arith.constant 0 : i32
          %dma_start3A_204 = tpu.memref_slice %arg6[%add3A_201, %dma_start3A_202, %dma_start3A_203] : memref<20x2x125xi32, #tpu.memory_space<vmem>> -> memref<1x1x125xi32, #tpu.memory_space<vmem>>
          %dma_start3A_205 = tpu.memref_squeeze %dma_start3A_204 : memref<1x1x125xi32, #tpu.memory_space<vmem>> -> memref<125xi32, #tpu.memory_space<vmem>>
          %dma_start3A_206 = arith.constant 0 : i32
          %dma_start3A_207 = arith.constant 0 : i32
          %dma_start3A_208 = tpu.memref_slice %arg3[%dma_start3A_206, %dma_start3A_207] : memref<10000x128xf32, #tpu.memory_space<hbm>> -> memref<10000x128xf32, #tpu.memory_space<hbm>>
          tpu.enqueue_indirect_dma source(%dma_start3A_208 : memref<10000x128xf32, #tpu.memory_space<hbm>>) target(%arg7 : memref<125x128xf32, #tpu.memory_space<vmem>>) offsets(%dma_start3A_205 : memref<125xi32, #tpu.memory_space<vmem>>) semaphore(%arg11 : memref<!tpu.dma_semaphore, #tpu.memory_space<semaphore_mem>>)
        } else {
        }
        %add3A_191 = arith.constant 1 : i32
        %add3A_192 = arith.addi %mul3A_140, %add3A_191 : i32
        %dma_start3A_193 = arith.constant 1 : i32
        %dma_start3A_194 = arith.constant 0 : i32
        %dma_start3A_195 = tpu.memref_slice %arg6[%add3A_192, %dma_start3A_193, %dma_start3A_194] : memref<20x2x125xi32, #tpu.memory_space<vmem>> -> memref<1x1x125xi32, #tpu.memory_space<vmem>>
        %dma_start3A_196 = tpu.memref_squeeze %dma_start3A_195 : memref<1x1x125xi32, #tpu.memory_space<vmem>> -> memref<125xi32, #tpu.memory_space<vmem>>
        %dma_start3A_197 = arith.constant 0 : i32
        %dma_start3A_198 = arith.constant 0 : i32
        %dma_start3A_199 = tpu.memref_slice %arg9[%dma_start3A_197, %dma_start3A_198] : memref<10000x128xf32, #tpu.memory_space<vmem_shared>> -> memref<10000x128xf32, #tpu.memory_space<vmem_shared>>
        tpu.enqueue_indirect_dma source(%arg8 : memref<125x128xf32, #tpu.memory_space<vmem>>) target(%dma_start3A_199 : memref<10000x128xf32, #tpu.memory_space<vmem_shared>>) offsets(%dma_start3A_196 : memref<125xi32, #tpu.memory_space<vmem>>) semaphore(%arg14 : memref<!tpu.dma_semaphore, #tpu.memory_space<semaphore_mem>>) {add = true}
      }
      %scan3A_133 = arith.constant 10 : i32
    }
    %scan3A_30 = arith.constant 2 : i32
    %dma_wait3A = arith.constant 1 : i32
    %dma_wait3A_31 = arith.constant 1 : i32
    %dma_wait3A_32 = arith.constant 0 : i32
    %dma_wait3A_33 = tpu.memref_slice %arg6[%dma_wait3A, %dma_wait3A_31, %dma_wait3A_32] : memref<20x2x125xi32, #tpu.memory_space<vmem>> -> memref<1x1x125xi32, #tpu.memory_space<vmem>>
    %dma_wait3A_34 = tpu.memref_squeeze %dma_wait3A_33 : memref<1x1x125xi32, #tpu.memory_space<vmem>> -> memref<125xi32, #tpu.memory_space<vmem>>
    %dma_wait3A_35 = arith.constant 0 : i32
    %dma_wait3A_36 = arith.constant 0 : i32
    %dma_wait3A_37 = tpu.memref_slice %arg9[%dma_wait3A_35, %dma_wait3A_36] : memref<10000x128xf32, #tpu.memory_space<vmem_shared>> -> memref<10000x128xf32, #tpu.memory_space<vmem_shared>>
    tpu.wait_indirect_dma semaphore(%arg14 : memref<!tpu.dma_semaphore, #tpu.memory_space<semaphore_mem>>) src(%arg8 : memref<125x128xf32, #tpu.memory_space<vmem>>) dst(%dma_wait3A_37 : memref<10000x128xf32, #tpu.memory_space<vmem_shared>>)
    %barrier3A_38 = arith.constant 0 : index
    tpu.barrier barrier_id(%barrier3A_38)
    %lt3A = arith.constant 15 : i32
    %lt3A_39 = arith.cmpi slt, %arg1, %lt3A : i32
    %convert_element_type3A_40 = arith.extui %lt3A_39 : i1 to i32
    %cond3A_41 = arith.constant 0 : i32
    %cond3A_42 = arith.cmpi ne, %convert_element_type3A_40, %cond3A_41 : i32
    scf.if %cond3A_42 {
      %mul3A_48 = arith.constant 624 : i32
      %mul3A_49 = arith.muli %arg1, %mul3A_48 : i32
      %mul3A_50 = arith.constant 624 : i32
      %mul3A_51 = arith.muli %arg1, %mul3A_50 : i32
      "tpu.region"() ({
        %run_scoped3A = tpu.sem_alloc : memref<!tpu.dma_semaphore, #tpu.memory_space<semaphore_mem>>
        %dma_start3A_52 = arith.constant 0 : i32
        %dma_start3A_53 = tpu.memref_slice %arg4[%arg0, %mul3A_51, %dma_start3A_52] : memref<2x10000x128xf32, #tpu.memory_space<hbm>> -> memref<1x624x128xf32, #tpu.memory_space<hbm>>
        %dma_start3A_54 = tpu.memref_squeeze %dma_start3A_53 : memref<1x624x128xf32, #tpu.memory_space<hbm>> -> memref<624x128xf32, #tpu.memory_space<hbm>>
        %dma_start3A_55 = arith.constant 0 : i32
        %dma_start3A_56 = tpu.memref_slice %arg9[%mul3A_49, %dma_start3A_55] : memref<10000x128xf32, #tpu.memory_space<vmem_shared>> -> memref<624x128xf32, #tpu.memory_space<vmem_shared>>
        tpu.enqueue_dma source(%dma_start3A_56 : memref<624x128xf32, #tpu.memory_space<vmem_shared>>) target(%dma_start3A_54 : memref<624x128xf32, #tpu.memory_space<hbm>>) target_semaphore(%run_scoped3A : memref<!tpu.dma_semaphore, #tpu.memory_space<semaphore_mem>>)
        %dma_wait3A_57 = arith.constant 0 : i32
        %dma_wait3A_58 = tpu.memref_slice %arg4[%arg0, %mul3A_51, %dma_wait3A_57] : memref<2x10000x128xf32, #tpu.memory_space<hbm>> -> memref<1x624x128xf32, #tpu.memory_space<hbm>>
        %dma_wait3A_59 = tpu.memref_squeeze %dma_wait3A_58 : memref<1x624x128xf32, #tpu.memory_space<hbm>> -> memref<624x128xf32, #tpu.memory_space<hbm>>
        %dma_wait3A_60 = arith.constant 0 : i32
        %dma_wait3A_61 = tpu.memref_slice %arg9[%mul3A_49, %dma_wait3A_60] : memref<10000x128xf32, #tpu.memory_space<vmem_shared>> -> memref<624x128xf32, #tpu.memory_space<vmem_shared>>
        tpu.wait_dma2 semaphore(%run_scoped3A : memref<!tpu.dma_semaphore, #tpu.memory_space<semaphore_mem>>) src(%dma_wait3A_61 : memref<624x128xf32, #tpu.memory_space<vmem_shared>>) dst(%dma_wait3A_59 : memref<624x128xf32, #tpu.memory_space<hbm>>)
        tpu.yield
      }) : () -> ()
    } else {
    }
    %eq3A_43 = arith.constant 15 : i32
    %eq3A_44 = arith.cmpi eq, %arg1, %eq3A_43 : i32
    %convert_element_type3A_45 = arith.extui %eq3A_44 : i1 to i32
    %cond3A_46 = arith.constant 0 : i32
    %cond3A_47 = arith.cmpi ne, %convert_element_type3A_45, %cond3A_46 : i32
    scf.if %cond3A_47 {
      "tpu.region"() ({
        %run_scoped3A = tpu.sem_alloc : memref<!tpu.dma_semaphore, #tpu.memory_space<semaphore_mem>>
        %dma_start3A_48 = arith.constant 9360 : i32
        %dma_start3A_49 = arith.constant 0 : i32
        %dma_start3A_50 = tpu.memref_slice %arg4[%arg0, %dma_start3A_48, %dma_start3A_49] : memref<2x10000x128xf32, #tpu.memory_space<hbm>> -> memref<1x640x128xf32, #tpu.memory_space<hbm>>
        %dma_start3A_51 = tpu.memref_squeeze %dma_start3A_50 : memref<1x640x128xf32, #tpu.memory_space<hbm>> -> memref<640x128xf32, #tpu.memory_space<hbm>>
        %dma_start3A_52 = arith.constant 9360 : i32
        %dma_start3A_53 = arith.constant 0 : i32
        %dma_start3A_54 = tpu.memref_slice %arg9[%dma_start3A_52, %dma_start3A_53] : memref<10000x128xf32, #tpu.memory_space<vmem_shared>> -> memref<640x128xf32, #tpu.memory_space<vmem_shared>>
        tpu.enqueue_dma source(%dma_start3A_54 : memref<640x128xf32, #tpu.memory_space<vmem_shared>>) target(%dma_start3A_51 : memref<640x128xf32, #tpu.memory_space<hbm>>) target_semaphore(%run_scoped3A : memref<!tpu.dma_semaphore, #tpu.memory_space<semaphore_mem>>)
        %dma_wait3A_55 = arith.constant 9360 : i32
        %dma_wait3A_56 = arith.constant 0 : i32
        %dma_wait3A_57 = tpu.memref_slice %arg4[%arg0, %dma_wait3A_55, %dma_wait3A_56] : memref<2x10000x128xf32, #tpu.memory_space<hbm>> -> memref<1x640x128xf32, #tpu.memory_space<hbm>>
        %dma_wait3A_58 = tpu.memref_squeeze %dma_wait3A_57 : memref<1x640x128xf32, #tpu.memory_space<hbm>> -> memref<640x128xf32, #tpu.memory_space<hbm>>
        %dma_wait3A_59 = arith.constant 9360 : i32
        %dma_wait3A_60 = arith.constant 0 : i32
        %dma_wait3A_61 = tpu.memref_slice %arg9[%dma_wait3A_59, %dma_wait3A_60] : memref<10000x128xf32, #tpu.memory_space<vmem_shared>> -> memref<640x128xf32, #tpu.memory_space<vmem_shared>>
        tpu.wait_dma2 semaphore(%run_scoped3A : memref<!tpu.dma_semaphore, #tpu.memory_space<semaphore_mem>>) src(%dma_wait3A_61 : memref<640x128xf32, #tpu.memory_space<vmem_shared>>) dst(%dma_wait3A_58 : memref<640x128xf32, #tpu.memory_space<hbm>>)
        tpu.yield
      }) : () -> ()
    } else {
    }
    return
  }
}

module attributes {stable_mosaic.version = 14 : i64} {
  func.func @_tc_hg_body(%arg0: i32, %arg1: memref<1000x32xf32, #tpu.memory_space<vmem>>, %arg2: memref<1000x128xf32, #tpu.memory_space<vmem>>, %arg3: memref<128x128xf32, #tpu.memory_space<vmem>>, %arg4: memref<1000x128xf32, #tpu.memory_space<vmem>>, %arg5: memref<1000x1xf32, #tpu.memory_space<vmem>>) attributes {dimension_semantics = [#tpu.dimension_semantics<arbitrary>], iteration_bounds = array<i64: 10>, scalar_prefetch = 0 : i64, scratch_operands = 0 : i64, tpu.core_type = #tpu.core_type<tc>, window_params = [{transform_indices = @transform_0, window_bounds = array<i64: 1000, 32>}, {transform_indices = @transform_1, window_bounds = array<i64: 1000, 128>}, {pipeline_mode = #tpu.pipeline_mode<synchronous>, transform_indices = @transform_2, window_bounds = array<i64: 128, 128>}, {transform_indices = @transform_3, window_bounds = array<i64: 1000, 128>}, {transform_indices = @transform_4, window_bounds = array<i64: 1000, 1>}]} {
    %get3A = arith.constant 0 : index
    %get3A_0 = arith.constant 0 : index
    %get3A_1 = vector.load %arg1[%get3A, %get3A_0] : memref<1000x32xf32, #tpu.memory_space<vmem>>, vector<1000x32xf32>
    %reduce_sum3A = arith.constant dense<0.000000e+00> : vector<1000xf32>
    %reduce_sum3A_2 = vector.multi_reduction <add>, %get3A_1, %reduce_sum3A [1] : vector<1000x32xf32> to vector<1000xf32>
    %add3A = arith.constant 1.000000e+00 : f32
    %add3A_3 = vector.broadcast %add3A : f32 to vector<1000xf32>
    %add3A_4 = arith.addf %reduce_sum3A_2, %add3A_3 : vector<1000xf32>
    %rsqrt3A = math.rsqrt %add3A_4 : vector<1000xf32>
    %broadcast_in_dim3A = vector.shape_cast %rsqrt3A : vector<1000xf32> to vector<1000x1xf32>
    %get3A_5 = arith.constant 0 : index
    %get3A_6 = arith.constant 0 : index
    %get3A_7 = vector.load %arg2[%get3A_5, %get3A_6] : memref<1000x128xf32, #tpu.memory_space<vmem>>, vector<1000x128xf32>
    %get3A_8 = arith.constant 0 : index
    %get3A_9 = arith.constant 0 : index
    %get3A_10 = vector.load %arg3[%get3A_8, %get3A_9] : memref<128x128xf32, #tpu.memory_space<vmem>>, vector<128x128xf32>
    %dot_general3A = arith.constant dense<0.000000e+00> : vector<1000x128xf32>
    %dot_general3A_11 = tpu.matmul %get3A_7, %get3A_10, %dot_general3A {dimension_numbers = #tpu.dot_dimension_numbers<[1], [0], [0], [1], [0, 0, 1, 1], [], []>, transpose_lhs_hint = false} : vector<1000x128xf32>, vector<128x128xf32>, vector<1000x128xf32> -> vector<1000x128xf32>
    %mul3A = vector.broadcast %broadcast_in_dim3A : vector<1000x1xf32> to vector<1000x128xf32>
    %mul3A_12 = arith.mulf %dot_general3A_11, %mul3A : vector<1000x128xf32>
    %swap3A = arith.constant 0 : index
    %swap3A_13 = arith.constant 0 : index
    %swap3A_14 = vector.load %arg4[%swap3A, %swap3A_13] : memref<1000x128xf32, #tpu.memory_space<vmem>>, vector<1000x128xf32>
    tpu.vector_store %arg4[%swap3A, %swap3A_13], %mul3A_12 {strides = array<i32>} : memref<1000x128xf32, #tpu.memory_space<vmem>>, vector<1000x128xf32>,
    %swap3A_15 = arith.constant 0 : index
    %swap3A_16 = arith.constant 0 : index
    %swap3A_17 = vector.load %arg5[%swap3A_15, %swap3A_16] : memref<1000x1xf32, #tpu.memory_space<vmem>>, vector<1000x1xf32>
    tpu.vector_store %arg5[%swap3A_15, %swap3A_16], %broadcast_in_dim3A {strides = array<i32>} : memref<1000x1xf32, #tpu.memory_space<vmem>>, vector<1000x1xf32>,
    return
  }
  func.func @transform_0(%arg0: i32) -> (i32, i32) {
    %c0_i32 = arith.constant 0 : i32
    %c0_i32_0 = arith.constant 0 : i32
    return %arg0, %c0_i32 : i32, i32
  }
  func.func @transform_1(%arg0: i32) -> (i32, i32) {
    %c0_i32 = arith.constant 0 : i32
    %c0_i32_0 = arith.constant 0 : i32
    return %arg0, %c0_i32 : i32, i32
  }
  func.func @transform_2(%arg0: i32) -> (i32, i32) {
    %c0_i32 = arith.constant 0 : i32
    %c0_i32_0 = arith.constant 0 : i32
    %c0_i32_1 = arith.constant 0 : i32
    return %c0_i32, %c0_i32_0 : i32, i32
  }
  func.func @transform_3(%arg0: i32) -> (i32, i32) {
    %c0_i32 = arith.constant 0 : i32
    %c0_i32_0 = arith.constant 0 : i32
    return %arg0, %c0_i32 : i32, i32
  }
  func.func @transform_4(%arg0: i32) -> (i32, i32) {
    %c0_i32 = arith.constant 0 : i32
    %c0_i32_0 = arith.constant 0 : i32
    return %arg0, %c0_i32 : i32, i32
  }
}

module attributes {stable_mosaic.version = 14 : i64} {
  func.func @_tc_mid_body(%arg0: i32, %arg1: memref<1000x1xf32, #tpu.memory_space<vmem>>, %arg2: memref<2x1000x128xf32, #tpu.memory_space<vmem>>, %arg3: memref<1000x128xf32, #tpu.memory_space<vmem>>, %arg4: memref<1x128xf32, #tpu.memory_space<vmem>>, %arg5: memref<128x128xf32, #tpu.memory_space<vmem>>, %arg6: memref<1000x128xf32, #tpu.memory_space<vmem>>) attributes {dimension_semantics = [#tpu.dimension_semantics<arbitrary>], iteration_bounds = array<i64: 10>, scalar_prefetch = 0 : i64, scratch_operands = 0 : i64, tpu.core_type = #tpu.core_type<tc>, window_params = [{transform_indices = @transform_0, window_bounds = array<i64: 1000, 1>}, {transform_indices = @transform_1, window_bounds = array<i64: 2, 1000, 128>}, {transform_indices = @transform_2, window_bounds = array<i64: 1000, 128>}, {pipeline_mode = #tpu.pipeline_mode<synchronous>, transform_indices = @transform_3, window_bounds = array<i64: 1, 128>}, {pipeline_mode = #tpu.pipeline_mode<synchronous>, transform_indices = @transform_4, window_bounds = array<i64: 128, 128>}, {transform_indices = @transform_5, window_bounds = array<i64: 1000, 128>}]} {
    %get3A = arith.constant 0 : index
    %get3A_0 = arith.constant 0 : index
    %get3A_1 = vector.load %arg1[%get3A, %get3A_0] : memref<1000x1xf32, #tpu.memory_space<vmem>>, vector<1000x1xf32>
    %get3A_2 = arith.constant 0 : index
    %get3A_3 = arith.constant 0 : index
    %get3A_4 = arith.constant 0 : index
    %get3A_5 = vector.load %arg2[%get3A_2, %get3A_3, %get3A_4] : memref<2x1000x128xf32, #tpu.memory_space<vmem>>, vector<1x1000x128xf32>
    %get3A_6 = vector.shape_cast %get3A_5 : vector<1x1000x128xf32> to vector<1000x128xf32>
    %get3A_7 = arith.constant 1 : index
    %get3A_8 = arith.constant 0 : index
    %get3A_9 = arith.constant 0 : index
    %get3A_10 = vector.load %arg2[%get3A_7, %get3A_8, %get3A_9] : memref<2x1000x128xf32, #tpu.memory_space<vmem>>, vector<1x1000x128xf32>
    %get3A_11 = vector.shape_cast %get3A_10 : vector<1x1000x128xf32> to vector<1000x128xf32>
    %add3A = arith.addf %get3A_6, %get3A_11 : vector<1000x128xf32>
    %get3A_12 = arith.constant 0 : index
    %get3A_13 = arith.constant 0 : index
    %get3A_14 = vector.load %arg3[%get3A_12, %get3A_13] : memref<1000x128xf32, #tpu.memory_space<vmem>>, vector<1000x128xf32>
    %add3A_15 = arith.addf %add3A, %get3A_14 : vector<1000x128xf32>
    %mul3A = vector.broadcast %get3A_1 : vector<1000x1xf32> to vector<1000x128xf32>
    %mul3A_16 = arith.mulf %add3A_15, %mul3A : vector<1000x128xf32>
    %get3A_17 = arith.constant 0 : index
    %get3A_18 = arith.constant 0 : index
    %get3A_19 = vector.load %arg4[%get3A_17, %get3A_18] : memref<1x128xf32, #tpu.memory_space<vmem>>, vector<1x128xf32>
    %add3A_20 = vector.broadcast %get3A_19 : vector<1x128xf32> to vector<1000x128xf32>
    %add3A_21 = arith.addf %mul3A_16, %add3A_20 : vector<1000x128xf32>
    %max3A = arith.constant 0.000000e+00 : f32
    %max3A_22 = vector.broadcast %max3A : f32 to vector<1000x128xf32>
    %max3A_23 = arith.maximumf %add3A_21, %max3A_22 : vector<1000x128xf32>
    %get3A_24 = arith.constant 0 : index
    %get3A_25 = arith.constant 0 : index
    %get3A_26 = vector.load %arg5[%get3A_24, %get3A_25] : memref<128x128xf32, #tpu.memory_space<vmem>>, vector<128x128xf32>
    %dot_general3A = arith.constant dense<0.000000e+00> : vector<1000x128xf32>
    %dot_general3A_27 = tpu.matmul %max3A_23, %get3A_26, %dot_general3A {dimension_numbers = #tpu.dot_dimension_numbers<[1], [0], [0], [1], [0, 0, 1, 1], [], []>, transpose_lhs_hint = false} : vector<1000x128xf32>, vector<128x128xf32>, vector<1000x128xf32> -> vector<1000x128xf32>
    %mul3A_28 = vector.broadcast %get3A_1 : vector<1000x1xf32> to vector<1000x128xf32>
    %mul3A_29 = arith.mulf %dot_general3A_27, %mul3A_28 : vector<1000x128xf32>
    %swap3A = arith.constant 0 : index
    %swap3A_30 = arith.constant 0 : index
    %swap3A_31 = vector.load %arg6[%swap3A, %swap3A_30] : memref<1000x128xf32, #tpu.memory_space<vmem>>, vector<1000x128xf32>
    tpu.vector_store %arg6[%swap3A, %swap3A_30], %mul3A_29 {strides = array<i32>} : memref<1000x128xf32, #tpu.memory_space<vmem>>, vector<1000x128xf32>,
    return
  }
  func.func @transform_0(%arg0: i32) -> (i32, i32) {
    %c0_i32 = arith.constant 0 : i32
    %c0_i32_0 = arith.constant 0 : i32
    return %arg0, %c0_i32 : i32, i32
  }
  func.func @transform_1(%arg0: i32) -> (i32, i32, i32) {
    %c0_i32 = arith.constant 0 : i32
    %c0_i32_0 = arith.constant 0 : i32
    %c0_i32_1 = arith.constant 0 : i32
    return %c0_i32, %arg0, %c0_i32_0 : i32, i32, i32
  }
  func.func @transform_2(%arg0: i32) -> (i32, i32) {
    %c0_i32 = arith.constant 0 : i32
    %c0_i32_0 = arith.constant 0 : i32
    return %arg0, %c0_i32 : i32, i32
  }
  func.func @transform_3(%arg0: i32) -> (i32, i32) {
    %c0_i32 = arith.constant 0 : i32
    %c0_i32_0 = arith.constant 0 : i32
    %c0_i32_1 = arith.constant 0 : i32
    return %c0_i32, %c0_i32_0 : i32, i32
  }
  func.func @transform_4(%arg0: i32) -> (i32, i32) {
    %c0_i32 = arith.constant 0 : i32
    %c0_i32_0 = arith.constant 0 : i32
    %c0_i32_1 = arith.constant 0 : i32
    return %c0_i32, %c0_i32_0 : i32, i32
  }
  func.func @transform_5(%arg0: i32) -> (i32, i32) {
    %c0_i32 = arith.constant 0 : i32
    %c0_i32_0 = arith.constant 0 : i32
    return %arg0, %c0_i32 : i32, i32
  }
}

module attributes {stable_mosaic.version = 14 : i64} {
  func.func @_tc_out_body(%arg0: i32, %arg1: memref<1000x1xf32, #tpu.memory_space<vmem>>, %arg2: memref<2x1000x128xf32, #tpu.memory_space<vmem>>, %arg3: memref<1000x128xf32, #tpu.memory_space<vmem>>, %arg4: memref<1x128xf32, #tpu.memory_space<vmem>>, %arg5: memref<1000x128xf32, #tpu.memory_space<vmem>>) attributes {dimension_semantics = [#tpu.dimension_semantics<arbitrary>], iteration_bounds = array<i64: 10>, scalar_prefetch = 0 : i64, scratch_operands = 0 : i64, tpu.core_type = #tpu.core_type<tc>, window_params = [{transform_indices = @transform_0, window_bounds = array<i64: 1000, 1>}, {transform_indices = @transform_1, window_bounds = array<i64: 2, 1000, 128>}, {transform_indices = @transform_2, window_bounds = array<i64: 1000, 128>}, {pipeline_mode = #tpu.pipeline_mode<synchronous>, transform_indices = @transform_3, window_bounds = array<i64: 1, 128>}, {transform_indices = @transform_4, window_bounds = array<i64: 1000, 128>}]} {
    %get3A = arith.constant 0 : index
    %get3A_0 = arith.constant 0 : index
    %get3A_1 = vector.load %arg1[%get3A, %get3A_0] : memref<1000x1xf32, #tpu.memory_space<vmem>>, vector<1000x1xf32>
    %get3A_2 = arith.constant 0 : index
    %get3A_3 = arith.constant 0 : index
    %get3A_4 = arith.constant 0 : index
    %get3A_5 = vector.load %arg2[%get3A_2, %get3A_3, %get3A_4] : memref<2x1000x128xf32, #tpu.memory_space<vmem>>, vector<1x1000x128xf32>
    %get3A_6 = vector.shape_cast %get3A_5 : vector<1x1000x128xf32> to vector<1000x128xf32>
    %get3A_7 = arith.constant 1 : index
    %get3A_8 = arith.constant 0 : index
    %get3A_9 = arith.constant 0 : index
    %get3A_10 = vector.load %arg2[%get3A_7, %get3A_8, %get3A_9] : memref<2x1000x128xf32, #tpu.memory_space<vmem>>, vector<1x1000x128xf32>
    %get3A_11 = vector.shape_cast %get3A_10 : vector<1x1000x128xf32> to vector<1000x128xf32>
    %add3A = arith.addf %get3A_6, %get3A_11 : vector<1000x128xf32>
    %get3A_12 = arith.constant 0 : index
    %get3A_13 = arith.constant 0 : index
    %get3A_14 = vector.load %arg3[%get3A_12, %get3A_13] : memref<1000x128xf32, #tpu.memory_space<vmem>>, vector<1000x128xf32>
    %add3A_15 = arith.addf %add3A, %get3A_14 : vector<1000x128xf32>
    %mul3A = vector.broadcast %get3A_1 : vector<1000x1xf32> to vector<1000x128xf32>
    %mul3A_16 = arith.mulf %add3A_15, %mul3A : vector<1000x128xf32>
    %get3A_17 = arith.constant 0 : index
    %get3A_18 = arith.constant 0 : index
    %get3A_19 = vector.load %arg4[%get3A_17, %get3A_18] : memref<1x128xf32, #tpu.memory_space<vmem>>, vector<1x128xf32>
    %add3A_20 = vector.broadcast %get3A_19 : vector<1x128xf32> to vector<1000x128xf32>
    %add3A_21 = arith.addf %mul3A_16, %add3A_20 : vector<1000x128xf32>
    %swap3A = arith.constant 0 : index
    %swap3A_22 = arith.constant 0 : index
    %swap3A_23 = vector.load %arg5[%swap3A, %swap3A_22] : memref<1000x128xf32, #tpu.memory_space<vmem>>, vector<1000x128xf32>
    tpu.vector_store %arg5[%swap3A, %swap3A_22], %add3A_21 {strides = array<i32>} : memref<1000x128xf32, #tpu.memory_space<vmem>>, vector<1000x128xf32>,
    return
  }
  func.func @transform_0(%arg0: i32) -> (i32, i32) {
    %c0_i32 = arith.constant 0 : i32
    %c0_i32_0 = arith.constant 0 : i32
    return %arg0, %c0_i32 : i32, i32
  }
  func.func @transform_1(%arg0: i32) -> (i32, i32, i32) {
    %c0_i32 = arith.constant 0 : i32
    %c0_i32_0 = arith.constant 0 : i32
    %c0_i32_1 = arith.constant 0 : i32
    return %c0_i32, %arg0, %c0_i32_0 : i32, i32, i32
  }
  func.func @transform_2(%arg0: i32) -> (i32, i32) {
    %c0_i32 = arith.constant 0 : i32
    %c0_i32_0 = arith.constant 0 : i32
    return %arg0, %c0_i32 : i32, i32
  }
  func.func @transform_3(%arg0: i32) -> (i32, i32) {
    %c0_i32 = arith.constant 0 : i32
    %c0_i32_0 = arith.constant 0 : i32
    %c0_i32_1 = arith.constant 0 : i32
    return %c0_i32, %c0_i32_0 : i32, i32
  }
  func.func @transform_4(%arg0: i32) -> (i32, i32) {
    %c0_i32 = arith.constant 0 : i32
    %c0_i32_0 = arith.constant 0 : i32
    return %arg0, %c0_i32 : i32, i32
  }
}

</mosaic_0001>

<sc_bundles>
// kernel: kernel.11.cloned.1.call-start
scs
__scs_entry_jumppad:
0x0: {  	(pc) =	sbr.rel $0x88, $3  }
0x1: {  	(tag) =	ssettag $0x0;
	lr =	simm.s32 $0x1  }
0x2: {  	[smem:$0x3F9B] =	sst lr;
	_ =	strace $0xD0000000  }
0x3: {  	_ = 	snop  }
0x4: {  	_ = 	snop  }
0x5: {  	_ = 	snop  }
0x6: {  	_ = 	snop  }
0x7: {  	_ = 	snop  }
__scs_overlays_trampoline_lowered:
0x8: {  	[smem:$0x3FAA] =	sst s0  }
0x9: {  	[smem:$0x3FAB] =	sst s1  }
0xa: {  	[smem:$0x3FAC] =	sst s2  }
0xb: {  	[smem:$0x3FAD] =	sst s3  }
0xc: {  	[smem:$0x3FAE] =	sst s4  }
0xd: {  	[smem:$0x3FAF] =	sst s5  }
0xe: {  	[smem:$0x3FB0] =	sst s6  }
0xf: {  	[smem:$0x3FB1] =	sst s7  }
0x10: {  	[smem:$0x3FB2] =	sst s8  }
0x11: {  	[smem:$0x3FB3] =	sst s9;
	s0 =	simm.s32 @!p0 $0x0  }
0x12: {  	s1 =	sld [smem:$0x3F99];
	s0 =	simm.s32 @p0 $0x1  }
0x13: {  	[smem:$0x3FB4] =	sst s0;
	s0 =	simm.s32 @!p1 $0x0  }
0x14: {  	s2 =	sld [smem:$0x3F98];
	s0 =	simm.s32 @p1 $0x1  }
0x15: {  	[smem:$0x3FB5] =	sst s0;
	s0 =	simm.s32 @!p2 $0x0  }
0x16: {  	s3 =	sld [smem:$0x3FDB];
	s0 =	simm.s32 @p2 $0x1  }
0x17: {  	s4 =	simm.s32 $0x1BF5;
	[smem:$0x3FB7] =	sst s0  }
0x18: {  	s0 =	sld [smem:$0x3F9A];
	_ =	swait.ge [sflag:s4], $0x0  }
0x19: {  	s7 =	sld [smem:$0x3F9B]  }
0x1a: {  	s8 =	sadd.s32 $0xFFFFE003, lr  }
0x1b: {  	s9 =	sadd.s32 $0xFFFFFEF7, lr;
	s5 =	simm.s32 $0xFFFFFFFF;
	p2 =	slt.u32 s8, $0xFFFFF086  }
0x1c: {  	p1 =	slt.u32 s9, $0xF7A;
	s5 =	simm.s32 @!p2 $0x0  }
0x1d: {  	s5 =	simm.s32 @p1 $0x1;
	p0 =	seq.s32 s7, s2  }
0x1e: {  	s7 =	smul.u32 @!p0 $0xF7A, s2;
	p2 =	seq.s32 @!p0 s5, $0x0  }
0x1f: {  	s9 =	smul.u32 $0xF7A, s1;
	s8 =	simm.s32 @!p0 $0x1BF5;
	p2 =	por !p2, p0  }
0x20: {  	[sflag:s8] =	ssyncset.s32 @!p0 $0xFFFFF086;
	s6 =	sadd.s32 @!p0 s3, s7;
	s7 =	simm.s32 @!p0 $0x108  }
0x21: {  	s3 =	sadd.s32 s3, s9;
	s6 =	sadd.s32 @!p0 $0x88, s6;
	s7 =	simm.s32 @p2 $0x1082  }
0x22: {  	[simem:s7], [sflag:s8] =	dma.local @!p0 [hbm:s6], $0xF7A  }
0x23: {  	s9 =	sor.u32 $0xD0000000, s2;
	s6 =	simm.s32 $0x108;
	_ =	swait.ge @!p0 [sflag:s8], $0x0  }
0x24: {  	s3 =	sadd.s32 $0x88, s3;
	s6 =	simm.s32 @!p1 $0x1082;
	[sflag:s4] =	ssyncset.s32 $0xFFFFF086  }
0x25: {  	[simem:s6], [sflag:s4] =	dma.local [hbm:s3], $0xF7A  }
0x26: {  	[smem:$0x3F9B] =	sst s1;
	(tag) =	ssettag s2;
	_ =	strace s9  }
0x27: {  	s1 =	sld [smem:$0x3FAB]  }
0x28: {  	s2 =	sld [smem:$0x3FAC]  }
0x29: {  	s4 =	sld [smem:$0x3FAE]  }
0x2a: {  	p0 =	seq.s32 s5, $0x0;
	s5 =	sld [smem:$0x3FAF]  }
0x2b: {  	s6 =	sld [smem:$0x3FB0]  }
0x2c: {  	s7 =	sld [smem:$0x3FB1]  }
0x2d: {  	s3 =	simm.s32 $0x108;
	s8 =	sld [smem:$0x3FB2]  }
0x2e: {  	s3 =	simm.s32 @!p0 $0x1082;
	s9 =	sld [smem:$0x3FB3]  }
0x2f: {  	lr =	sadd.s32 s0, s3;
	s0 =	sld [smem:$0x3FAA]  }
0x30: {  	s3 =	sld [smem:$0x3FAD]  }
0x31: {  	[smem:$0x3FB6] =	sst s10  }
0x32: {  	s10 =	sld [smem:$0x3FB4];
	_ =	sdelay $0x3  }
0x33: {  	p0 =	seq.s32 s10, $0x1;
	s10 =	sld [smem:$0x3FB6];
	_ =	sdelay $0x3  }
0x34: {  	[smem:$0x3FB6] =	sst s10  }
0x35: {  	s10 =	sld [smem:$0x3FB5];
	_ =	sdelay $0x3  }
0x36: {  	p1 =	seq.s32 s10, $0x1;
	s10 =	sld [smem:$0x3FB6];
	_ =	sdelay $0x3  }
0x37: {  	[smem:$0x3FB6] =	sst s10  }
0x38: {  	s10 =	sld [smem:$0x3FB7]  }
0x39: {  	_ = 	snop;
	(pc) =	sbr.ind lr, $3  }
0x3a: {  	_ = 	snop  }
0x3b: {  	_ = 	snop  }
0x3c: {  	p2 =	seq.s32 s10, $0x1;
	s10 =	sld [smem:$0x3FB6]  }
0x3d: {  	_ =	shalt  }
0x3e: {  	_ =	shalt  }
0x3f: {  	_ =	shalt  }
0x40: {  	_ =	shalt  }
0x41: {  	_ =	shalt  }
0x42: {  	_ =	shalt  }
0x43: {  	_ =	shalt  }
0x44: {  	_ =	shalt  }
0x45: {  	_ =	shalt  }
0x46: {  	_ =	shalt  }
0x47: {  	_ =	shalt  }
0x48: {  	_ =	shalt  }
0x49: {  	_ =	shalt  }
0x4a: {  	_ =	shalt  }
0x4b: {  	_ =	shalt  }
0x4c: {  	_ =	shalt  }
0x4d: {  	_ =	shalt  }
0x4e: {  	_ =	shalt  }
0x4f: {  	_ =	shalt  }
0x50: {  	_ =	shalt  }
0x51: {  	_ =	shalt  }
0x52: {  	_ =	shalt  }
0x53: {  	_ =	shalt  }
0x54: {  	_ =	shalt  }
0x55: {  	_ =	shalt  }
0x56: {  	_ =	shalt  }
0x57: {  	_ =	shalt  }
0x58: {  	_ =	shalt  }
0x59: {  	_ =	shalt  }
0x5a: {  	_ =	shalt  }
0x5b: {  	_ =	shalt  }
0x5c: {  	_ =	shalt  }
0x5d: {  	_ =	shalt  }
0x5e: {  	_ =	shalt  }
0x5f: {  	_ =	shalt  }
0x60: {  	_ =	shalt  }
0x61: {  	_ =	shalt  }
0x62: {  	_ =	shalt  }
0x63: {  	_ =	shalt  }
0x64: {  	_ =	shalt  }
0x65: {  	_ =	shalt  }
0x66: {  	_ =	shalt  }
0x67: {  	_ =	shalt  }
0x68: {  	_ =	shalt  }
0x69: {  	_ =	shalt  }
0x6a: {  	_ =	shalt  }
0x6b: {  	_ =	shalt  }
0x6c: {  	_ =	shalt  }
0x6d: {  	_ =	shalt  }
0x6e: {  	_ =	shalt  }
0x6f: {  	_ =	shalt  }
0x70: {  	_ =	shalt  }
0x71: {  	_ =	shalt  }
0x72: {  	_ =	shalt  }
0x73: {  	_ =	shalt  }
0x74: {  	_ =	shalt  }
0x75: {  	_ =	shalt  }
0x76: {  	_ =	shalt  }
0x77: {  	_ =	shalt  }
0x78: {  	_ =	shalt  }
0x79: {  	_ =	shalt  }
0x7a: {  	_ =	shalt  }
0x7b: {  	_ =	shalt  }
0x7c: {  	_ =	shalt  }
0x7d: {  	_ =	shalt  }
0x7e: {  	_ =	shalt  }
0x7f: {  	_ =	shalt  }
0x80: {  	_ =	shalt  }
0x81: {  	_ =	shalt  }
0x82: {  	_ =	shalt  }
0x83: {  	_ =	shalt  }
0x84: {  	_ =	shalt  }
0x85: {  	_ =	shalt  }
0x86: {  	_ =	shalt  }
0x87: {  	_ =	shalt  }
.Lfunc_end0:
.L_simem_size_0:
called_computation.1_lowered:
.L_overlay_start_0:
0x88: {  	s2 =	sld [smem:$0x3FD9]  }
0x89: {  	s3 =	sld [smem:$0x3FFE];
	_ =	sdelay $0x1  }
0x8a: {  	s1 =	srdreg.scid  }
0x8b: {  	s0 =	sand.u32 $0x1, s1  }
0x8c: {  	s17 =	sshll.u32 s0, $0xA;
	s2 =	sadd.s32 s3, s2  }
0x8d: {  	s2 =	sadd.s32 s2, s17  }
0x8e: {  	[smem:$0x3FC2] =	sst s2  }
0x8f: {  	_ = 	snop  }
0x90: {  	s2 =	sld [smem:$0x3FD0];
	(tm) =	ssettm $0x1  }
0x91: {  	s18 =	sld [smem:$0x3FFB];
	_ =	sdelay $0x3  }
0x92: {  	_ =	strace s18  }
0x93: {  	s3 =	sld [smem:$0x3FFC];
	_ =	sdelay $0x3  }
0x94: {  	_ =	strace s3  }
0x95: {  	s3 =	sld [smem:$0x3FFD];
	_ =	sdelay $0x3  }
0x96: {  	_ =	strace s3  }
0x97: {  	_ =	strace $0x8FFFFFFF  }
0x98: {  	s19 =	sld [smem:$0x3FDB];
	_ =	sdelay $0x1  }
0x99: {  	s4 =	simm.s32 $_scs_section_size  }
0x9a: {  	s5 =	simm.s32 $_size__tile_overlayer_lowered;
	s6 =	simm.s32 $_tile_overlayer_lowered  }
0x9b: {  	s22 =	simm.s32 $0x1BFF;
	s21 =	sshll.u32 s6, $0x1;
	s3 =	sadd.s32 s4, s19  }
0x9c: {  	s7 =	simm.s32 $0x0;
	s20 =	sshll.u32 s5, $0x1;
	s5 =	sadd.s32 s21, s3  }
0x9d: {  	[timem:s7], [sflag:s22] =	dma.local [hbm:s5], s20  }
0x9e: {  	_ =	swait.ge [sflag:s22], s20  }
0x9f: {  	s4 =	ssub.s32 $0x0, s20;
	[sflag:s22] =	ssyncset.done $0x0  }
0xa0: {  	[sflag:s22] =	ssyncadd.s32 s4;
	_ =	sdelay $0x1  }
0xa1: {  	s23 =	simm.s32 $0x1B8B  }
0xa2: {  	_ =	swait.ge [sflag:s23], $0x1  }
0xa3: {  	[sflag:s23] =	ssyncset.done $0x0  }
0xa4: {  	s25 =	simm.s32 $0x1B8E;
	s24 =	sld [smem:$0x3FFE];
	[sflag:s23] =	ssyncadd.s32 $0xFFFFFFFF  }
0xa5: {  	s26 =	simm.s32 $execute0_lowered;
	[smem:$0x3FD2] =	sst s25  }
0xa6: {  	s5 =	sshll.u32 s26, $0x1;
	_ =	strace $0x80000049;
	[dreg:$0x1] =	wrdreg $0xFFFFFFFF  }
0xa7: {  	s28 =	simm.s32 $_size_execute0_lowered;
	s3 =	sadd.s32 s3, s5;
	[dreg:$0x0] =	wrdreg $0x0  }
0xa8: {  	s5 =	sshll.u32 s28, $0x1;
	[dreg:$0x2] =	wrdreg s3  }
0xa9: {  	[dreg:$0x3] =	wrdreg s5  }
0xaa: {  	[dreg:$0x4] =	wrdreg $0xC0  }
0xab: {  	_ =	task [dreg:s7], $0x5FFFF  }
0xac: {  	[dreg:$0x1] =	wrdreg $0xFFFFFFFF  }
0xad: {  	[dreg:$0x0] =	wrdreg $0x60  }
0xae: {  	[dreg:$0x2] =	wrdreg s24  }
0xaf: {  	[dreg:$0x3] =	wrdreg s2  }
0xb0: {  	[dreg:$0x4] =	wrdreg $0xA8000  }
0xb1: {  	[dreg:$0x5] =	wrdreg $0x9  }
0xb2: {  	_ =	task.clear_ibuf [dreg:s7], $0x6FFFF;
	_ =	strace $0x90000049  }
0xb3: {  	s29 =	simm.s32 $0x9;
	_ =	strace $0x8000004B  }
0xb4: {  	_ =	swait.ge [sflag:s29], $0x1  }
0xb5: {  	[sflag:s29] =	ssyncadd.s32 $0xFFFFFFFF  }
0xb6: {  	_ =	strace $0x9000004B  }
0xb7: {  	_ =	sfence  }
0xb8: {  	s30 =	sld [smem:$0x0];
	_ =	sdelay $0x2  }
0xb9: {  	s31 =	sshll.u32 s1, $0xD;
	s1 =	sshrl.u32 s1, $0x2  }
0xba: {  	s3 =	sand.u32 $0x4000, s31;
	s1 =	sadd.s32 s1, s30  }
0xbb: {  	s0 =	sor.u32 s3, s0;
	s1 =	sshll.u32 s1, $0x11  }
0xbc: {  	s0 =	sor.u32 s1, s0  }
0xbd: {  	s0 =	sadd.s32 $0x8F2B, s0  }
0xbe: {  	[sflag:s0] =	ssyncadd.remote.s32 $0x1  }
0xbf: {  	_ =	sfence.sel $0xFFFF  }
0xc0: {  	[dreg:$0x0] =	wrdreg $0xFFFFFFFF;
	(pc) =	sbr.abs _section_cstart, $3  }
0xc1: {  	[dreg:$0x1] =	wrdreg $0xFFFFFFFF  }
0xc2: {  	_ =	task.clear_ibuf [dreg:s7], $0x2FFFF;
	_ =	strace $0x9FFFFFFF  }
0xc3: {  	(tm) =	ssettm $0x7FFFFFFF  }
tec
execute0_lowered:
.L_overlay_start_1:
0x0: {  	(tag) =	ssettag $0x1  }
0x1: {  	s0 =	rddreg [dreg:$0x0]  }
0x2: {  	s1 =	rddreg [dreg:$0x1]  }
0x3: {  	s2 =	rddreg [dreg:$0x2];
	s3 =	simm.s32 $0x0;
	s4 =	srdreg.scid  }
0x4: {  	s12 =	stileid.u32;
	s31 =	simm.s32 $0x2800;
	s28 =	simm.s32 $0x2500  }
0x5: {  	s29 =	simm.s32 $0x2480;
	s30 =	simm.s32 $0x2600;
	[smem:$0x7FF] =	sst s3  }
0x6: {  	s4 =	sand.u32 $0x1, s4;
	s5 =	sadd.s32 $0xC400, s0;
	s7 =	smul.u32 $0x4E000, s12  }
0x7: {  	s0 =	sadd.s32 $0x20400, s0;
	s22 =	smul.u32 $0x13800, s12;
	s25 =	sadd.s32 $0x138000, s2  }
0x8: {  	p0 =	seq.s32 s12, $0xF;
	p1 =	sne.s32 s12, $0xF;
	_ =	strace $0x8000004A  }
0x9: {  	s6 =	sshll.u32 s4, $0x4;
	s8 =	ssub.s32 $0x2, s4;
	s7 =	sshrl.u32 s7, $0x2  }
0xa: {  	[dreg:$0x7] =	wrdreg s25;
	s9 =	sshrl.u32 s8, $0x1;
	s13 =	sadd.s32 s7, s2  }
0xb: {  	s8 =	ssub.s32 s8, s9;
	s24 =	sadd.s32 $0x12C00, s13;
	[dreg:$0x4] =	wrdreg s13  }
0xc: {  	s4 =	smul.u32 $0x138800, s4;
	s8 =	smax.u32 s8, $0x1;
	[dreg:$0x6] =	wrdreg s24  }
0xd: {  	s6 =	sor.u32 s12, s6;
	s9 =	sadd.s32 $0x1400, s13;
	[dreg:$0xa] =	wrdreg s8  }
0xe: {  	s12 =	simm.s32 $0x2;
	s14 =	sadd.s32 $0x2800, s13;
	[dreg:$0xb] =	wrdreg s9  }
0xf: {  	s6 =	smul.u32 $0x5000, s6;
	s15 =	sadd.s32 $0x3C00, s13;
	[dreg:$0xc] =	wrdreg s14  }
0x10: {  	s7 =	sadd.s32 s22, s4;
	s16 =	sadd.s32 $0x5000, s13;
	[dreg:$0xd] =	wrdreg s15  }
0x11: {  	s4 =	sshrl.u32 s4, $0x3;
	s17 =	sadd.s32 $0x6400, s13;
	[dreg:$0xe] =	wrdreg s16  }
0x12: {  	s26 =	sshrl.u32 s7, $0x3;
	s18 =	sadd.s32 $0x7800, s13;
	[dreg:$0xf] =	wrdreg s17  }
0x13: {  	s4 =	sadd.s32 s0, s4;
	s19 =	sadd.s32 $0x8C00, s13;
	[dreg:$0x10] =	wrdreg s18  }
0x14: {  	s20 =	sadd.s32 $0xA000, s13;
	s21 =	sadd.s32 $0xB400, s13;
	[dreg:$0x11] =	wrdreg s19  }
0x15: {  	s22 =	sadd.s32 $0xC800, s13;
	s25 =	sadd.s32 $0x10400, s13;
	[dreg:$0x12] =	wrdreg s20  }
0x16: {  	s10 =	sshrl.u32 s6, $0x3;
	s0 =	sadd.s32 s0, s26;
	[dreg:$0x13] =	wrdreg s21  }
0x17: {  	s7 =	sadd.s32 $0x24900, s4;
	[dreg:$0x14] =	wrdreg s22;
	s24 =	sadd.s32 $0xF000, s13  }
0x18: {  	[dreg:$0x18] =	wrdreg s25;
	s26 =	sadd.s32 $0x11800, s13;
	s4 =	simm.s32 $0x1  }
0x19: {  	s8 =	simm.s32 $0x1400;
	s9 =	simm.s32 $0x7D;
	s21 =	simm.s32 $0x100  }
0x1a: {  	s14 =	simm.s32 $0x6800;
	s16 =	simm.s32 $0x3;
	s17 =	simm.s32 $0x4  }
0x1b: {  	s20 =	simm.s32 $0x5;
	s22 =	simm.s32 $0x2180;
	[dreg:$0x8] =	wrdreg s0  }
0x1c: {  	s25 =	simm.s32 $0x2400;
	s15 =	simm.s32 $0x2680;
	[dreg:$0x9] =	wrdreg s7  }
0x1d: {  	s18 =	simm.s32 $0x2780;
	s23 =	sadd.s32 s5, s10;
	[dreg:$0x17] =	wrdreg s24  }
0x1e: {  	s10 =	sadd.s32 $0x1400, s6;
	s0 =	sadd.s32 $0x124800, s2;
	[dreg:$0x19] =	wrdreg s26  }
0x1f: {  	s24 =	simm.s32 $0x2280;
	s26 =	simm.s32 $0x2380;
	s6 =	simm.s32 $0x2580  }
0x20: {  	[dreg:$0x5] =	wrdreg s23;
	s11 =	sadd.s32 $0x500, s23;
	s0 =	sshrl.u32 @p0 s0, $0x3  }
0x21: {  	s23 =	sadd.s32 $0xDC00, s13;
	s13 =	simm.s32 $0x2700;
	[dreg:$0x15] =	wrdreg s0  }
0x22: {  	v0 =	vimm.f32 $0.0e+00;
	[dreg:$0x16] =	wrdreg s23;
	s0 =	simm.s32 $0x0;
	s23 =	simm.s32 $0x2300  }
.LBB2_1:
0x23: {  	s7 =	rddreg [dreg:$0x5]  }
0x24: {  	[tilespmem:s3], [sflag:$0x1] =	stream.linear.gather [hbm4b:s7+s3], $0x1400, $0x38;
	[tilespmem:$0x1E080] =	vst v63  }
0x25: {  	[dreg:$0x1a] =	wrdreg s0;
	s19 =	simm.s32 $0x70;
	s7 =	simm.s32 $0x3C0  }
.LBB2_2:
0x26: {  	p2 =	sne.s32 s7, $0x4FC0;
	[tilespmem:s19+$0x2800] =	vst v0  }
0x27: {  	[tilespmem:s19+$0x2790] =	vst v0  }
0x28: {  	[tilespmem:s19+$0x27A0] =	vst v0  }
.Ltmp0:
0x29: {  	[tilespmem:s19+$0x27B0] =	vst v0;
	(pc) =	sbr.rel @p2 .LBB2_2-.Ltmp0, $4  }
0x2a: {  	[tilespmem:s19+$0x27C0] =	vst v0  }
0x2b: {  	[tilespmem:s19+$0x27D0] =	vst v0  }
0x2c: {  	[tilespmem:s19+$0x27E0] =	vst v0  }
0x2d: {  	[tilespmem:s19+$0x27F0] =	vst v0;
	s19 =	sshra.s32 s7, $0x2;
	s7 =	sadd.s32 $0x200, s7  }
0x2e: {  	[tilespmem:s19+$0x2800] =	vst v0  }
0x2f: {  	[tilespmem:s19+$0x2790] =	vst v0  }
0x30: {  	[tilespmem:s19+$0x27A0] =	vst v0  }
0x31: {  	[tilespmem:s19+$0x27B0] =	vst v0  }
0x32: {  	[tilespmem:s19+$0x27C0] =	vst v0  }
0x33: {  	[tilespmem:s19+$0x27D0] =	vst v0  }
0x34: {  	[tilespmem:s19+$0x27E0] =	vst v0  }
0x35: {  	[tilespmem:s19+$0x27F0] =	vst v0;
	s7 =	rddreg [dreg:$0x4];
	s0 =	simm.s32 $0x6  }
0x36: {  	[spmem:s7] =	stream.linear.scatter [tilespmem:s31], [sflag:$0x6], $0x1400, $0x38;
	[tilespmem:$0x1E080] =	vst v63  }
0x37: {  	_ =	swait.ge [sflag:s0], $0x1400  }
0x38: {  	[sflag:s0] =	ssyncset.done $0x0  }
0x39: {  	s19 =	rddreg [dreg:$0xb];
	[sflag:s0] =	ssyncadd.s32 $0xFFFFEC00  }
0x3a: {  	[spmem:s19] =	stream.linear.scatter [tilespmem:s31], [sflag:$0x6], $0x1400, $0x38;
	[tilespmem:$0x1E080] =	vst v63  }
0x3b: {  	_ =	swait.ge [sflag:s0], $0x1400  }
0x3c: {  	[sflag:s0] =	ssyncset.done $0x0  }
0x3d: {  	s19 =	rddreg [dreg:$0xc];
	[sflag:s0] =	ssyncadd.s32 $0xFFFFEC00  }
0x3e: {  	[spmem:s19] =	stream.linear.scatter [tilespmem:s31], [sflag:$0x6], $0x1400, $0x38;
	[tilespmem:$0x1E080] =	vst v63  }
0x3f: {  	_ =	swait.ge [sflag:s0], $0x1400  }
0x40: {  	[sflag:s0] =	ssyncset.done $0x0  }
0x41: {  	s19 =	rddreg [dreg:$0xd];
	[sflag:s0] =	ssyncadd.s32 $0xFFFFEC00  }
0x42: {  	[spmem:s19] =	stream.linear.scatter [tilespmem:s31], [sflag:$0x6], $0x1400, $0x38;
	[tilespmem:$0x1E080] =	vst v63  }
0x43: {  	_ =	swait.ge [sflag:s0], $0x1400  }
0x44: {  	[sflag:s0] =	ssyncset.done $0x0  }
0x45: {  	s19 =	rddreg [dreg:$0xe];
	[sflag:s0] =	ssyncadd.s32 $0xFFFFEC00  }
0x46: {  	[spmem:s19] =	stream.linear.scatter [tilespmem:s31], [sflag:$0x6], $0x1400, $0x38;
	[tilespmem:$0x1E080] =	vst v63  }
0x47: {  	_ =	swait.ge [sflag:s0], $0x1400  }
0x48: {  	[sflag:s0] =	ssyncset.done $0x0  }
0x49: {  	s19 =	rddreg [dreg:$0xf];
	[sflag:s0] =	ssyncadd.s32 $0xFFFFEC00  }
0x4a: {  	[spmem:s19] =	stream.linear.scatter [tilespmem:s31], [sflag:$0x6], $0x1400, $0x38;
	[tilespmem:$0x1E080] =	vst v63  }
0x4b: {  	_ =	swait.ge [sflag:s0], $0x1400  }
0x4c: {  	[sflag:s0] =	ssyncset.done $0x0  }
0x4d: {  	s19 =	rddreg [dreg:$0x10];
	[sflag:s0] =	ssyncadd.s32 $0xFFFFEC00  }
0x4e: {  	[spmem:s19] =	stream.linear.scatter [tilespmem:s31], [sflag:$0x6], $0x1400, $0x38;
	[tilespmem:$0x1E080] =	vst v63  }
0x4f: {  	_ =	swait.ge [sflag:s0], $0x1400  }
0x50: {  	[sflag:s0] =	ssyncset.done $0x0  }
0x51: {  	s19 =	rddreg [dreg:$0x11];
	[sflag:s0] =	ssyncadd.s32 $0xFFFFEC00  }
0x52: {  	[spmem:s19] =	stream.linear.scatter [tilespmem:s31], [sflag:$0x6], $0x1400, $0x38;
	[tilespmem:$0x1E080] =	vst v63  }
0x53: {  	_ =	swait.ge [sflag:s0], $0x1400  }
0x54: {  	[sflag:s0] =	ssyncset.done $0x0  }
0x55: {  	s19 =	rddreg [dreg:$0x12];
	[sflag:s0] =	ssyncadd.s32 $0xFFFFEC00  }
0x56: {  	[spmem:s19] =	stream.linear.scatter [tilespmem:s31], [sflag:$0x6], $0x1400, $0x38;
	[tilespmem:$0x1E080] =	vst v63  }
0x57: {  	_ =	swait.ge [sflag:s0], $0x1400  }
0x58: {  	[sflag:s0] =	ssyncset.done $0x0  }
0x59: {  	s19 =	rddreg [dreg:$0x13];
	[sflag:s0] =	ssyncadd.s32 $0xFFFFEC00  }
0x5a: {  	[spmem:s19] =	stream.linear.scatter [tilespmem:s31], [sflag:$0x6], $0x1400, $0x38;
	[tilespmem:$0x1E080] =	vst v63  }
0x5b: {  	_ =	swait.ge [sflag:s0], $0x1400  }
0x5c: {  	[sflag:s0] =	ssyncset.done $0x0  }
0x5d: {  	s19 =	rddreg [dreg:$0x14];
	[sflag:s0] =	ssyncadd.s32 $0xFFFFEC00  }
0x5e: {  	[spmem:s19] =	stream.linear.scatter [tilespmem:s31], [sflag:$0x6], $0x1400, $0x38;
	[tilespmem:$0x1E080] =	vst v63  }
0x5f: {  	_ =	swait.ge [sflag:s0], $0x1400  }
0x60: {  	[sflag:s0] =	ssyncset.done $0x0  }
0x61: {  	s19 =	rddreg [dreg:$0x16];
	[sflag:s0] =	ssyncadd.s32 $0xFFFFEC00  }
0x62: {  	[spmem:s19] =	stream.linear.scatter [tilespmem:s31], [sflag:$0x6], $0x1400, $0x38;
	[tilespmem:$0x1E080] =	vst v63  }
0x63: {  	_ =	swait.ge [sflag:s0], $0x1400  }
0x64: {  	[sflag:s0] =	ssyncset.done $0x0  }
0x65: {  	s19 =	rddreg [dreg:$0x17];
	[sflag:s0] =	ssyncadd.s32 $0xFFFFEC00  }
0x66: {  	[spmem:s19] =	stream.linear.scatter [tilespmem:s31], [sflag:$0x6], $0x1400, $0x38;
	[tilespmem:$0x1E080] =	vst v63  }
0x67: {  	_ =	swait.ge [sflag:s0], $0x1400  }
0x68: {  	[sflag:s0] =	ssyncset.done $0x0  }
0x69: {  	s19 =	rddreg [dreg:$0x18];
	[sflag:s0] =	ssyncadd.s32 $0xFFFFEC00  }
0x6a: {  	[spmem:s19] =	stream.linear.scatter [tilespmem:s31], [sflag:$0x6], $0x1400, $0x38;
	[tilespmem:$0x1E080] =	vst v63  }
0x6b: {  	_ =	swait.ge [sflag:s0], $0x1400  }
0x6c: {  	[sflag:s0] =	ssyncset.done $0x0  }
0x6d: {  	s19 =	rddreg [dreg:$0x19];
	[sflag:s0] =	ssyncadd.s32 $0xFFFFEC00  }
0x6e: {  	[spmem:s19] =	stream.linear.scatter [tilespmem:s31], [sflag:$0x6], $0x1400, $0x38;
	[tilespmem:$0x1E080] =	vst v63  }
0x6f: {  	_ =	swait.ge [sflag:s0], $0x1400  }
0x70: {  	[sflag:s0] =	ssyncset.done $0x0  }
0x71: {  	s19 =	rddreg [dreg:$0x6];
	[sflag:s0] =	ssyncadd.s32 $0xFFFFEC00  }
0x72: {  	[spmem:s19] =	stream.linear.scatter [tilespmem:s31], [sflag:$0x6], $0xC00, $0x38;
	[tilespmem:$0x1E080] =	vst v63  }
0x73: {  	_ =	swait.ge [sflag:s0], $0xC00  }
0x74: {  	[sflag:s0] =	ssyncset.done $0x0  }
0x75: {  	s7 =	simm.s32 @!p1 $0x2800;
	s19 =	rddreg [dreg:$0x7];
	[sflag:s0] =	ssyncadd.s32 $0xFFFFF400  }
0x76: {  	[spmem:s19] =	stream.linear.scatter @!p1 [tilespmem:s7], [sflag:$0x6], $0x800, $0x38;
	[tilespmem:$0x1E080] =	vst v63  }
0x77: {  	s7 =	simm.s32 @!p1 $0x6  }
0x78: {  	_ =	swait.ge @!p1 [sflag:s7], $0x800  }
0x79: {  	[sflag:s7] =	ssyncset.done @!p1 $0x0  }
0x7a: {  	p3 =	por $0x1, $0x1;
	[sflag:s7] =	ssyncadd.s32 @!p1 $0xFFFFF800  }
0x7b: {  	s0 =	simm.s32 $0x2200;
	s19 =	simm.s32 $0x0;
	[bflag:$0x0] =	sbarrier.arrive $0xFFFF  }
.LBB2_4:
0x7c: {  	_ =	swait.ge [sflag:s4], $0x1400;
	s7 =	sadd.s32 s19, s10  }
0x7d: {  	[sflag:s4] =	ssyncset.done $0x0;
	s7 =	sshrl.u32 s7, $0x3  }
0x7e: {  	[sflag:s4] =	ssyncadd.s32 $0xFFFFEC00;
	s7 =	sadd.s32 s5, s7  }
0x7f: {  	[tilespmem:s8], [sflag:$0x1] =	stream.linear.gather [hbm4b:s7+s3], $0x1400, $0x38;
	[tilespmem:$0x1E080] =	vst v63  }
0x80: {  	s7 =	simm.s32 @!p3 $0x5  }
0x81: {  	_ =	swait.ge @!p3 [sflag:s7], $0x3E80  }
0x82: {  	[sflag:s7] =	ssyncset.done @!p3 $0x0  }
0x83: {  	[sflag:s7] =	ssyncadd.s32 @!p3 $0xFFFFC180  }
0x84: {  	[tilespmem:s31], [sflag:$0x2] =	stream.indirect.gather [hbm4b:s1+s9], $0x80, s3, s9, $0xb8;
	[tilespmem:$0x1E080] =	vst v63  }
0x85: {  	_ =	swait.ge [sflag:s12], $0x3E80  }
0x86: {  	[sflag:s12] =	ssyncset.done $0x0  }
0x87: {  	[sflag:s12] =	ssyncadd.s32 $0xFFFFC180  }
0x88: {  	[tilespmem:s14], [sflag:$0x3] =	stream.indirect.gather [hbm4b:s1+s9], $0x80, s21, s9, $0xb8;
	[tilespmem:$0x1E080] =	vst v63  }
0x89: {  	s19 =	simm.s32 $0x80  }
0x8a: {  	[spmem:s2] =	stream.indirect.scatter.add.f32 [tilespmem:s31], [sflag:$0x4], $0x80, s19, s9, $0xb8;
	[tilespmem:$0x1E080] =	vst v63  }
0x8b: {  	_ =	swait.ge [sflag:s16], $0x3E80  }
0x8c: {  	[sflag:s16] =	ssyncset.done $0x0  }
0x8d: {  	[sflag:s16] =	ssyncadd.s32 $0xFFFFC180  }
0x8e: {  	_ =	swait.ge [sflag:s17], $0x3E80  }
0x8f: {  	[sflag:s17] =	ssyncset.done $0x0  }
0x90: {  	s19 =	simm.s32 $0x200;
	[sflag:s17] =	ssyncadd.s32 $0xFFFFC180  }
0x91: {  	[tilespmem:s31], [sflag:$0x2] =	stream.indirect.gather [hbm4b:s1+s9], $0x80, s19, s9, $0xb8;
	[tilespmem:$0x1E080] =	vst v63  }
0x92: {  	s19 =	simm.s32 $0x180  }
0x93: {  	[spmem:s2] =	stream.indirect.scatter.add.f32 [tilespmem:s14], [sflag:$0x5], $0x80, s19, s9, $0xb8;
	[tilespmem:$0x1E080] =	vst v63  }
0x94: {  	_ =	swait.ge [sflag:s12], $0x3E80  }
0x95: {  	[sflag:s12] =	ssyncset.done $0x0  }
0x96: {  	[sflag:s12] =	ssyncadd.s32 $0xFFFFC180  }
0x97: {  	_ =	swait.ge [sflag:s20], $0x3E80  }
0x98: {  	[sflag:s20] =	ssyncset.done $0x0  }
0x99: {  	s19 =	simm.s32 $0x300;
	[sflag:s20] =	ssyncadd.s32 $0xFFFFC180  }
0x9a: {  	[tilespmem:s14], [sflag:$0x3] =	stream.indirect.gather [hbm4b:s1+s9], $0x80, s19, s9, $0xb8;
	[tilespmem:$0x1E080] =	vst v63  }
0x9b: {  	s19 =	simm.s32 $0x280  }
0x9c: {  	[spmem:s2] =	stream.indirect.scatter.add.f32 [tilespmem:s31], [sflag:$0x4], $0x80, s19, s9, $0xb8;
	[tilespmem:$0x1E080] =	vst v63  }
0x9d: {  	_ =	swait.ge [sflag:s16], $0x3E80  }
0x9e: {  	[sflag:s16] =	ssyncset.done $0x0  }
0x9f: {  	[sflag:s16] =	ssyncadd.s32 $0xFFFFC180  }
0xa0: {  	_ =	swait.ge [sflag:s17], $0x3E80  }
0xa1: {  	[sflag:s17] =	ssyncset.done $0x0  }
0xa2: {  	s19 =	simm.s32 $0x400;
	[sflag:s17] =	ssyncadd.s32 $0xFFFFC180  }
0xa3: {  	[tilespmem:s31], [sflag:$0x2] =	stream.indirect.gather [hbm4b:s1+s9], $0x80, s19, s9, $0xb8;
	[tilespmem:$0x1E080] =	vst v63  }
0xa4: {  	s19 =	simm.s32 $0x380  }
0xa5: {  	[spmem:s2] =	stream.indirect.scatter.add.f32 [tilespmem:s14], [sflag:$0x5], $0x80, s19, s9, $0xb8;
	[tilespmem:$0x1E080] =	vst v63  }
0xa6: {  	_ =	swait.ge [sflag:s12], $0x3E80  }
0xa7: {  	[sflag:s12] =	ssyncset.done $0x0  }
0xa8: {  	[sflag:s12] =	ssyncadd.s32 $0xFFFFC180  }
0xa9: {  	_ =	swait.ge [sflag:s20], $0x3E80  }
0xaa: {  	[sflag:s20] =	ssyncset.done $0x0  }
0xab: {  	s19 =	simm.s32 $0x500;
	[sflag:s20] =	ssyncadd.s32 $0xFFFFC180  }
0xac: {  	[tilespmem:s14], [sflag:$0x3] =	stream.indirect.gather [hbm4b:s1+s9], $0x80, s19, s9, $0xb8;
	[tilespmem:$0x1E080] =	vst v63  }
0xad: {  	s19 =	simm.s32 $0x480  }
0xae: {  	[spmem:s2] =	stream.indirect.scatter.add.f32 [tilespmem:s31], [sflag:$0x4], $0x80, s19, s9, $0xb8;
	[tilespmem:$0x1E080] =	vst v63  }
0xaf: {  	_ =	swait.ge [sflag:s16], $0x3E80  }
0xb0: {  	[sflag:s16] =	ssyncset.done $0x0  }
0xb1: {  	[sflag:s16] =	ssyncadd.s32 $0xFFFFC180  }
0xb2: {  	_ =	swait.ge [sflag:s17], $0x3E80  }
0xb3: {  	[sflag:s17] =	ssyncset.done $0x0  }
0xb4: {  	s19 =	simm.s32 $0x600;
	[sflag:s17] =	ssyncadd.s32 $0xFFFFC180  }
0xb5: {  	[tilespmem:s31], [sflag:$0x2] =	stream.indirect.gather [hbm4b:s1+s9], $0x80, s19, s9, $0xb8;
	[tilespmem:$0x1E080] =	vst v63  }
0xb6: {  	s19 =	simm.s32 $0x580  }
0xb7: {  	[spmem:s2] =	stream.indirect.scatter.add.f32 [tilespmem:s14], [sflag:$0x5], $0x80, s19, s9, $0xb8;
	[tilespmem:$0x1E080] =	vst v63  }
0xb8: {  	_ =	swait.ge [sflag:s12], $0x3E80  }
0xb9: {  	[sflag:s12] =	ssyncset.done $0x0  }
0xba: {  	[sflag:s12] =	ssyncadd.s32 $0xFFFFC180  }
0xbb: {  	_ =	swait.ge [sflag:s20], $0x3E80  }
0xbc: {  	[sflag:s20] =	ssyncset.done $0x0  }
0xbd: {  	s19 =	simm.s32 $0x700;
	[sflag:s20] =	ssyncadd.s32 $0xFFFFC180  }
0xbe: {  	[tilespmem:s14], [sflag:$0x3] =	stream.indirect.gather [hbm4b:s1+s9], $0x80, s19, s9, $0xb8;
	[tilespmem:$0x1E080] =	vst v63  }
0xbf: {  	s19 =	simm.s32 $0x680  }
0xc0: {  	[spmem:s2] =	stream.indirect.scatter.add.f32 [tilespmem:s31], [sflag:$0x4], $0x80, s19, s9, $0xb8;
	[tilespmem:$0x1E080] =	vst v63  }
0xc1: {  	_ =	swait.ge [sflag:s16], $0x3E80  }
0xc2: {  	[sflag:s16] =	ssyncset.done $0x0  }
0xc3: {  	[sflag:s16] =	ssyncadd.s32 $0xFFFFC180  }
0xc4: {  	_ =	swait.ge [sflag:s17], $0x3E80  }
0xc5: {  	[sflag:s17] =	ssyncset.done $0x0  }
0xc6: {  	s19 =	simm.s32 $0x800;
	[sflag:s17] =	ssyncadd.s32 $0xFFFFC180  }
0xc7: {  	[tilespmem:s31], [sflag:$0x2] =	stream.indirect.gather [hbm4b:s1+s9], $0x80, s19, s9, $0xb8;
	[tilespmem:$0x1E080] =	vst v63  }
0xc8: {  	s19 =	simm.s32 $0x780  }
0xc9: {  	[spmem:s2] =	stream.indirect.scatter.add.f32 [tilespmem:s14], [sflag:$0x5], $0x80, s19, s9, $0xb8;
	[tilespmem:$0x1E080] =	vst v63  }
0xca: {  	_ =	swait.ge [sflag:s12], $0x3E80  }
0xcb: {  	[sflag:s12] =	ssyncset.done $0x0  }
0xcc: {  	[sflag:s12] =	ssyncadd.s32 $0xFFFFC180  }
0xcd: {  	_ =	swait.ge [sflag:s20], $0x3E80  }
0xce: {  	[sflag:s20] =	ssyncset.done $0x0  }
0xcf: {  	s19 =	simm.s32 $0x900;
	[sflag:s20] =	ssyncadd.s32 $0xFFFFC180  }
0xd0: {  	[tilespmem:s14], [sflag:$0x3] =	stream.indirect.gather [hbm4b:s1+s9], $0x80, s19, s9, $0xb8;
	[tilespmem:$0x1E080] =	vst v63  }
0xd1: {  	s19 =	simm.s32 $0x880  }
0xd2: {  	[spmem:s2] =	stream.indirect.scatter.add.f32 [tilespmem:s31], [sflag:$0x4], $0x80, s19, s9, $0xb8;
	[tilespmem:$0x1E080] =	vst v63  }
0xd3: {  	_ =	swait.ge [sflag:s16], $0x3E80  }
0xd4: {  	[sflag:s16] =	ssyncset.done $0x0  }
0xd5: {  	[sflag:s16] =	ssyncadd.s32 $0xFFFFC180  }
0xd6: {  	_ =	swait.ge [sflag:s17], $0x3E80  }
0xd7: {  	[sflag:s17] =	ssyncset.done $0x0  }
0xd8: {  	s19 =	simm.s32 $0xA00;
	[sflag:s17] =	ssyncadd.s32 $0xFFFFC180  }
0xd9: {  	[tilespmem:s31], [sflag:$0x2] =	stream.indirect.gather [hbm4b:s1+s9], $0x80, s19, s9, $0xb8;
	[tilespmem:$0x1E080] =	vst v63  }
0xda: {  	s19 =	simm.s32 $0x980  }
0xdb: {  	[spmem:s2] =	stream.indirect.scatter.add.f32 [tilespmem:s14], [sflag:$0x5], $0x80, s19, s9, $0xb8;
	[tilespmem:$0x1E080] =	vst v63  }
0xdc: {  	_ =	swait.ge [sflag:s12], $0x3E80  }
0xdd: {  	[sflag:s12] =	ssyncset.done $0x0  }
0xde: {  	[sflag:s12] =	ssyncadd.s32 $0xFFFFC180  }
0xdf: {  	_ =	swait.ge [sflag:s20], $0x3E80  }
0xe0: {  	[sflag:s20] =	ssyncset.done $0x0  }
0xe1: {  	s19 =	simm.s32 $0xB00;
	[sflag:s20] =	ssyncadd.s32 $0xFFFFC180  }
0xe2: {  	[tilespmem:s14], [sflag:$0x3] =	stream.indirect.gather [hbm4b:s1+s9], $0x80, s19, s9, $0xb8;
	[tilespmem:$0x1E080] =	vst v63  }
0xe3: {  	s19 =	simm.s32 $0xA80  }
0xe4: {  	[spmem:s2] =	stream.indirect.scatter.add.f32 [tilespmem:s31], [sflag:$0x4], $0x80, s19, s9, $0xb8;
	[tilespmem:$0x1E080] =	vst v63  }
0xe5: {  	_ =	swait.ge [sflag:s16], $0x3E80  }
0xe6: {  	[sflag:s16] =	ssyncset.done $0x0  }
0xe7: {  	[sflag:s16] =	ssyncadd.s32 $0xFFFFC180  }
0xe8: {  	_ =	swait.ge [sflag:s17], $0x3E80  }
0xe9: {  	[sflag:s17] =	ssyncset.done $0x0  }
0xea: {  	s19 =	simm.s32 $0xC00;
	[sflag:s17] =	ssyncadd.s32 $0xFFFFC180  }
0xeb: {  	[tilespmem:s31], [sflag:$0x2] =	stream.indirect.gather [hbm4b:s1+s9], $0x80, s19, s9, $0xb8;
	[tilespmem:$0x1E080] =	vst v63  }
0xec: {  	s19 =	simm.s32 $0xB80  }
0xed: {  	[spmem:s2] =	stream.indirect.scatter.add.f32 [tilespmem:s14], [sflag:$0x5], $0x80, s19, s9, $0xb8;
	[tilespmem:$0x1E080] =	vst v63  }
0xee: {  	_ =	swait.ge [sflag:s12], $0x3E80  }
0xef: {  	[sflag:s12] =	ssyncset.done $0x0  }
0xf0: {  	[sflag:s12] =	ssyncadd.s32 $0xFFFFC180  }
0xf1: {  	_ =	swait.ge [sflag:s20], $0x3E80  }
0xf2: {  	[sflag:s20] =	ssyncset.done $0x0  }
0xf3: {  	s19 =	simm.s32 $0xD00;
	[sflag:s20] =	ssyncadd.s32 $0xFFFFC180  }
0xf4: {  	[tilespmem:s14], [sflag:$0x3] =	stream.indirect.gather [hbm4b:s1+s9], $0x80, s19, s9, $0xb8;
	[tilespmem:$0x1E080] =	vst v63  }
0xf5: {  	s19 =	simm.s32 $0xC80  }
0xf6: {  	[spmem:s2] =	stream.indirect.scatter.add.f32 [tilespmem:s31], [sflag:$0x4], $0x80, s19, s9, $0xb8;
	[tilespmem:$0x1E080] =	vst v63  }
0xf7: {  	_ =	swait.ge [sflag:s16], $0x3E80  }
0xf8: {  	[sflag:s16] =	ssyncset.done $0x0  }
0xf9: {  	[sflag:s16] =	ssyncadd.s32 $0xFFFFC180  }
0xfa: {  	_ =	swait.ge [sflag:s17], $0x3E80  }
0xfb: {  	[sflag:s17] =	ssyncset.done $0x0  }
0xfc: {  	s19 =	simm.s32 $0xE00;
	[sflag:s17] =	ssyncadd.s32 $0xFFFFC180  }
0xfd: {  	[tilespmem:s31], [sflag:$0x2] =	stream.indirect.gather [hbm4b:s1+s9], $0x80, s19, s9, $0xb8;
	[tilespmem:$0x1E080] =	vst v63  }
0xfe: {  	s19 =	simm.s32 $0xD80  }
0xff: {  	[spmem:s2] =	stream.indirect.scatter.add.f32 [tilespmem:s14], [sflag:$0x5], $0x80, s19, s9, $0xb8;
	[tilespmem:$0x1E080] =	vst v63  }
0x100: {  	_ =	swait.ge [sflag:s12], $0x3E80  }
0x101: {  	[sflag:s12] =	ssyncset.done $0x0  }
0x102: {  	[sflag:s12] =	ssyncadd.s32 $0xFFFFC180  }
0x103: {  	_ =	swait.ge [sflag:s20], $0x3E80  }
0x104: {  	[sflag:s20] =	ssyncset.done $0x0  }
0x105: {  	s19 =	simm.s32 $0xF00;
	[sflag:s20] =	ssyncadd.s32 $0xFFFFC180  }
0x106: {  	[tilespmem:s14], [sflag:$0x3] =	stream.indirect.gather [hbm4b:s1+s9], $0x80, s19, s9, $0xb8;
	[tilespmem:$0x1E080] =	vst v63  }
0x107: {  	s19 =	simm.s32 $0xE80  }
0x108: {  	[spmem:s2] =	stream.indirect.scatter.add.f32 [tilespmem:s31], [sflag:$0x4], $0x80, s19, s9, $0xb8;
	[tilespmem:$0x1E080] =	vst v63  }
0x109: {  	_ =	swait.ge [sflag:s16], $0x3E80  }
0x10a: {  	[sflag:s16] =	ssyncset.done $0x0  }
0x10b: {  	[sflag:s16] =	ssyncadd.s32 $0xFFFFC180  }
0x10c: {  	_ =	swait.ge [sflag:s17], $0x3E80  }
0x10d: {  	[sflag:s17] =	ssyncset.done $0x0  }
0x10e: {  	s19 =	simm.s32 $0x1000;
	[sflag:s17] =	ssyncadd.s32 $0xFFFFC180  }
0x10f: {  	[tilespmem:s31], [sflag:$0x2] =	stream.indirect.gather [hbm4b:s1+s9], $0x80, s19, s9, $0xb8;
	[tilespmem:$0x1E080] =	vst v63  }
0x110: {  	s19 =	simm.s32 $0xF80  }
0x111: {  	[spmem:s2] =	stream.indirect.scatter.add.f32 [tilespmem:s14], [sflag:$0x5], $0x80, s19, s9, $0xb8;
	[tilespmem:$0x1E080] =	vst v63  }
0x112: {  	_ =	swait.ge [sflag:s12], $0x3E80  }
0x113: {  	[sflag:s12] =	ssyncset.done $0x0  }
0x114: {  	[sflag:s12] =	ssyncadd.s32 $0xFFFFC180  }
0x115: {  	_ =	swait.ge [sflag:s20], $0x3E80  }
0x116: {  	[sflag:s20] =	ssyncset.done $0x0  }
0x117: {  	s19 =	simm.s32 $0x1100;
	[sflag:s20] =	ssyncadd.s32 $0xFFFFC180  }
0x118: {  	[tilespmem:s14], [sflag:$0x3] =	stream.indirect.gather [hbm4b:s1+s9], $0x80, s19, s9, $0xb8;
	[tilespmem:$0x1E080] =	vst v63  }
0x119: {  	s19 =	simm.s32 $0x1080  }
0x11a: {  	[spmem:s2] =	stream.indirect.scatter.add.f32 [tilespmem:s31], [sflag:$0x4], $0x80, s19, s9, $0xb8;
	[tilespmem:$0x1E080] =	vst v63  }
0x11b: {  	_ =	swait.ge [sflag:s16], $0x3E80  }
0x11c: {  	[sflag:s16] =	ssyncset.done $0x0  }
0x11d: {  	[sflag:s16] =	ssyncadd.s32 $0xFFFFC180  }
0x11e: {  	_ =	swait.ge [sflag:s17], $0x3E80  }
0x11f: {  	[sflag:s17] =	ssyncset.done $0x0  }
0x120: {  	s19 =	simm.s32 $0x1200;
	[sflag:s17] =	ssyncadd.s32 $0xFFFFC180  }
0x121: {  	[tilespmem:s31], [sflag:$0x2] =	stream.indirect.gather [hbm4b:s1+s9], $0x80, s19, s9, $0xb8;
	[tilespmem:$0x1E080] =	vst v63  }
0x122: {  	s19 =	simm.s32 $0x1180  }
0x123: {  	[spmem:s2] =	stream.indirect.scatter.add.f32 [tilespmem:s14], [sflag:$0x5], $0x80, s19, s9, $0xb8;
	[tilespmem:$0x1E080] =	vst v63  }
0x124: {  	_ =	swait.ge [sflag:s12], $0x3E80  }
0x125: {  	[sflag:s12] =	ssyncset.done $0x0  }
0x126: {  	[sflag:s12] =	ssyncadd.s32 $0xFFFFC180  }
0x127: {  	_ =	swait.ge [sflag:s20], $0x3E80  }
0x128: {  	[sflag:s20] =	ssyncset.done $0x0  }
0x129: {  	s19 =	simm.s32 $0x1300;
	[sflag:s20] =	ssyncadd.s32 $0xFFFFC180  }
0x12a: {  	[tilespmem:s14], [sflag:$0x3] =	stream.indirect.gather [hbm4b:s1+s9], $0x80, s19, s9, $0xb8;
	[tilespmem:$0x1E080] =	vst v63  }
0x12b: {  	s19 =	simm.s32 $0x1280  }
0x12c: {  	[spmem:s2] =	stream.indirect.scatter.add.f32 [tilespmem:s31], [sflag:$0x4], $0x80, s19, s9, $0xb8;
	[tilespmem:$0x1E080] =	vst v63  }
0x12d: {  	_ =	swait.ge [sflag:s16], $0x3E80  }
0x12e: {  	[sflag:s16] =	ssyncset.done $0x0  }
0x12f: {  	[sflag:s16] =	ssyncadd.s32 $0xFFFFC180  }
0x130: {  	_ =	swait.ge [sflag:s17], $0x3E80  }
0x131: {  	[sflag:s17] =	ssyncset.done $0x0  }
0x132: {  	s19 =	simm.s32 $0x1380;
	[sflag:s17] =	ssyncadd.s32 $0xFFFFC180  }
0x133: {  	[spmem:s2] =	stream.indirect.scatter.add.f32 [tilespmem:s14], [sflag:$0x5], $0x80, s19, s9, $0xb8;
	[tilespmem:$0x1E080] =	vst v63  }
0x134: {  	_ =	swait.ge [sflag:s4], $0x1400  }
0x135: {  	[sflag:s4] =	ssyncset.done $0x0  }
0x136: {  	s7 =	simm.s32 @p3 $0x0;
	[sflag:s4] =	ssyncadd.s32 $0xFFFFEC00  }
0x137: {  	[tilespmem:s7], [sflag:$0x1] =	stream.linear.gather @p3 [hbm4b:s11+s7], $0x1400, $0x38;
	[tilespmem:$0x1E080] =	vst v63  }
0x138: {  	_ =	swait.ge [sflag:s20], $0x3E80  }
0x139: {  	[sflag:s20] =	ssyncset.done $0x0  }
0x13a: {  	s19 =	simm.s32 $0x2800;
	[sflag:s20] =	ssyncadd.s32 $0xFFFFC180  }
0x13b: {  	[tilespmem:s19], [sflag:$0x2] =	stream.indirect.gather [hbm4b:s1+s9], $0x80, s8, s9, $0xb8;
	[tilespmem:$0x1E080] =	vst v63  }
0x13c: {  	_ =	swait.ge [sflag:s12], $0x3E80  }
0x13d: {  	[sflag:s12] =	ssyncset.done $0x0  }
0x13e: {  	s7 =	simm.s32 $0x1500;
	[sflag:s12] =	ssyncadd.s32 $0xFFFFC180  }
0x13f: {  	[tilespmem:s14], [sflag:$0x3] =	stream.indirect.gather [hbm4b:s1+s9], $0x80, s7, s9, $0xb8;
	[tilespmem:$0x1E080] =	vst v63  }
0x140: {  	s7 =	simm.s32 $0x1480  }
0x141: {  	[spmem:s2] =	stream.indirect.scatter.add.f32 [tilespmem:s19], [sflag:$0x4], $0x80, s7, s9, $0xb8;
	[tilespmem:$0x1E080] =	vst v63  }
0x142: {  	_ =	swait.ge [sflag:s16], $0x3E80  }
0x143: {  	[sflag:s16] =	ssyncset.done $0x0  }
0x144: {  	[sflag:s16] =	ssyncadd.s32 $0xFFFFC180  }
0x145: {  	_ =	swait.ge [sflag:s17], $0x3E80  }
0x146: {  	[sflag:s17] =	ssyncset.done $0x0  }
0x147: {  	s7 =	simm.s32 $0x1600;
	[sflag:s17] =	ssyncadd.s32 $0xFFFFC180  }
0x148: {  	[tilespmem:s19], [sflag:$0x2] =	stream.indirect.gather [hbm4b:s1+s9], $0x80, s7, s9, $0xb8;
	[tilespmem:$0x1E080] =	vst v63  }
0x149: {  	s7 =	simm.s32 $0x1580  }
0x14a: {  	[spmem:s2] =	stream.indirect.scatter.add.f32 [tilespmem:s14], [sflag:$0x5], $0x80, s7, s9, $0xb8;
	[tilespmem:$0x1E080] =	vst v63  }
0x14b: {  	_ =	swait.ge [sflag:s12], $0x3E80  }
0x14c: {  	[sflag:s12] =	ssyncset.done $0x0  }
0x14d: {  	[sflag:s12] =	ssyncadd.s32 $0xFFFFC180  }
0x14e: {  	_ =	swait.ge [sflag:s20], $0x3E80  }
0x14f: {  	[sflag:s20] =	ssyncset.done $0x0  }
0x150: {  	s7 =	simm.s32 $0x1700;
	[sflag:s20] =	ssyncadd.s32 $0xFFFFC180  }
0x151: {  	[tilespmem:s14], [sflag:$0x3] =	stream.indirect.gather [hbm4b:s1+s9], $0x80, s7, s9, $0xb8;
	[tilespmem:$0x1E080] =	vst v63  }
0x152: {  	s7 =	simm.s32 $0x1680  }
0x153: {  	[spmem:s2] =	stream.indirect.scatter.add.f32 [tilespmem:s19], [sflag:$0x4], $0x80, s7, s9, $0xb8;
	[tilespmem:$0x1E080] =	vst v63  }
0x154: {  	_ =	swait.ge [sflag:s16], $0x3E80  }
0x155: {  	[sflag:s16] =	ssyncset.done $0x0  }
0x156: {  	[sflag:s16] =	ssyncadd.s32 $0xFFFFC180  }
0x157: {  	_ =	swait.ge [sflag:s17], $0x3E80  }
0x158: {  	[sflag:s17] =	ssyncset.done $0x0  }
0x159: {  	s7 =	simm.s32 $0x1800;
	[sflag:s17] =	ssyncadd.s32 $0xFFFFC180  }
0x15a: {  	[tilespmem:s19], [sflag:$0x2] =	stream.indirect.gather [hbm4b:s1+s9], $0x80, s7, s9, $0xb8;
	[tilespmem:$0x1E080] =	vst v63  }
0x15b: {  	s7 =	simm.s32 $0x1780  }
0x15c: {  	[spmem:s2] =	stream.indirect.scatter.add.f32 [tilespmem:s14], [sflag:$0x5], $0x80, s7, s9, $0xb8;
	[tilespmem:$0x1E080] =	vst v63  }
0x15d: {  	_ =	swait.ge [sflag:s12], $0x3E80  }
0x15e: {  	[sflag:s12] =	ssyncset.done $0x0  }
0x15f: {  	[sflag:s12] =	ssyncadd.s32 $0xFFFFC180  }
0x160: {  	_ =	swait.ge [sflag:s20], $0x3E80  }
0x161: {  	[sflag:s20] =	ssyncset.done $0x0  }
0x162: {  	s7 =	simm.s32 $0x1900;
	[sflag:s20] =	ssyncadd.s32 $0xFFFFC180  }
0x163: {  	[tilespmem:s14], [sflag:$0x3] =	stream.indirect.gather [hbm4b:s1+s9], $0x80, s7, s9, $0xb8;
	[tilespmem:$0x1E080] =	vst v63  }
0x164: {  	s7 =	simm.s32 $0x1880  }
0x165: {  	[spmem:s2] =	stream.indirect.scatter.add.f32 [tilespmem:s19], [sflag:$0x4], $0x80, s7, s9, $0xb8;
	[tilespmem:$0x1E080] =	vst v63  }
0x166: {  	_ =	swait.ge [sflag:s16], $0x3E80  }
0x167: {  	[sflag:s16] =	ssyncset.done $0x0  }
0x168: {  	[sflag:s16] =	ssyncadd.s32 $0xFFFFC180  }
0x169: {  	_ =	swait.ge [sflag:s17], $0x3E80  }
0x16a: {  	[sflag:s17] =	ssyncset.done $0x0  }
0x16b: {  	s7 =	simm.s32 $0x1A00;
	[sflag:s17] =	ssyncadd.s32 $0xFFFFC180  }
0x16c: {  	[tilespmem:s19], [sflag:$0x2] =	stream.indirect.gather [hbm4b:s1+s9], $0x80, s7, s9, $0xb8;
	[tilespmem:$0x1E080] =	vst v63  }
0x16d: {  	s7 =	simm.s32 $0x1980  }
0x16e: {  	[spmem:s2] =	stream.indirect.scatter.add.f32 [tilespmem:s14], [sflag:$0x5], $0x80, s7, s9, $0xb8;
	[tilespmem:$0x1E080] =	vst v63  }
0x16f: {  	_ =	swait.ge [sflag:s12], $0x3E80  }
0x170: {  	[sflag:s12] =	ssyncset.done $0x0  }
0x171: {  	[sflag:s12] =	ssyncadd.s32 $0xFFFFC180  }
0x172: {  	_ =	swait.ge [sflag:s20], $0x3E80  }
0x173: {  	[sflag:s20] =	ssyncset.done $0x0  }
0x174: {  	s7 =	simm.s32 $0x1B00;
	[sflag:s20] =	ssyncadd.s32 $0xFFFFC180  }
0x175: {  	[tilespmem:s14], [sflag:$0x3] =	stream.indirect.gather [hbm4b:s1+s9], $0x80, s7, s9, $0xb8;
	[tilespmem:$0x1E080] =	vst v63  }
0x176: {  	s7 =	simm.s32 $0x1A80  }
0x177: {  	[spmem:s2] =	stream.indirect.scatter.add.f32 [tilespmem:s19], [sflag:$0x4], $0x80, s7, s9, $0xb8;
	[tilespmem:$0x1E080] =	vst v63  }
0x178: {  	_ =	swait.ge [sflag:s16], $0x3E80  }
0x179: {  	[sflag:s16] =	ssyncset.done $0x0  }
0x17a: {  	[sflag:s16] =	ssyncadd.s32 $0xFFFFC180  }
0x17b: {  	_ =	swait.ge [sflag:s17], $0x3E80  }
0x17c: {  	[sflag:s17] =	ssyncset.done $0x0  }
0x17d: {  	s7 =	simm.s32 $0x1C00;
	[sflag:s17] =	ssyncadd.s32 $0xFFFFC180  }
0x17e: {  	[tilespmem:s19], [sflag:$0x2] =	stream.indirect.gather [hbm4b:s1+s9], $0x80, s7, s9, $0xb8;
	[tilespmem:$0x1E080] =	vst v63  }
0x17f: {  	s7 =	simm.s32 $0x1B80  }
0x180: {  	[spmem:s2] =	stream.indirect.scatter.add.f32 [tilespmem:s14], [sflag:$0x5], $0x80, s7, s9, $0xb8;
	[tilespmem:$0x1E080] =	vst v63  }
0x181: {  	_ =	swait.ge [sflag:s12], $0x3E80  }
0x182: {  	[sflag:s12] =	ssyncset.done $0x0  }
0x183: {  	[sflag:s12] =	ssyncadd.s32 $0xFFFFC180  }
0x184: {  	_ =	swait.ge [sflag:s20], $0x3E80  }
0x185: {  	[sflag:s20] =	ssyncset.done $0x0  }
0x186: {  	s7 =	simm.s32 $0x1D00;
	[sflag:s20] =	ssyncadd.s32 $0xFFFFC180  }
0x187: {  	[tilespmem:s14], [sflag:$0x3] =	stream.indirect.gather [hbm4b:s1+s9], $0x80, s7, s9, $0xb8;
	[tilespmem:$0x1E080] =	vst v63  }
0x188: {  	s7 =	simm.s32 $0x1C80  }
0x189: {  	[spmem:s2] =	stream.indirect.scatter.add.f32 [tilespmem:s19], [sflag:$0x4], $0x80, s7, s9, $0xb8;
	[tilespmem:$0x1E080] =	vst v63  }
0x18a: {  	_ =	swait.ge [sflag:s16], $0x3E80  }
0x18b: {  	[sflag:s16] =	ssyncset.done $0x0  }
0x18c: {  	[sflag:s16] =	ssyncadd.s32 $0xFFFFC180  }
0x18d: {  	_ =	swait.ge [sflag:s17], $0x3E80  }
0x18e: {  	[sflag:s17] =	ssyncset.done $0x0  }
0x18f: {  	s7 =	simm.s32 $0x1E00;
	[sflag:s17] =	ssyncadd.s32 $0xFFFFC180  }
0x190: {  	[tilespmem:s19], [sflag:$0x2] =	stream.indirect.gather [hbm4b:s1+s9], $0x80, s7, s9, $0xb8;
	[tilespmem:$0x1E080] =	vst v63  }
0x191: {  	s7 =	simm.s32 $0x1D80  }
0x192: {  	[spmem:s2] =	stream.indirect.scatter.add.f32 [tilespmem:s14], [sflag:$0x5], $0x80, s7, s9, $0xb8;
	[tilespmem:$0x1E080] =	vst v63  }
0x193: {  	_ =	swait.ge [sflag:s12], $0x3E80  }
0x194: {  	[sflag:s12] =	ssyncset.done $0x0  }
0x195: {  	[sflag:s12] =	ssyncadd.s32 $0xFFFFC180  }
0x196: {  	_ =	swait.ge [sflag:s20], $0x3E80  }
0x197: {  	[sflag:s20] =	ssyncset.done $0x0  }
0x198: {  	s7 =	simm.s32 $0x1F00;
	[sflag:s20] =	ssyncadd.s32 $0xFFFFC180  }
0x199: {  	[tilespmem:s14], [sflag:$0x3] =	stream.indirect.gather [hbm4b:s1+s9], $0x80, s7, s9, $0xb8;
	[tilespmem:$0x1E080] =	vst v63  }
0x19a: {  	s7 =	simm.s32 $0x1E80  }
0x19b: {  	[spmem:s2] =	stream.indirect.scatter.add.f32 [tilespmem:s19], [sflag:$0x4], $0x80, s7, s9, $0xb8;
	[tilespmem:$0x1E080] =	vst v63  }
0x19c: {  	_ =	swait.ge [sflag:s16], $0x3E80  }
0x19d: {  	[sflag:s16] =	ssyncset.done $0x0  }
0x19e: {  	[sflag:s16] =	ssyncadd.s32 $0xFFFFC180  }
0x19f: {  	_ =	swait.ge [sflag:s17], $0x3E80  }
0x1a0: {  	[sflag:s17] =	ssyncset.done $0x0  }
0x1a1: {  	s7 =	simm.s32 $0x2000;
	[sflag:s17] =	ssyncadd.s32 $0xFFFFC180  }
0x1a2: {  	[tilespmem:s19], [sflag:$0x2] =	stream.indirect.gather [hbm4b:s1+s9], $0x80, s7, s9, $0xb8;
	[tilespmem:$0x1E080] =	vst v63  }
0x1a3: {  	s7 =	simm.s32 $0x1F80  }
0x1a4: {  	[spmem:s2] =	stream.indirect.scatter.add.f32 [tilespmem:s14], [sflag:$0x5], $0x80, s7, s9, $0xb8;
	[tilespmem:$0x1E080] =	vst v63  }
0x1a5: {  	_ =	swait.ge [sflag:s12], $0x3E80  }
0x1a6: {  	[sflag:s12] =	ssyncset.done $0x0  }
0x1a7: {  	[sflag:s12] =	ssyncadd.s32 $0xFFFFC180  }
0x1a8: {  	_ =	swait.ge [sflag:s20], $0x3E80  }
0x1a9: {  	[sflag:s20] =	ssyncset.done $0x0  }
0x1aa: {  	s7 =	simm.s32 $0x2100;
	[sflag:s20] =	ssyncadd.s32 $0xFFFFC180  }
0x1ab: {  	[tilespmem:s14], [sflag:$0x3] =	stream.indirect.gather [hbm4b:s1+s9], $0x80, s7, s9, $0xb8;
	[tilespmem:$0x1E080] =	vst v63  }
0x1ac: {  	s7 =	simm.s32 $0x2080  }
0x1ad: {  	[spmem:s2] =	stream.indirect.scatter.add.f32 [tilespmem:s19], [sflag:$0x4], $0x80, s7, s9, $0xb8;
	[tilespmem:$0x1E080] =	vst v63  }
0x1ae: {  	_ =	swait.ge [sflag:s16], $0x3E80  }
0x1af: {  	[sflag:s16] =	ssyncset.done $0x0  }
0x1b0: {  	[sflag:s16] =	ssyncadd.s32 $0xFFFFC180  }
0x1b1: {  	_ =	swait.ge [sflag:s17], $0x3E80  }
0x1b2: {  	[sflag:s17] =	ssyncset.done $0x0  }
0x1b3: {  	[sflag:s17] =	ssyncadd.s32 $0xFFFFC180  }
0x1b4: {  	[tilespmem:s19], [sflag:$0x2] =	stream.indirect.gather [hbm4b:s1+s9], $0x80, s0, s9, $0xb8;
	[tilespmem:$0x1E080] =	vst v63  }
0x1b5: {  	_ = 	snop  }
0x1b6: {  	[spmem:s2] =	stream.indirect.scatter.add.f32 [tilespmem:s14], [sflag:$0x5], $0x80, s22, s9, $0xb8;
	[tilespmem:$0x1E080] =	vst v63  }
0x1b7: {  	_ =	swait.ge [sflag:s12], $0x3E80  }
0x1b8: {  	[sflag:s12] =	ssyncset.done $0x0  }
0x1b9: {  	[sflag:s12] =	ssyncadd.s32 $0xFFFFC180  }
0x1ba: {  	_ =	swait.ge [sflag:s20], $0x3E80  }
0x1bb: {  	[sflag:s20] =	ssyncset.done $0x0  }
0x1bc: {  	[sflag:s20] =	ssyncadd.s32 $0xFFFFC180  }
0x1bd: {  	[tilespmem:s14], [sflag:$0x3] =	stream.indirect.gather [hbm4b:s1+s9], $0x80, s23, s9, $0xb8;
	[tilespmem:$0x1E080] =	vst v63  }
0x1be: {  	_ = 	snop  }
0x1bf: {  	[spmem:s2] =	stream.indirect.scatter.add.f32 [tilespmem:s19], [sflag:$0x4], $0x80, s24, s9, $0xb8;
	[tilespmem:$0x1E080] =	vst v63  }
0x1c0: {  	_ =	swait.ge [sflag:s16], $0x3E80  }
0x1c1: {  	[sflag:s16] =	ssyncset.done $0x0  }
0x1c2: {  	[sflag:s16] =	ssyncadd.s32 $0xFFFFC180  }
0x1c3: {  	_ =	swait.ge [sflag:s17], $0x3E80  }
0x1c4: {  	[sflag:s17] =	ssyncset.done $0x0  }
0x1c5: {  	[sflag:s17] =	ssyncadd.s32 $0xFFFFC180  }
0x1c6: {  	[tilespmem:s19], [sflag:$0x2] =	stream.indirect.gather [hbm4b:s1+s9], $0x80, s25, s9, $0xb8;
	[tilespmem:$0x1E080] =	vst v63  }
0x1c7: {  	_ = 	snop  }
0x1c8: {  	[spmem:s2] =	stream.indirect.scatter.add.f32 [tilespmem:s14], [sflag:$0x5], $0x80, s26, s9, $0xb8;
	[tilespmem:$0x1E080] =	vst v63  }
0x1c9: {  	_ =	swait.ge [sflag:s12], $0x3E80  }
0x1ca: {  	[sflag:s12] =	ssyncset.done $0x0  }
0x1cb: {  	[sflag:s12] =	ssyncadd.s32 $0xFFFFC180  }
0x1cc: {  	_ =	swait.ge [sflag:s20], $0x3E80  }
0x1cd: {  	[sflag:s20] =	ssyncset.done $0x0  }
0x1ce: {  	[sflag:s20] =	ssyncadd.s32 $0xFFFFC180  }
0x1cf: {  	[tilespmem:s14], [sflag:$0x3] =	stream.indirect.gather [hbm4b:s1+s9], $0x80, s28, s9, $0xb8;
	[tilespmem:$0x1E080] =	vst v63  }
0x1d0: {  	_ = 	snop  }
0x1d1: {  	[spmem:s2] =	stream.indirect.scatter.add.f32 [tilespmem:s19], [sflag:$0x4], $0x80, s29, s9, $0xb8;
	[tilespmem:$0x1E080] =	vst v63  }
0x1d2: {  	_ =	swait.ge [sflag:s16], $0x3E80  }
0x1d3: {  	[sflag:s16] =	ssyncset.done $0x0  }
0x1d4: {  	[sflag:s16] =	ssyncadd.s32 $0xFFFFC180  }
0x1d5: {  	_ =	swait.ge [sflag:s17], $0x3E80  }
0x1d6: {  	[sflag:s17] =	ssyncset.done $0x0  }
0x1d7: {  	[sflag:s17] =	ssyncadd.s32 $0xFFFFC180  }
0x1d8: {  	[tilespmem:s19], [sflag:$0x2] =	stream.indirect.gather [hbm4b:s1+s9], $0x80, s30, s9, $0xb8;
	[tilespmem:$0x1E080] =	vst v63  }
0x1d9: {  	_ = 	snop  }
0x1da: {  	[spmem:s2] =	stream.indirect.scatter.add.f32 [tilespmem:s14], [sflag:$0x5], $0x80, s6, s9, $0xb8;
	[tilespmem:$0x1E080] =	vst v63  }
0x1db: {  	_ =	swait.ge [sflag:s12], $0x3E80  }
0x1dc: {  	[sflag:s12] =	ssyncset.done $0x0  }
0x1dd: {  	[sflag:s12] =	ssyncadd.s32 $0xFFFFC180  }
0x1de: {  	_ =	swait.ge [sflag:s20], $0x3E80  }
0x1df: {  	[sflag:s20] =	ssyncset.done $0x0  }
0x1e0: {  	[sflag:s20] =	ssyncadd.s32 $0xFFFFC180  }
0x1e1: {  	[tilespmem:s14], [sflag:$0x3] =	stream.indirect.gather [hbm4b:s1+s9], $0x80, s13, s9, $0xb8;
	[tilespmem:$0x1E080] =	vst v63  }
0x1e2: {  	_ = 	snop  }
0x1e3: {  	[spmem:s2] =	stream.indirect.scatter.add.f32 [tilespmem:s19], [sflag:$0x4], $0x80, s15, s9, $0xb8;
	[tilespmem:$0x1E080] =	vst v63  }
0x1e4: {  	_ =	swait.ge [sflag:s16], $0x3E80  }
0x1e5: {  	p2 =	por p3, p3;
	[sflag:s16] =	ssyncset.done $0x0  }
.Ltmp1:
0x1e6: {  	[sflag:s16] =	ssyncadd.s32 $0xFFFFC180;
	(pc) =	sbr.rel @p2 .LBB2_4-.Ltmp1, $4  }
0x1e7: {  	_ =	swait.ge [sflag:s17], $0x3E80  }
0x1e8: {  	[sflag:s17] =	ssyncset.done $0x0  }
0x1e9: {  	p3 =	por $0x0, $0x0;
	[sflag:s17] =	ssyncadd.s32 $0xFFFFC180  }
0x1ea: {  	[spmem:s2] =	stream.indirect.scatter.add.f32 [tilespmem:s14], [sflag:$0x5], $0x80, s18, s9, $0xb8;
	[tilespmem:$0x1E080] =	vst v63  }
0x1eb: {  	_ =	swait.ge [sflag:s20], $0x3E80  }
0x1ec: {  	[sflag:s20] =	ssyncset.done $0x0  }
0x1ed: {  	[sflag:s20] =	ssyncadd.s32 $0xFFFFC180  }
0x1ee: {  	[bflag:$0x0] =	sbarrier.arrive $0xFFFF  }
0x1ef: {  	s19 =	rddreg [dreg:$0x9]  }
0x1f0: {  	s7 =	simm.s32 @p0 $0x1FC6;
	s21 =	rddreg [dreg:$0x15]  }
0x1f1: {  	[hbm:s19], [sflag:s7] =	dma.local @p0 [spmem:s21], $0x2800  }
0x1f2: {  	s7 =	simm.s32 @p0 $0x6  }
0x1f3: {  	s19 =	stileid.u32;
	_ =	swait.ge @p0 [sflag:s7], $0x2800  }
0x1f4: {  	s19 =	sshll.u32 @!p0 s19, $0x6;
	[sflag:s7] =	ssyncset.done @p0 $0x0  }
0x1f5: {  	[sflag:s7] =	ssyncadd.s32 @p0 $0xFFFFD800;
	s7 =	sor.u32 @!p0 $0x1C06, s19;
	s19 =	rddreg [dreg:$0x4]  }
0x1f6: {  	s21 =	rddreg [dreg:$0x8];
	s19 =	sshrl.u32 @!p0 s19, $0x3  }
0x1f7: {  	[hbm:s21], [sflag:s7] =	dma.local @!p0 [spmem:s19], $0x2700  }
0x1f8: {  	s7 =	simm.s32 @!p0 $0x6  }
0x1f9: {  	_ =	swait.ge @!p0 [sflag:s7], $0x2700  }
0x1fa: {  	s0 =	rddreg [dreg:$0x1a]  }
0x1fb: {  	s19 =	rddreg [dreg:$0xa];
	s0 =	sadd.s32 $0x1, s0  }
0x1fc: {  	p2 =	sne.s32 s0, s19  }
.Ltmp2:
0x1fd: {  	_ = 	snop;
	(pc) =	sbr.rel @p2 .LBB2_1-.Ltmp2, $3  }
0x1fe: {  	_ =	sdelay $0x1  }
0x1ff: {  	[sflag:s7] =	ssyncset.done @!p0 $0x0  }
0x200: {  	s21 =	simm.s32 $0x100;
	[sflag:s7] =	ssyncadd.s32 @!p0 $0xFFFFD900  }
0x201: {  	_ =	sfence.sel $0x180000  }
0x202: {  	[bflag:$0x0] =	sbarrier.arrive $0xFFFF  }
0x203: {  	_ =	strace $0x9000004A  }
0x204: {  	s0 =	stileid.u32;
	[bflag:$0x2] =	sbarrier.arrive $0xFFFF  }
0x205: {  	p0 =	sne.s32 s0, $0x0;
	s0 =	rddreg [dreg:$0x3]  }
0x206: {  	s0 =	sadd.s32 @!p0 $0x100000, s0  }
0x207: {  	[sflag:s0] =	ssyncadd.tile.s32 @!p0 $0x1;
	_ =	shalt  }
.Lfunc_end2:
_tile_overlayer_lowered:
.L_overlay_start_2:
0x208: {  	(tag) =	ssettag $0x2  }
0x209: {  	s0 =	rddreg [dreg:$0x0];
	s2 =	stileid.u32  }
0x20a: {  	s1 =	rddreg [dreg:$0x1];
	p0 =	sne.s32 s2, $0x0  }
0x20b: {  	s3 =	rddreg [dreg:$0x2];
	[bflag:$0x3] =	sbarrier.arrive $0xFFFF;
	s2 =	simm.s32 @!p0 $0x1C06  }
0x20c: {  	[timem:s3], [sflag:s2] =	dma.local @!p0 [hbm:s0], s1  }
0x20d: {  	s0 =	simm.s32 @!p0 $0x6  }
0x20e: {  	_ =	swait.ge @!p0 [sflag:s0], s1  }
0x20f: {  	s1 =	ssub.s32 @!p0 $0x0, s1;
	[sflag:s0] =	ssyncset.done @!p0 $0x0  }
0x210: {  	[sflag:s0] =	ssyncadd.s32 @!p0 s1  }
0x211: {  	[bflag:$0x3] =	sbarrier.arrive $0xFFFF  }
0x212: {  	_ =	shalt  }

// kernel: kernel.14.cloned.1.call-start
scs
__scs_entry_jumppad:
0x0: {  	(pc) =	sbr.rel $0x88, $3  }
0x1: {  	(tag) =	ssettag $0x0;
	lr =	simm.s32 $0x1  }
0x2: {  	[smem:$0x3F9B] =	sst lr;
	_ =	strace $0xD0000000  }
0x3: {  	_ = 	snop  }
0x4: {  	_ = 	snop  }
0x5: {  	_ = 	snop  }
0x6: {  	_ = 	snop  }
0x7: {  	_ = 	snop  }
__scs_overlays_trampoline_lowered:
0x8: {  	[smem:$0x3FAA] =	sst s0  }
0x9: {  	[smem:$0x3FAB] =	sst s1  }
0xa: {  	[smem:$0x3FAC] =	sst s2  }
0xb: {  	[smem:$0x3FAD] =	sst s3  }
0xc: {  	[smem:$0x3FAE] =	sst s4  }
0xd: {  	[smem:$0x3FAF] =	sst s5  }
0xe: {  	[smem:$0x3FB0] =	sst s6  }
0xf: {  	[smem:$0x3FB1] =	sst s7  }
0x10: {  	[smem:$0x3FB2] =	sst s8  }
0x11: {  	[smem:$0x3FB3] =	sst s9;
	s0 =	simm.s32 @!p0 $0x0  }
0x12: {  	s1 =	sld [smem:$0x3F99];
	s0 =	simm.s32 @p0 $0x1  }
0x13: {  	[smem:$0x3FB4] =	sst s0;
	s0 =	simm.s32 @!p1 $0x0  }
0x14: {  	s2 =	sld [smem:$0x3F98];
	s0 =	simm.s32 @p1 $0x1  }
0x15: {  	[smem:$0x3FB5] =	sst s0;
	s0 =	simm.s32 @!p2 $0x0  }
0x16: {  	s3 =	sld [smem:$0x3FDB];
	s0 =	simm.s32 @p2 $0x1  }
0x17: {  	s4 =	simm.s32 $0x1BF5;
	[smem:$0x3FB7] =	sst s0  }
0x18: {  	s0 =	sld [smem:$0x3F9A];
	_ =	swait.ge [sflag:s4], $0x0  }
0x19: {  	s7 =	sld [smem:$0x3F9B]  }
0x1a: {  	s8 =	sadd.s32 $0xFFFFE003, lr  }
0x1b: {  	s9 =	sadd.s32 $0xFFFFFEF7, lr;
	s5 =	simm.s32 $0xFFFFFFFF;
	p2 =	slt.u32 s8, $0xFFFFF086  }
0x1c: {  	p1 =	slt.u32 s9, $0xF7A;
	s5 =	simm.s32 @!p2 $0x0  }
0x1d: {  	s5 =	simm.s32 @p1 $0x1;
	p0 =	seq.s32 s7, s2  }
0x1e: {  	s7 =	smul.u32 @!p0 $0xF7A, s2;
	p2 =	seq.s32 @!p0 s5, $0x0  }
0x1f: {  	s9 =	smul.u32 $0xF7A, s1;
	s8 =	simm.s32 @!p0 $0x1BF5;
	p2 =	por !p2, p0  }
0x20: {  	[sflag:s8] =	ssyncset.s32 @!p0 $0xFFFFF086;
	s6 =	sadd.s32 @!p0 s3, s7;
	s7 =	simm.s32 @!p0 $0x108  }
0x21: {  	s3 =	sadd.s32 s3, s9;
	s6 =	sadd.s32 @!p0 $0x88, s6;
	s7 =	simm.s32 @p2 $0x1082  }
0x22: {  	[simem:s7], [sflag:s8] =	dma.local @!p0 [hbm:s6], $0xF7A  }
0x23: {  	s9 =	sor.u32 $0xD0000000, s2;
	s6 =	simm.s32 $0x108;
	_ =	swait.ge @!p0 [sflag:s8], $0x0  }
0x24: {  	s3 =	sadd.s32 $0x88, s3;
	s6 =	simm.s32 @!p1 $0x1082;
	[sflag:s4] =	ssyncset.s32 $0xFFFFF086  }
0x25: {  	[simem:s6], [sflag:s4] =	dma.local [hbm:s3], $0xF7A  }
0x26: {  	[smem:$0x3F9B] =	sst s1;
	(tag) =	ssettag s2;
	_ =	strace s9  }
0x27: {  	s1 =	sld [smem:$0x3FAB]  }
0x28: {  	s2 =	sld [smem:$0x3FAC]  }
0x29: {  	s4 =	sld [smem:$0x3FAE]  }
0x2a: {  	p0 =	seq.s32 s5, $0x0;
	s5 =	sld [smem:$0x3FAF]  }
0x2b: {  	s6 =	sld [smem:$0x3FB0]  }
0x2c: {  	s7 =	sld [smem:$0x3FB1]  }
0x2d: {  	s3 =	simm.s32 $0x108;
	s8 =	sld [smem:$0x3FB2]  }
0x2e: {  	s3 =	simm.s32 @!p0 $0x1082;
	s9 =	sld [smem:$0x3FB3]  }
0x2f: {  	lr =	sadd.s32 s0, s3;
	s0 =	sld [smem:$0x3FAA]  }
0x30: {  	s3 =	sld [smem:$0x3FAD]  }
0x31: {  	[smem:$0x3FB6] =	sst s10  }
0x32: {  	s10 =	sld [smem:$0x3FB4];
	_ =	sdelay $0x3  }
0x33: {  	p0 =	seq.s32 s10, $0x1;
	s10 =	sld [smem:$0x3FB6];
	_ =	sdelay $0x3  }
0x34: {  	[smem:$0x3FB6] =	sst s10  }
0x35: {  	s10 =	sld [smem:$0x3FB5];
	_ =	sdelay $0x3  }
0x36: {  	p1 =	seq.s32 s10, $0x1;
	s10 =	sld [smem:$0x3FB6];
	_ =	sdelay $0x3  }
0x37: {  	[smem:$0x3FB6] =	sst s10  }
0x38: {  	s10 =	sld [smem:$0x3FB7]  }
0x39: {  	_ = 	snop;
	(pc) =	sbr.ind lr, $3  }
0x3a: {  	_ = 	snop  }
0x3b: {  	_ = 	snop  }
0x3c: {  	p2 =	seq.s32 s10, $0x1;
	s10 =	sld [smem:$0x3FB6]  }
0x3d: {  	_ =	shalt  }
0x3e: {  	_ =	shalt  }
0x3f: {  	_ =	shalt  }
0x40: {  	_ =	shalt  }
0x41: {  	_ =	shalt  }
0x42: {  	_ =	shalt  }
0x43: {  	_ =	shalt  }
0x44: {  	_ =	shalt  }
0x45: {  	_ =	shalt  }
0x46: {  	_ =	shalt  }
0x47: {  	_ =	shalt  }
0x48: {  	_ =	shalt  }
0x49: {  	_ =	shalt  }
0x4a: {  	_ =	shalt  }
0x4b: {  	_ =	shalt  }
0x4c: {  	_ =	shalt  }
0x4d: {  	_ =	shalt  }
0x4e: {  	_ =	shalt  }
0x4f: {  	_ =	shalt  }
0x50: {  	_ =	shalt  }
0x51: {  	_ =	shalt  }
0x52: {  	_ =	shalt  }
0x53: {  	_ =	shalt  }
0x54: {  	_ =	shalt  }
0x55: {  	_ =	shalt  }
0x56: {  	_ =	shalt  }
0x57: {  	_ =	shalt  }
0x58: {  	_ =	shalt  }
0x59: {  	_ =	shalt  }
0x5a: {  	_ =	shalt  }
0x5b: {  	_ =	shalt  }
0x5c: {  	_ =	shalt  }
0x5d: {  	_ =	shalt  }
0x5e: {  	_ =	shalt  }
0x5f: {  	_ =	shalt  }
0x60: {  	_ =	shalt  }
0x61: {  	_ =	shalt  }
0x62: {  	_ =	shalt  }
0x63: {  	_ =	shalt  }
0x64: {  	_ =	shalt  }
0x65: {  	_ =	shalt  }
0x66: {  	_ =	shalt  }
0x67: {  	_ =	shalt  }
0x68: {  	_ =	shalt  }
0x69: {  	_ =	shalt  }
0x6a: {  	_ =	shalt  }
0x6b: {  	_ =	shalt  }
0x6c: {  	_ =	shalt  }
0x6d: {  	_ =	shalt  }
0x6e: {  	_ =	shalt  }
0x6f: {  	_ =	shalt  }
0x70: {  	_ =	shalt  }
0x71: {  	_ =	shalt  }
0x72: {  	_ =	shalt  }
0x73: {  	_ =	shalt  }
0x74: {  	_ =	shalt  }
0x75: {  	_ =	shalt  }
0x76: {  	_ =	shalt  }
0x77: {  	_ =	shalt  }
0x78: {  	_ =	shalt  }
0x79: {  	_ =	shalt  }
0x7a: {  	_ =	shalt  }
0x7b: {  	_ =	shalt  }
0x7c: {  	_ =	shalt  }
0x7d: {  	_ =	shalt  }
0x7e: {  	_ =	shalt  }
0x7f: {  	_ =	shalt  }
0x80: {  	_ =	shalt  }
0x81: {  	_ =	shalt  }
0x82: {  	_ =	shalt  }
0x83: {  	_ =	shalt  }
0x84: {  	_ =	shalt  }
0x85: {  	_ =	shalt  }
0x86: {  	_ =	shalt  }
0x87: {  	_ =	shalt  }
.Lfunc_end0:
.L_simem_size_0:
called_computation.2_lowered:
.L_overlay_start_0:
0x88: {  	s2 =	sld [smem:$0x3FD9]  }
0x89: {  	s3 =	sld [smem:$0x3FFE];
	_ =	sdelay $0x1  }
0x8a: {  	s1 =	srdreg.scid  }
0x8b: {  	s0 =	sand.u32 $0x1, s1  }
0x8c: {  	s17 =	sshll.u32 s0, $0xA;
	s2 =	sadd.s32 s3, s2  }
0x8d: {  	s2 =	sadd.s32 s2, s17  }
0x8e: {  	[smem:$0x3FC2] =	sst s2  }
0x8f: {  	_ = 	snop  }
0x90: {  	s2 =	sld [smem:$0x3FD0];
	(tm) =	ssettm $0x1  }
0x91: {  	s18 =	sld [smem:$0x3FFB];
	_ =	sdelay $0x3  }
0x92: {  	_ =	strace s18  }
0x93: {  	s3 =	sld [smem:$0x3FFC];
	_ =	sdelay $0x3  }
0x94: {  	_ =	strace s3  }
0x95: {  	s3 =	sld [smem:$0x3FFD];
	_ =	sdelay $0x3  }
0x96: {  	_ =	strace s3  }
0x97: {  	_ =	strace $0x8FFFFFFF  }
0x98: {  	s19 =	sld [smem:$0x3FDB];
	_ =	sdelay $0x1  }
0x99: {  	s4 =	simm.s32 $_scs_section_size  }
0x9a: {  	s5 =	simm.s32 $_size__tile_overlayer_lowered;
	s6 =	simm.s32 $_tile_overlayer_lowered  }
0x9b: {  	s22 =	simm.s32 $0x1BFF;
	s21 =	sshll.u32 s6, $0x1;
	s3 =	sadd.s32 s4, s19  }
0x9c: {  	s7 =	simm.s32 $0x0;
	s20 =	sshll.u32 s5, $0x1;
	s5 =	sadd.s32 s21, s3  }
0x9d: {  	[timem:s7], [sflag:s22] =	dma.local [hbm:s5], s20  }
0x9e: {  	_ =	swait.ge [sflag:s22], s20  }
0x9f: {  	s4 =	ssub.s32 $0x0, s20;
	[sflag:s22] =	ssyncset.done $0x0  }
0xa0: {  	[sflag:s22] =	ssyncadd.s32 s4;
	_ =	sdelay $0x1  }
0xa1: {  	s23 =	simm.s32 $0x1B8B  }
0xa2: {  	_ =	swait.ge [sflag:s23], $0x1  }
0xa3: {  	[sflag:s23] =	ssyncset.done $0x0  }
0xa4: {  	s25 =	simm.s32 $0x1B8E;
	s24 =	sld [smem:$0x3FFE];
	[sflag:s23] =	ssyncadd.s32 $0xFFFFFFFF  }
0xa5: {  	s26 =	simm.s32 $execute0_lowered;
	[smem:$0x3FD2] =	sst s25  }
0xa6: {  	s5 =	sshll.u32 s26, $0x1;
	_ =	strace $0x8000004C;
	[dreg:$0x1] =	wrdreg $0xFFFFFFFF  }
0xa7: {  	s28 =	simm.s32 $_size_execute0_lowered;
	s3 =	sadd.s32 s3, s5;
	[dreg:$0x0] =	wrdreg $0x0  }
0xa8: {  	s5 =	sshll.u32 s28, $0x1;
	[dreg:$0x2] =	wrdreg s3  }
0xa9: {  	[dreg:$0x3] =	wrdreg s5  }
0xaa: {  	[dreg:$0x4] =	wrdreg $0xC0  }
0xab: {  	_ =	task [dreg:s7], $0x5FFFF  }
0xac: {  	[dreg:$0x1] =	wrdreg $0xFFFFFFFF  }
0xad: {  	[dreg:$0x0] =	wrdreg $0x60  }
0xae: {  	[dreg:$0x2] =	wrdreg s24  }
0xaf: {  	[dreg:$0x3] =	wrdreg s2  }
0xb0: {  	[dreg:$0x4] =	wrdreg $0xA8000  }
0xb1: {  	[dreg:$0x5] =	wrdreg $0x9  }
0xb2: {  	_ =	task.clear_ibuf [dreg:s7], $0x6FFFF;
	_ =	strace $0x9000004C  }
0xb3: {  	s29 =	simm.s32 $0x9;
	_ =	strace $0x8000004E  }
0xb4: {  	_ =	swait.ge [sflag:s29], $0x1  }
0xb5: {  	[sflag:s29] =	ssyncadd.s32 $0xFFFFFFFF  }
0xb6: {  	_ =	strace $0x9000004E  }
0xb7: {  	_ =	sfence  }
0xb8: {  	s30 =	sld [smem:$0x0];
	_ =	sdelay $0x2  }
0xb9: {  	s31 =	sshll.u32 s1, $0xD;
	s1 =	sshrl.u32 s1, $0x2  }
0xba: {  	s3 =	sand.u32 $0x4000, s31;
	s1 =	sadd.s32 s1, s30  }
0xbb: {  	s0 =	sor.u32 s3, s0;
	s1 =	sshll.u32 s1, $0x11  }
0xbc: {  	s0 =	sor.u32 s1, s0  }
0xbd: {  	s0 =	sadd.s32 $0x8F2B, s0  }
0xbe: {  	[sflag:s0] =	ssyncadd.remote.s32 $0x1  }
0xbf: {  	_ =	sfence.sel $0xFFFF  }
0xc0: {  	[dreg:$0x0] =	wrdreg $0xFFFFFFFF;
	(pc) =	sbr.abs _section_cstart, $3  }
0xc1: {  	[dreg:$0x1] =	wrdreg $0xFFFFFFFF  }
0xc2: {  	_ =	task.clear_ibuf [dreg:s7], $0x2FFFF;
	_ =	strace $0x9FFFFFFF  }
0xc3: {  	(tm) =	ssettm $0x7FFFFFFF  }
tec
execute0_lowered:
.L_overlay_start_1:
0x0: {  	(tag) =	ssettag $0x1  }
0x1: {  	s0 =	rddreg [dreg:$0x0]  }
0x2: {  	s1 =	rddreg [dreg:$0x1]  }
0x3: {  	s2 =	rddreg [dreg:$0x2];
	s3 =	simm.s32 $0x0;
	s4 =	srdreg.scid  }
0x4: {  	s12 =	stileid.u32;
	s31 =	simm.s32 $0x2800;
	s28 =	simm.s32 $0x2500  }
0x5: {  	s29 =	simm.s32 $0x2480;
	s30 =	simm.s32 $0x2600;
	[smem:$0x7FF] =	sst s3  }
0x6: {  	s4 =	sand.u32 $0x1, s4;
	s5 =	sadd.s32 $0xC400, s0;
	s7 =	smul.u32 $0x4E000, s12  }
0x7: {  	s0 =	sadd.s32 $0x20400, s0;
	s22 =	smul.u32 $0x13800, s12;
	s25 =	sadd.s32 $0x138000, s2  }
0x8: {  	p0 =	seq.s32 s12, $0xF;
	p1 =	sne.s32 s12, $0xF;
	_ =	strace $0x8000004D  }
0x9: {  	s6 =	sshll.u32 s4, $0x4;
	s8 =	ssub.s32 $0x2, s4;
	s7 =	sshrl.u32 s7, $0x2  }
0xa: {  	[dreg:$0x7] =	wrdreg s25;
	s9 =	sshrl.u32 s8, $0x1;
	s13 =	sadd.s32 s7, s2  }
0xb: {  	s8 =	ssub.s32 s8, s9;
	s24 =	sadd.s32 $0x12C00, s13;
	[dreg:$0x4] =	wrdreg s13  }
0xc: {  	s4 =	smul.u32 $0x138800, s4;
	s8 =	smax.u32 s8, $0x1;
	[dreg:$0x6] =	wrdreg s24  }
0xd: {  	s6 =	sor.u32 s12, s6;
	s9 =	sadd.s32 $0x1400, s13;
	[dreg:$0xa] =	wrdreg s8  }
0xe: {  	s12 =	simm.s32 $0x2;
	s14 =	sadd.s32 $0x2800, s13;
	[dreg:$0xb] =	wrdreg s9  }
0xf: {  	s6 =	smul.u32 $0x5000, s6;
	s15 =	sadd.s32 $0x3C00, s13;
	[dreg:$0xc] =	wrdreg s14  }
0x10: {  	s7 =	sadd.s32 s22, s4;
	s16 =	sadd.s32 $0x5000, s13;
	[dreg:$0xd] =	wrdreg s15  }
0x11: {  	s4 =	sshrl.u32 s4, $0x3;
	s17 =	sadd.s32 $0x6400, s13;
	[dreg:$0xe] =	wrdreg s16  }
0x12: {  	s26 =	sshrl.u32 s7, $0x3;
	s18 =	sadd.s32 $0x7800, s13;
	[dreg:$0xf] =	wrdreg s17  }
0x13: {  	s4 =	sadd.s32 s0, s4;
	s19 =	sadd.s32 $0x8C00, s13;
	[dreg:$0x10] =	wrdreg s18  }
0x14: {  	s20 =	sadd.s32 $0xA000, s13;
	s21 =	sadd.s32 $0xB400, s13;
	[dreg:$0x11] =	wrdreg s19  }
0x15: {  	s22 =	sadd.s32 $0xC800, s13;
	s25 =	sadd.s32 $0x10400, s13;
	[dreg:$0x12] =	wrdreg s20  }
0x16: {  	s10 =	sshrl.u32 s6, $0x3;
	s0 =	sadd.s32 s0, s26;
	[dreg:$0x13] =	wrdreg s21  }
0x17: {  	s7 =	sadd.s32 $0x24900, s4;
	[dreg:$0x14] =	wrdreg s22;
	s24 =	sadd.s32 $0xF000, s13  }
0x18: {  	[dreg:$0x18] =	wrdreg s25;
	s26 =	sadd.s32 $0x11800, s13;
	s4 =	simm.s32 $0x1  }
0x19: {  	s8 =	simm.s32 $0x1400;
	s9 =	simm.s32 $0x7D;
	s21 =	simm.s32 $0x100  }
0x1a: {  	s14 =	simm.s32 $0x6800;
	s16 =	simm.s32 $0x3;
	s17 =	simm.s32 $0x4  }
0x1b: {  	s20 =	simm.s32 $0x5;
	s22 =	simm.s32 $0x2180;
	[dreg:$0x8] =	wrdreg s0  }
0x1c: {  	s25 =	simm.s32 $0x2400;
	s15 =	simm.s32 $0x2680;
	[dreg:$0x9] =	wrdreg s7  }
0x1d: {  	s18 =	simm.s32 $0x2780;
	s23 =	sadd.s32 s5, s10;
	[dreg:$0x17] =	wrdreg s24  }
0x1e: {  	s10 =	sadd.s32 $0x1400, s6;
	s0 =	sadd.s32 $0x124800, s2;
	[dreg:$0x19] =	wrdreg s26  }
0x1f: {  	s24 =	simm.s32 $0x2280;
	s26 =	simm.s32 $0x2380;
	s6 =	simm.s32 $0x2580  }
0x20: {  	[dreg:$0x5] =	wrdreg s23;
	s11 =	sadd.s32 $0x500, s23;
	s0 =	sshrl.u32 @p0 s0, $0x3  }
0x21: {  	s23 =	sadd.s32 $0xDC00, s13;
	s13 =	simm.s32 $0x2700;
	[dreg:$0x15] =	wrdreg s0  }
0x22: {  	v0 =	vimm.f32 $0.0e+00;
	[dreg:$0x16] =	wrdreg s23;
	s0 =	simm.s32 $0x0;
	s23 =	simm.s32 $0x2300  }
.LBB2_1:
0x23: {  	s7 =	rddreg [dreg:$0x5]  }
0x24: {  	[tilespmem:s3], [sflag:$0x1] =	stream.linear.gather [hbm4b:s7+s3], $0x1400, $0x38;
	[tilespmem:$0x1E080] =	vst v63  }
0x25: {  	[dreg:$0x1a] =	wrdreg s0;
	s19 =	simm.s32 $0x70;
	s7 =	simm.s32 $0x3C0  }
.LBB2_2:
0x26: {  	p2 =	sne.s32 s7, $0x4FC0;
	[tilespmem:s19+$0x2800] =	vst v0  }
0x27: {  	[tilespmem:s19+$0x2790] =	vst v0  }
0x28: {  	[tilespmem:s19+$0x27A0] =	vst v0  }
.Ltmp0:
0x29: {  	[tilespmem:s19+$0x27B0] =	vst v0;
	(pc) =	sbr.rel @p2 .LBB2_2-.Ltmp0, $4  }
0x2a: {  	[tilespmem:s19+$0x27C0] =	vst v0  }
0x2b: {  	[tilespmem:s19+$0x27D0] =	vst v0  }
0x2c: {  	[tilespmem:s19+$0x27E0] =	vst v0  }
0x2d: {  	[tilespmem:s19+$0x27F0] =	vst v0;
	s19 =	sshra.s32 s7, $0x2;
	s7 =	sadd.s32 $0x200, s7  }
0x2e: {  	[tilespmem:s19+$0x2800] =	vst v0  }
0x2f: {  	[tilespmem:s19+$0x2790] =	vst v0  }
0x30: {  	[tilespmem:s19+$0x27A0] =	vst v0  }
0x31: {  	[tilespmem:s19+$0x27B0] =	vst v0  }
0x32: {  	[tilespmem:s19+$0x27C0] =	vst v0  }
0x33: {  	[tilespmem:s19+$0x27D0] =	vst v0  }
0x34: {  	[tilespmem:s19+$0x27E0] =	vst v0  }
0x35: {  	[tilespmem:s19+$0x27F0] =	vst v0;
	s7 =	rddreg [dreg:$0x4];
	s0 =	simm.s32 $0x6  }
0x36: {  	[spmem:s7] =	stream.linear.scatter [tilespmem:s31], [sflag:$0x6], $0x1400, $0x38;
	[tilespmem:$0x1E080] =	vst v63  }
0x37: {  	_ =	swait.ge [sflag:s0], $0x1400  }
0x38: {  	[sflag:s0] =	ssyncset.done $0x0  }
0x39: {  	s19 =	rddreg [dreg:$0xb];
	[sflag:s0] =	ssyncadd.s32 $0xFFFFEC00  }
0x3a: {  	[spmem:s19] =	stream.linear.scatter [tilespmem:s31], [sflag:$0x6], $0x1400, $0x38;
	[tilespmem:$0x1E080] =	vst v63  }
0x3b: {  	_ =	swait.ge [sflag:s0], $0x1400  }
0x3c: {  	[sflag:s0] =	ssyncset.done $0x0  }
0x3d: {  	s19 =	rddreg [dreg:$0xc];
	[sflag:s0] =	ssyncadd.s32 $0xFFFFEC00  }
0x3e: {  	[spmem:s19] =	stream.linear.scatter [tilespmem:s31], [sflag:$0x6], $0x1400, $0x38;
	[tilespmem:$0x1E080] =	vst v63  }
0x3f: {  	_ =	swait.ge [sflag:s0], $0x1400  }
0x40: {  	[sflag:s0] =	ssyncset.done $0x0  }
0x41: {  	s19 =	rddreg [dreg:$0xd];
	[sflag:s0] =	ssyncadd.s32 $0xFFFFEC00  }
0x42: {  	[spmem:s19] =	stream.linear.scatter [tilespmem:s31], [sflag:$0x6], $0x1400, $0x38;
	[tilespmem:$0x1E080] =	vst v63  }
0x43: {  	_ =	swait.ge [sflag:s0], $0x1400  }
0x44: {  	[sflag:s0] =	ssyncset.done $0x0  }
0x45: {  	s19 =	rddreg [dreg:$0xe];
	[sflag:s0] =	ssyncadd.s32 $0xFFFFEC00  }
0x46: {  	[spmem:s19] =	stream.linear.scatter [tilespmem:s31], [sflag:$0x6], $0x1400, $0x38;
	[tilespmem:$0x1E080] =	vst v63  }
0x47: {  	_ =	swait.ge [sflag:s0], $0x1400  }
0x48: {  	[sflag:s0] =	ssyncset.done $0x0  }
0x49: {  	s19 =	rddreg [dreg:$0xf];
	[sflag:s0] =	ssyncadd.s32 $0xFFFFEC00  }
0x4a: {  	[spmem:s19] =	stream.linear.scatter [tilespmem:s31], [sflag:$0x6], $0x1400, $0x38;
	[tilespmem:$0x1E080] =	vst v63  }
0x4b: {  	_ =	swait.ge [sflag:s0], $0x1400  }
0x4c: {  	[sflag:s0] =	ssyncset.done $0x0  }
0x4d: {  	s19 =	rddreg [dreg:$0x10];
	[sflag:s0] =	ssyncadd.s32 $0xFFFFEC00  }
0x4e: {  	[spmem:s19] =	stream.linear.scatter [tilespmem:s31], [sflag:$0x6], $0x1400, $0x38;
	[tilespmem:$0x1E080] =	vst v63  }
0x4f: {  	_ =	swait.ge [sflag:s0], $0x1400  }
0x50: {  	[sflag:s0] =	ssyncset.done $0x0  }
0x51: {  	s19 =	rddreg [dreg:$0x11];
	[sflag:s0] =	ssyncadd.s32 $0xFFFFEC00  }
0x52: {  	[spmem:s19] =	stream.linear.scatter [tilespmem:s31], [sflag:$0x6], $0x1400, $0x38;
	[tilespmem:$0x1E080] =	vst v63  }
0x53: {  	_ =	swait.ge [sflag:s0], $0x1400  }
0x54: {  	[sflag:s0] =	ssyncset.done $0x0  }
0x55: {  	s19 =	rddreg [dreg:$0x12];
	[sflag:s0] =	ssyncadd.s32 $0xFFFFEC00  }
0x56: {  	[spmem:s19] =	stream.linear.scatter [tilespmem:s31], [sflag:$0x6], $0x1400, $0x38;
	[tilespmem:$0x1E080] =	vst v63  }
0x57: {  	_ =	swait.ge [sflag:s0], $0x1400  }
0x58: {  	[sflag:s0] =	ssyncset.done $0x0  }
0x59: {  	s19 =	rddreg [dreg:$0x13];
	[sflag:s0] =	ssyncadd.s32 $0xFFFFEC00  }
0x5a: {  	[spmem:s19] =	stream.linear.scatter [tilespmem:s31], [sflag:$0x6], $0x1400, $0x38;
	[tilespmem:$0x1E080] =	vst v63  }
0x5b: {  	_ =	swait.ge [sflag:s0], $0x1400  }
0x5c: {  	[sflag:s0] =	ssyncset.done $0x0  }
0x5d: {  	s19 =	rddreg [dreg:$0x14];
	[sflag:s0] =	ssyncadd.s32 $0xFFFFEC00  }
0x5e: {  	[spmem:s19] =	stream.linear.scatter [tilespmem:s31], [sflag:$0x6], $0x1400, $0x38;
	[tilespmem:$0x1E080] =	vst v63  }
0x5f: {  	_ =	swait.ge [sflag:s0], $0x1400  }
0x60: {  	[sflag:s0] =	ssyncset.done $0x0  }
0x61: {  	s19 =	rddreg [dreg:$0x16];
	[sflag:s0] =	ssyncadd.s32 $0xFFFFEC00  }
0x62: {  	[spmem:s19] =	stream.linear.scatter [tilespmem:s31], [sflag:$0x6], $0x1400, $0x38;
	[tilespmem:$0x1E080] =	vst v63  }
0x63: {  	_ =	swait.ge [sflag:s0], $0x1400  }
0x64: {  	[sflag:s0] =	ssyncset.done $0x0  }
0x65: {  	s19 =	rddreg [dreg:$0x17];
	[sflag:s0] =	ssyncadd.s32 $0xFFFFEC00  }
0x66: {  	[spmem:s19] =	stream.linear.scatter [tilespmem:s31], [sflag:$0x6], $0x1400, $0x38;
	[tilespmem:$0x1E080] =	vst v63  }
0x67: {  	_ =	swait.ge [sflag:s0], $0x1400  }
0x68: {  	[sflag:s0] =	ssyncset.done $0x0  }
0x69: {  	s19 =	rddreg [dreg:$0x18];
	[sflag:s0] =	ssyncadd.s32 $0xFFFFEC00  }
0x6a: {  	[spmem:s19] =	stream.linear.scatter [tilespmem:s31], [sflag:$0x6], $0x1400, $0x38;
	[tilespmem:$0x1E080] =	vst v63  }
0x6b: {  	_ =	swait.ge [sflag:s0], $0x1400  }
0x6c: {  	[sflag:s0] =	ssyncset.done $0x0  }
0x6d: {  	s19 =	rddreg [dreg:$0x19];
	[sflag:s0] =	ssyncadd.s32 $0xFFFFEC00  }
0x6e: {  	[spmem:s19] =	stream.linear.scatter [tilespmem:s31], [sflag:$0x6], $0x1400, $0x38;
	[tilespmem:$0x1E080] =	vst v63  }
0x6f: {  	_ =	swait.ge [sflag:s0], $0x1400  }
0x70: {  	[sflag:s0] =	ssyncset.done $0x0  }
0x71: {  	s19 =	rddreg [dreg:$0x6];
	[sflag:s0] =	ssyncadd.s32 $0xFFFFEC00  }
0x72: {  	[spmem:s19] =	stream.linear.scatter [tilespmem:s31], [sflag:$0x6], $0xC00, $0x38;
	[tilespmem:$0x1E080] =	vst v63  }
0x73: {  	_ =	swait.ge [sflag:s0], $0xC00  }
0x74: {  	[sflag:s0] =	ssyncset.done $0x0  }
0x75: {  	s7 =	simm.s32 @!p1 $0x2800;
	s19 =	rddreg [dreg:$0x7];
	[sflag:s0] =	ssyncadd.s32 $0xFFFFF400  }
0x76: {  	[spmem:s19] =	stream.linear.scatter @!p1 [tilespmem:s7], [sflag:$0x6], $0x800, $0x38;
	[tilespmem:$0x1E080] =	vst v63  }
0x77: {  	s7 =	simm.s32 @!p1 $0x6  }
0x78: {  	_ =	swait.ge @!p1 [sflag:s7], $0x800  }
0x79: {  	[sflag:s7] =	ssyncset.done @!p1 $0x0  }
0x7a: {  	p3 =	por $0x1, $0x1;
	[sflag:s7] =	ssyncadd.s32 @!p1 $0xFFFFF800  }
0x7b: {  	s0 =	simm.s32 $0x2200;
	s19 =	simm.s32 $0x0;
	[bflag:$0x0] =	sbarrier.arrive $0xFFFF  }
.LBB2_4:
0x7c: {  	_ =	swait.ge [sflag:s4], $0x1400;
	s7 =	sadd.s32 s19, s10  }
0x7d: {  	[sflag:s4] =	ssyncset.done $0x0;
	s7 =	sshrl.u32 s7, $0x3  }
0x7e: {  	[sflag:s4] =	ssyncadd.s32 $0xFFFFEC00;
	s7 =	sadd.s32 s5, s7  }
0x7f: {  	[tilespmem:s8], [sflag:$0x1] =	stream.linear.gather [hbm4b:s7+s3], $0x1400, $0x38;
	[tilespmem:$0x1E080] =	vst v63  }
0x80: {  	s7 =	simm.s32 @!p3 $0x5  }
0x81: {  	_ =	swait.ge @!p3 [sflag:s7], $0x3E80  }
0x82: {  	[sflag:s7] =	ssyncset.done @!p3 $0x0  }
0x83: {  	[sflag:s7] =	ssyncadd.s32 @!p3 $0xFFFFC180  }
0x84: {  	[tilespmem:s31], [sflag:$0x2] =	stream.indirect.gather [hbm4b:s1+s9], $0x80, s3, s9, $0xb8;
	[tilespmem:$0x1E080] =	vst v63  }
0x85: {  	_ =	swait.ge [sflag:s12], $0x3E80  }
0x86: {  	[sflag:s12] =	ssyncset.done $0x0  }
0x87: {  	[sflag:s12] =	ssyncadd.s32 $0xFFFFC180  }
0x88: {  	[tilespmem:s14], [sflag:$0x3] =	stream.indirect.gather [hbm4b:s1+s9], $0x80, s21, s9, $0xb8;
	[tilespmem:$0x1E080] =	vst v63  }
0x89: {  	s19 =	simm.s32 $0x80  }
0x8a: {  	[spmem:s2] =	stream.indirect.scatter.add.f32 [tilespmem:s31], [sflag:$0x4], $0x80, s19, s9, $0xb8;
	[tilespmem:$0x1E080] =	vst v63  }
0x8b: {  	_ =	swait.ge [sflag:s16], $0x3E80  }
0x8c: {  	[sflag:s16] =	ssyncset.done $0x0  }
0x8d: {  	[sflag:s16] =	ssyncadd.s32 $0xFFFFC180  }
0x8e: {  	_ =	swait.ge [sflag:s17], $0x3E80  }
0x8f: {  	[sflag:s17] =	ssyncset.done $0x0  }
0x90: {  	s19 =	simm.s32 $0x200;
	[sflag:s17] =	ssyncadd.s32 $0xFFFFC180  }
0x91: {  	[tilespmem:s31], [sflag:$0x2] =	stream.indirect.gather [hbm4b:s1+s9], $0x80, s19, s9, $0xb8;
	[tilespmem:$0x1E080] =	vst v63  }
0x92: {  	s19 =	simm.s32 $0x180  }
0x93: {  	[spmem:s2] =	stream.indirect.scatter.add.f32 [tilespmem:s14], [sflag:$0x5], $0x80, s19, s9, $0xb8;
	[tilespmem:$0x1E080] =	vst v63  }
0x94: {  	_ =	swait.ge [sflag:s12], $0x3E80  }
0x95: {  	[sflag:s12] =	ssyncset.done $0x0  }
0x96: {  	[sflag:s12] =	ssyncadd.s32 $0xFFFFC180  }
0x97: {  	_ =	swait.ge [sflag:s20], $0x3E80  }
0x98: {  	[sflag:s20] =	ssyncset.done $0x0  }
0x99: {  	s19 =	simm.s32 $0x300;
	[sflag:s20] =	ssyncadd.s32 $0xFFFFC180  }
0x9a: {  	[tilespmem:s14], [sflag:$0x3] =	stream.indirect.gather [hbm4b:s1+s9], $0x80, s19, s9, $0xb8;
	[tilespmem:$0x1E080] =	vst v63  }
0x9b: {  	s19 =	simm.s32 $0x280  }
0x9c: {  	[spmem:s2] =	stream.indirect.scatter.add.f32 [tilespmem:s31], [sflag:$0x4], $0x80, s19, s9, $0xb8;
	[tilespmem:$0x1E080] =	vst v63  }
0x9d: {  	_ =	swait.ge [sflag:s16], $0x3E80  }
0x9e: {  	[sflag:s16] =	ssyncset.done $0x0  }
0x9f: {  	[sflag:s16] =	ssyncadd.s32 $0xFFFFC180  }
0xa0: {  	_ =	swait.ge [sflag:s17], $0x3E80  }
0xa1: {  	[sflag:s17] =	ssyncset.done $0x0  }
0xa2: {  	s19 =	simm.s32 $0x400;
	[sflag:s17] =	ssyncadd.s32 $0xFFFFC180  }
0xa3: {  	[tilespmem:s31], [sflag:$0x2] =	stream.indirect.gather [hbm4b:s1+s9], $0x80, s19, s9, $0xb8;
	[tilespmem:$0x1E080] =	vst v63  }
0xa4: {  	s19 =	simm.s32 $0x380  }
0xa5: {  	[spmem:s2] =	stream.indirect.scatter.add.f32 [tilespmem:s14], [sflag:$0x5], $0x80, s19, s9, $0xb8;
	[tilespmem:$0x1E080] =	vst v63  }
0xa6: {  	_ =	swait.ge [sflag:s12], $0x3E80  }
0xa7: {  	[sflag:s12] =	ssyncset.done $0x0  }
0xa8: {  	[sflag:s12] =	ssyncadd.s32 $0xFFFFC180  }
0xa9: {  	_ =	swait.ge [sflag:s20], $0x3E80  }
0xaa: {  	[sflag:s20] =	ssyncset.done $0x0  }
0xab: {  	s19 =	simm.s32 $0x500;
	[sflag:s20] =	ssyncadd.s32 $0xFFFFC180  }
0xac: {  	[tilespmem:s14], [sflag:$0x3] =	stream.indirect.gather [hbm4b:s1+s9], $0x80, s19, s9, $0xb8;
	[tilespmem:$0x1E080] =	vst v63  }
0xad: {  	s19 =	simm.s32 $0x480  }
0xae: {  	[spmem:s2] =	stream.indirect.scatter.add.f32 [tilespmem:s31], [sflag:$0x4], $0x80, s19, s9, $0xb8;
	[tilespmem:$0x1E080] =	vst v63  }
0xaf: {  	_ =	swait.ge [sflag:s16], $0x3E80  }
0xb0: {  	[sflag:s16] =	ssyncset.done $0x0  }
0xb1: {  	[sflag:s16] =	ssyncadd.s32 $0xFFFFC180  }
0xb2: {  	_ =	swait.ge [sflag:s17], $0x3E80  }
0xb3: {  	[sflag:s17] =	ssyncset.done $0x0  }
0xb4: {  	s19 =	simm.s32 $0x600;
	[sflag:s17] =	ssyncadd.s32 $0xFFFFC180  }
0xb5: {  	[tilespmem:s31], [sflag:$0x2] =	stream.indirect.gather [hbm4b:s1+s9], $0x80, s19, s9, $0xb8;
	[tilespmem:$0x1E080] =	vst v63  }
0xb6: {  	s19 =	simm.s32 $0x580  }
0xb7: {  	[spmem:s2] =	stream.indirect.scatter.add.f32 [tilespmem:s14], [sflag:$0x5], $0x80, s19, s9, $0xb8;
	[tilespmem:$0x1E080] =	vst v63  }
0xb8: {  	_ =	swait.ge [sflag:s12], $0x3E80  }
0xb9: {  	[sflag:s12] =	ssyncset.done $0x0  }
0xba: {  	[sflag:s12] =	ssyncadd.s32 $0xFFFFC180  }
0xbb: {  	_ =	swait.ge [sflag:s20], $0x3E80  }
0xbc: {  	[sflag:s20] =	ssyncset.done $0x0  }
0xbd: {  	s19 =	simm.s32 $0x700;
	[sflag:s20] =	ssyncadd.s32 $0xFFFFC180  }
0xbe: {  	[tilespmem:s14], [sflag:$0x3] =	stream.indirect.gather [hbm4b:s1+s9], $0x80, s19, s9, $0xb8;
	[tilespmem:$0x1E080] =	vst v63  }
0xbf: {  	s19 =	simm.s32 $0x680  }
0xc0: {  	[spmem:s2] =	stream.indirect.scatter.add.f32 [tilespmem:s31], [sflag:$0x4], $0x80, s19, s9, $0xb8;
	[tilespmem:$0x1E080] =	vst v63  }
0xc1: {  	_ =	swait.ge [sflag:s16], $0x3E80  }
0xc2: {  	[sflag:s16] =	ssyncset.done $0x0  }
0xc3: {  	[sflag:s16] =	ssyncadd.s32 $0xFFFFC180  }
0xc4: {  	_ =	swait.ge [sflag:s17], $0x3E80  }
0xc5: {  	[sflag:s17] =	ssyncset.done $0x0  }
0xc6: {  	s19 =	simm.s32 $0x800;
	[sflag:s17] =	ssyncadd.s32 $0xFFFFC180  }
0xc7: {  	[tilespmem:s31], [sflag:$0x2] =	stream.indirect.gather [hbm4b:s1+s9], $0x80, s19, s9, $0xb8;
	[tilespmem:$0x1E080] =	vst v63  }
0xc8: {  	s19 =	simm.s32 $0x780  }
0xc9: {  	[spmem:s2] =	stream.indirect.scatter.add.f32 [tilespmem:s14], [sflag:$0x5], $0x80, s19, s9, $0xb8;
	[tilespmem:$0x1E080] =	vst v63  }
0xca: {  	_ =	swait.ge [sflag:s12], $0x3E80  }
0xcb: {  	[sflag:s12] =	ssyncset.done $0x0  }
0xcc: {  	[sflag:s12] =	ssyncadd.s32 $0xFFFFC180  }
0xcd: {  	_ =	swait.ge [sflag:s20], $0x3E80  }
0xce: {  	[sflag:s20] =	ssyncset.done $0x0  }
0xcf: {  	s19 =	simm.s32 $0x900;
	[sflag:s20] =	ssyncadd.s32 $0xFFFFC180  }
0xd0: {  	[tilespmem:s14], [sflag:$0x3] =	stream.indirect.gather [hbm4b:s1+s9], $0x80, s19, s9, $0xb8;
	[tilespmem:$0x1E080] =	vst v63  }
0xd1: {  	s19 =	simm.s32 $0x880  }
0xd2: {  	[spmem:s2] =	stream.indirect.scatter.add.f32 [tilespmem:s31], [sflag:$0x4], $0x80, s19, s9, $0xb8;
	[tilespmem:$0x1E080] =	vst v63  }
0xd3: {  	_ =	swait.ge [sflag:s16], $0x3E80  }
0xd4: {  	[sflag:s16] =	ssyncset.done $0x0  }
0xd5: {  	[sflag:s16] =	ssyncadd.s32 $0xFFFFC180  }
0xd6: {  	_ =	swait.ge [sflag:s17], $0x3E80  }
0xd7: {  	[sflag:s17] =	ssyncset.done $0x0  }
0xd8: {  	s19 =	simm.s32 $0xA00;
	[sflag:s17] =	ssyncadd.s32 $0xFFFFC180  }
0xd9: {  	[tilespmem:s31], [sflag:$0x2] =	stream.indirect.gather [hbm4b:s1+s9], $0x80, s19, s9, $0xb8;
	[tilespmem:$0x1E080] =	vst v63  }
0xda: {  	s19 =	simm.s32 $0x980  }
0xdb: {  	[spmem:s2] =	stream.indirect.scatter.add.f32 [tilespmem:s14], [sflag:$0x5], $0x80, s19, s9, $0xb8;
	[tilespmem:$0x1E080] =	vst v63  }
0xdc: {  	_ =	swait.ge [sflag:s12], $0x3E80  }
0xdd: {  	[sflag:s12] =	ssyncset.done $0x0  }
0xde: {  	[sflag:s12] =	ssyncadd.s32 $0xFFFFC180  }
0xdf: {  	_ =	swait.ge [sflag:s20], $0x3E80  }
0xe0: {  	[sflag:s20] =	ssyncset.done $0x0  }
0xe1: {  	s19 =	simm.s32 $0xB00;
	[sflag:s20] =	ssyncadd.s32 $0xFFFFC180  }
0xe2: {  	[tilespmem:s14], [sflag:$0x3] =	stream.indirect.gather [hbm4b:s1+s9], $0x80, s19, s9, $0xb8;
	[tilespmem:$0x1E080] =	vst v63  }
0xe3: {  	s19 =	simm.s32 $0xA80  }
0xe4: {  	[spmem:s2] =	stream.indirect.scatter.add.f32 [tilespmem:s31], [sflag:$0x4], $0x80, s19, s9, $0xb8;
	[tilespmem:$0x1E080] =	vst v63  }
0xe5: {  	_ =	swait.ge [sflag:s16], $0x3E80  }
0xe6: {  	[sflag:s16] =	ssyncset.done $0x0  }
0xe7: {  	[sflag:s16] =	ssyncadd.s32 $0xFFFFC180  }
0xe8: {  	_ =	swait.ge [sflag:s17], $0x3E80  }
0xe9: {  	[sflag:s17] =	ssyncset.done $0x0  }
0xea: {  	s19 =	simm.s32 $0xC00;
	[sflag:s17] =	ssyncadd.s32 $0xFFFFC180  }
0xeb: {  	[tilespmem:s31], [sflag:$0x2] =	stream.indirect.gather [hbm4b:s1+s9], $0x80, s19, s9, $0xb8;
	[tilespmem:$0x1E080] =	vst v63  }
0xec: {  	s19 =	simm.s32 $0xB80  }
0xed: {  	[spmem:s2] =	stream.indirect.scatter.add.f32 [tilespmem:s14], [sflag:$0x5], $0x80, s19, s9, $0xb8;
	[tilespmem:$0x1E080] =	vst v63  }
0xee: {  	_ =	swait.ge [sflag:s12], $0x3E80  }
0xef: {  	[sflag:s12] =	ssyncset.done $0x0  }
0xf0: {  	[sflag:s12] =	ssyncadd.s32 $0xFFFFC180  }
0xf1: {  	_ =	swait.ge [sflag:s20], $0x3E80  }
0xf2: {  	[sflag:s20] =	ssyncset.done $0x0  }
0xf3: {  	s19 =	simm.s32 $0xD00;
	[sflag:s20] =	ssyncadd.s32 $0xFFFFC180  }
0xf4: {  	[tilespmem:s14], [sflag:$0x3] =	stream.indirect.gather [hbm4b:s1+s9], $0x80, s19, s9, $0xb8;
	[tilespmem:$0x1E080] =	vst v63  }
0xf5: {  	s19 =	simm.s32 $0xC80  }
0xf6: {  	[spmem:s2] =	stream.indirect.scatter.add.f32 [tilespmem:s31], [sflag:$0x4], $0x80, s19, s9, $0xb8;
	[tilespmem:$0x1E080] =	vst v63  }
0xf7: {  	_ =	swait.ge [sflag:s16], $0x3E80  }
0xf8: {  	[sflag:s16] =	ssyncset.done $0x0  }
0xf9: {  	[sflag:s16] =	ssyncadd.s32 $0xFFFFC180  }
0xfa: {  	_ =	swait.ge [sflag:s17], $0x3E80  }
0xfb: {  	[sflag:s17] =	ssyncset.done $0x0  }
0xfc: {  	s19 =	simm.s32 $0xE00;
	[sflag:s17] =	ssyncadd.s32 $0xFFFFC180  }
0xfd: {  	[tilespmem:s31], [sflag:$0x2] =	stream.indirect.gather [hbm4b:s1+s9], $0x80, s19, s9, $0xb8;
	[tilespmem:$0x1E080] =	vst v63  }
0xfe: {  	s19 =	simm.s32 $0xD80  }
0xff: {  	[spmem:s2] =	stream.indirect.scatter.add.f32 [tilespmem:s14], [sflag:$0x5], $0x80, s19, s9, $0xb8;
	[tilespmem:$0x1E080] =	vst v63  }
0x100: {  	_ =	swait.ge [sflag:s12], $0x3E80  }
0x101: {  	[sflag:s12] =	ssyncset.done $0x0  }
0x102: {  	[sflag:s12] =	ssyncadd.s32 $0xFFFFC180  }
0x103: {  	_ =	swait.ge [sflag:s20], $0x3E80  }
0x104: {  	[sflag:s20] =	ssyncset.done $0x0  }
0x105: {  	s19 =	simm.s32 $0xF00;
	[sflag:s20] =	ssyncadd.s32 $0xFFFFC180  }
0x106: {  	[tilespmem:s14], [sflag:$0x3] =	stream.indirect.gather [hbm4b:s1+s9], $0x80, s19, s9, $0xb8;
	[tilespmem:$0x1E080] =	vst v63  }
0x107: {  	s19 =	simm.s32 $0xE80  }
0x108: {  	[spmem:s2] =	stream.indirect.scatter.add.f32 [tilespmem:s31], [sflag:$0x4], $0x80, s19, s9, $0xb8;
	[tilespmem:$0x1E080] =	vst v63  }
0x109: {  	_ =	swait.ge [sflag:s16], $0x3E80  }
0x10a: {  	[sflag:s16] =	ssyncset.done $0x0  }
0x10b: {  	[sflag:s16] =	ssyncadd.s32 $0xFFFFC180  }
0x10c: {  	_ =	swait.ge [sflag:s17], $0x3E80  }
0x10d: {  	[sflag:s17] =	ssyncset.done $0x0  }
0x10e: {  	s19 =	simm.s32 $0x1000;
	[sflag:s17] =	ssyncadd.s32 $0xFFFFC180  }
0x10f: {  	[tilespmem:s31], [sflag:$0x2] =	stream.indirect.gather [hbm4b:s1+s9], $0x80, s19, s9, $0xb8;
	[tilespmem:$0x1E080] =	vst v63  }
0x110: {  	s19 =	simm.s32 $0xF80  }
0x111: {  	[spmem:s2] =	stream.indirect.scatter.add.f32 [tilespmem:s14], [sflag:$0x5], $0x80, s19, s9, $0xb8;
	[tilespmem:$0x1E080] =	vst v63  }
0x112: {  	_ =	swait.ge [sflag:s12], $0x3E80  }
0x113: {  	[sflag:s12] =	ssyncset.done $0x0  }
0x114: {  	[sflag:s12] =	ssyncadd.s32 $0xFFFFC180  }
0x115: {  	_ =	swait.ge [sflag:s20], $0x3E80  }
0x116: {  	[sflag:s20] =	ssyncset.done $0x0  }
0x117: {  	s19 =	simm.s32 $0x1100;
	[sflag:s20] =	ssyncadd.s32 $0xFFFFC180  }
0x118: {  	[tilespmem:s14], [sflag:$0x3] =	stream.indirect.gather [hbm4b:s1+s9], $0x80, s19, s9, $0xb8;
	[tilespmem:$0x1E080] =	vst v63  }
0x119: {  	s19 =	simm.s32 $0x1080  }
0x11a: {  	[spmem:s2] =	stream.indirect.scatter.add.f32 [tilespmem:s31], [sflag:$0x4], $0x80, s19, s9, $0xb8;
	[tilespmem:$0x1E080] =	vst v63  }
0x11b: {  	_ =	swait.ge [sflag:s16], $0x3E80  }
0x11c: {  	[sflag:s16] =	ssyncset.done $0x0  }
0x11d: {  	[sflag:s16] =	ssyncadd.s32 $0xFFFFC180  }
0x11e: {  	_ =	swait.ge [sflag:s17], $0x3E80  }
0x11f: {  	[sflag:s17] =	ssyncset.done $0x0  }
0x120: {  	s19 =	simm.s32 $0x1200;
	[sflag:s17] =	ssyncadd.s32 $0xFFFFC180  }
0x121: {  	[tilespmem:s31], [sflag:$0x2] =	stream.indirect.gather [hbm4b:s1+s9], $0x80, s19, s9, $0xb8;
	[tilespmem:$0x1E080] =	vst v63  }
0x122: {  	s19 =	simm.s32 $0x1180  }
0x123: {  	[spmem:s2] =	stream.indirect.scatter.add.f32 [tilespmem:s14], [sflag:$0x5], $0x80, s19, s9, $0xb8;
	[tilespmem:$0x1E080] =	vst v63  }
0x124: {  	_ =	swait.ge [sflag:s12], $0x3E80  }
0x125: {  	[sflag:s12] =	ssyncset.done $0x0  }
0x126: {  	[sflag:s12] =	ssyncadd.s32 $0xFFFFC180  }
0x127: {  	_ =	swait.ge [sflag:s20], $0x3E80  }
0x128: {  	[sflag:s20] =	ssyncset.done $0x0  }
0x129: {  	s19 =	simm.s32 $0x1300;
	[sflag:s20] =	ssyncadd.s32 $0xFFFFC180  }
0x12a: {  	[tilespmem:s14], [sflag:$0x3] =	stream.indirect.gather [hbm4b:s1+s9], $0x80, s19, s9, $0xb8;
	[tilespmem:$0x1E080] =	vst v63  }
0x12b: {  	s19 =	simm.s32 $0x1280  }
0x12c: {  	[spmem:s2] =	stream.indirect.scatter.add.f32 [tilespmem:s31], [sflag:$0x4], $0x80, s19, s9, $0xb8;
	[tilespmem:$0x1E080] =	vst v63  }
0x12d: {  	_ =	swait.ge [sflag:s16], $0x3E80  }
0x12e: {  	[sflag:s16] =	ssyncset.done $0x0  }
0x12f: {  	[sflag:s16] =	ssyncadd.s32 $0xFFFFC180  }
0x130: {  	_ =	swait.ge [sflag:s17], $0x3E80  }
0x131: {  	[sflag:s17] =	ssyncset.done $0x0  }
0x132: {  	s19 =	simm.s32 $0x1380;
	[sflag:s17] =	ssyncadd.s32 $0xFFFFC180  }
0x133: {  	[spmem:s2] =	stream.indirect.scatter.add.f32 [tilespmem:s14], [sflag:$0x5], $0x80, s19, s9, $0xb8;
	[tilespmem:$0x1E080] =	vst v63  }
0x134: {  	_ =	swait.ge [sflag:s4], $0x1400  }
0x135: {  	[sflag:s4] =	ssyncset.done $0x0  }
0x136: {  	s7 =	simm.s32 @p3 $0x0;
	[sflag:s4] =	ssyncadd.s32 $0xFFFFEC00  }
0x137: {  	[tilespmem:s7], [sflag:$0x1] =	stream.linear.gather @p3 [hbm4b:s11+s7], $0x1400, $0x38;
	[tilespmem:$0x1E080] =	vst v63  }
0x138: {  	_ =	swait.ge [sflag:s20], $0x3E80  }
0x139: {  	[sflag:s20] =	ssyncset.done $0x0  }
0x13a: {  	s19 =	simm.s32 $0x2800;
	[sflag:s20] =	ssyncadd.s32 $0xFFFFC180  }
0x13b: {  	[tilespmem:s19], [sflag:$0x2] =	stream.indirect.gather [hbm4b:s1+s9], $0x80, s8, s9, $0xb8;
	[tilespmem:$0x1E080] =	vst v63  }
0x13c: {  	_ =	swait.ge [sflag:s12], $0x3E80  }
0x13d: {  	[sflag:s12] =	ssyncset.done $0x0  }
0x13e: {  	s7 =	simm.s32 $0x1500;
	[sflag:s12] =	ssyncadd.s32 $0xFFFFC180  }
0x13f: {  	[tilespmem:s14], [sflag:$0x3] =	stream.indirect.gather [hbm4b:s1+s9], $0x80, s7, s9, $0xb8;
	[tilespmem:$0x1E080] =	vst v63  }
0x140: {  	s7 =	simm.s32 $0x1480  }
0x141: {  	[spmem:s2] =	stream.indirect.scatter.add.f32 [tilespmem:s19], [sflag:$0x4], $0x80, s7, s9, $0xb8;
	[tilespmem:$0x1E080] =	vst v63  }
0x142: {  	_ =	swait.ge [sflag:s16], $0x3E80  }
0x143: {  	[sflag:s16] =	ssyncset.done $0x0  }
0x144: {  	[sflag:s16] =	ssyncadd.s32 $0xFFFFC180  }
0x145: {  	_ =	swait.ge [sflag:s17], $0x3E80  }
0x146: {  	[sflag:s17] =	ssyncset.done $0x0  }
0x147: {  	s7 =	simm.s32 $0x1600;
	[sflag:s17] =	ssyncadd.s32 $0xFFFFC180  }
0x148: {  	[tilespmem:s19], [sflag:$0x2] =	stream.indirect.gather [hbm4b:s1+s9], $0x80, s7, s9, $0xb8;
	[tilespmem:$0x1E080] =	vst v63  }
0x149: {  	s7 =	simm.s32 $0x1580  }
0x14a: {  	[spmem:s2] =	stream.indirect.scatter.add.f32 [tilespmem:s14], [sflag:$0x5], $0x80, s7, s9, $0xb8;
	[tilespmem:$0x1E080] =	vst v63  }
0x14b: {  	_ =	swait.ge [sflag:s12], $0x3E80  }
0x14c: {  	[sflag:s12] =	ssyncset.done $0x0  }
0x14d: {  	[sflag:s12] =	ssyncadd.s32 $0xFFFFC180  }
0x14e: {  	_ =	swait.ge [sflag:s20], $0x3E80  }
0x14f: {  	[sflag:s20] =	ssyncset.done $0x0  }
0x150: {  	s7 =	simm.s32 $0x1700;
	[sflag:s20] =	ssyncadd.s32 $0xFFFFC180  }
0x151: {  	[tilespmem:s14], [sflag:$0x3] =	stream.indirect.gather [hbm4b:s1+s9], $0x80, s7, s9, $0xb8;
	[tilespmem:$0x1E080] =	vst v63  }
0x152: {  	s7 =	simm.s32 $0x1680  }
0x153: {  	[spmem:s2] =	stream.indirect.scatter.add.f32 [tilespmem:s19], [sflag:$0x4], $0x80, s7, s9, $0xb8;
	[tilespmem:$0x1E080] =	vst v63  }
0x154: {  	_ =	swait.ge [sflag:s16], $0x3E80  }
0x155: {  	[sflag:s16] =	ssyncset.done $0x0  }
0x156: {  	[sflag:s16] =	ssyncadd.s32 $0xFFFFC180  }
0x157: {  	_ =	swait.ge [sflag:s17], $0x3E80  }
0x158: {  	[sflag:s17] =	ssyncset.done $0x0  }
0x159: {  	s7 =	simm.s32 $0x1800;
	[sflag:s17] =	ssyncadd.s32 $0xFFFFC180  }
0x15a: {  	[tilespmem:s19], [sflag:$0x2] =	stream.indirect.gather [hbm4b:s1+s9], $0x80, s7, s9, $0xb8;
	[tilespmem:$0x1E080] =	vst v63  }
0x15b: {  	s7 =	simm.s32 $0x1780  }
0x15c: {  	[spmem:s2] =	stream.indirect.scatter.add.f32 [tilespmem:s14], [sflag:$0x5], $0x80, s7, s9, $0xb8;
	[tilespmem:$0x1E080] =	vst v63  }
0x15d: {  	_ =	swait.ge [sflag:s12], $0x3E80  }
0x15e: {  	[sflag:s12] =	ssyncset.done $0x0  }
0x15f: {  	[sflag:s12] =	ssyncadd.s32 $0xFFFFC180  }
0x160: {  	_ =	swait.ge [sflag:s20], $0x3E80  }
0x161: {  	[sflag:s20] =	ssyncset.done $0x0  }
0x162: {  	s7 =	simm.s32 $0x1900;
	[sflag:s20] =	ssyncadd.s32 $0xFFFFC180  }
0x163: {  	[tilespmem:s14], [sflag:$0x3] =	stream.indirect.gather [hbm4b:s1+s9], $0x80, s7, s9, $0xb8;
	[tilespmem:$0x1E080] =	vst v63  }
0x164: {  	s7 =	simm.s32 $0x1880  }
0x165: {  	[spmem:s2] =	stream.indirect.scatter.add.f32 [tilespmem:s19], [sflag:$0x4], $0x80, s7, s9, $0xb8;
	[tilespmem:$0x1E080] =	vst v63  }
0x166: {  	_ =	swait.ge [sflag:s16], $0x3E80  }
0x167: {  	[sflag:s16] =	ssyncset.done $0x0  }
0x168: {  	[sflag:s16] =	ssyncadd.s32 $0xFFFFC180  }
0x169: {  	_ =	swait.ge [sflag:s17], $0x3E80  }
0x16a: {  	[sflag:s17] =	ssyncset.done $0x0  }
0x16b: {  	s7 =	simm.s32 $0x1A00;
	[sflag:s17] =	ssyncadd.s32 $0xFFFFC180  }
0x16c: {  	[tilespmem:s19], [sflag:$0x2] =	stream.indirect.gather [hbm4b:s1+s9], $0x80, s7, s9, $0xb8;
	[tilespmem:$0x1E080] =	vst v63  }
0x16d: {  	s7 =	simm.s32 $0x1980  }
0x16e: {  	[spmem:s2] =	stream.indirect.scatter.add.f32 [tilespmem:s14], [sflag:$0x5], $0x80, s7, s9, $0xb8;
	[tilespmem:$0x1E080] =	vst v63  }
0x16f: {  	_ =	swait.ge [sflag:s12], $0x3E80  }
0x170: {  	[sflag:s12] =	ssyncset.done $0x0  }
0x171: {  	[sflag:s12] =	ssyncadd.s32 $0xFFFFC180  }
0x172: {  	_ =	swait.ge [sflag:s20], $0x3E80  }
0x173: {  	[sflag:s20] =	ssyncset.done $0x0  }
0x174: {  	s7 =	simm.s32 $0x1B00;
	[sflag:s20] =	ssyncadd.s32 $0xFFFFC180  }
0x175: {  	[tilespmem:s14], [sflag:$0x3] =	stream.indirect.gather [hbm4b:s1+s9], $0x80, s7, s9, $0xb8;
	[tilespmem:$0x1E080] =	vst v63  }
0x176: {  	s7 =	simm.s32 $0x1A80  }
0x177: {  	[spmem:s2] =	stream.indirect.scatter.add.f32 [tilespmem:s19], [sflag:$0x4], $0x80, s7, s9, $0xb8;
	[tilespmem:$0x1E080] =	vst v63  }
0x178: {  	_ =	swait.ge [sflag:s16], $0x3E80  }
0x179: {  	[sflag:s16] =	ssyncset.done $0x0  }
0x17a: {  	[sflag:s16] =	ssyncadd.s32 $0xFFFFC180  }
0x17b: {  	_ =	swait.ge [sflag:s17], $0x3E80  }
0x17c: {  	[sflag:s17] =	ssyncset.done $0x0  }
0x17d: {  	s7 =	simm.s32 $0x1C00;
	[sflag:s17] =	ssyncadd.s32 $0xFFFFC180  }
0x17e: {  	[tilespmem:s19], [sflag:$0x2] =	stream.indirect.gather [hbm4b:s1+s9], $0x80, s7, s9, $0xb8;
	[tilespmem:$0x1E080] =	vst v63  }
0x17f: {  	s7 =	simm.s32 $0x1B80  }
0x180: {  	[spmem:s2] =	stream.indirect.scatter.add.f32 [tilespmem:s14], [sflag:$0x5], $0x80, s7, s9, $0xb8;
	[tilespmem:$0x1E080] =	vst v63  }
0x181: {  	_ =	swait.ge [sflag:s12], $0x3E80  }
0x182: {  	[sflag:s12] =	ssyncset.done $0x0  }
0x183: {  	[sflag:s12] =	ssyncadd.s32 $0xFFFFC180  }
0x184: {  	_ =	swait.ge [sflag:s20], $0x3E80  }
0x185: {  	[sflag:s20] =	ssyncset.done $0x0  }
0x186: {  	s7 =	simm.s32 $0x1D00;
	[sflag:s20] =	ssyncadd.s32 $0xFFFFC180  }
0x187: {  	[tilespmem:s14], [sflag:$0x3] =	stream.indirect.gather [hbm4b:s1+s9], $0x80, s7, s9, $0xb8;
	[tilespmem:$0x1E080] =	vst v63  }
0x188: {  	s7 =	simm.s32 $0x1C80  }
0x189: {  	[spmem:s2] =	stream.indirect.scatter.add.f32 [tilespmem:s19], [sflag:$0x4], $0x80, s7, s9, $0xb8;
	[tilespmem:$0x1E080] =	vst v63  }
0x18a: {  	_ =	swait.ge [sflag:s16], $0x3E80  }
0x18b: {  	[sflag:s16] =	ssyncset.done $0x0  }
0x18c: {  	[sflag:s16] =	ssyncadd.s32 $0xFFFFC180  }
0x18d: {  	_ =	swait.ge [sflag:s17], $0x3E80  }
0x18e: {  	[sflag:s17] =	ssyncset.done $0x0  }
0x18f: {  	s7 =	simm.s32 $0x1E00;
	[sflag:s17] =	ssyncadd.s32 $0xFFFFC180  }
0x190: {  	[tilespmem:s19], [sflag:$0x2] =	stream.indirect.gather [hbm4b:s1+s9], $0x80, s7, s9, $0xb8;
	[tilespmem:$0x1E080] =	vst v63  }
0x191: {  	s7 =	simm.s32 $0x1D80  }
0x192: {  	[spmem:s2] =	stream.indirect.scatter.add.f32 [tilespmem:s14], [sflag:$0x5], $0x80, s7, s9, $0xb8;
	[tilespmem:$0x1E080] =	vst v63  }
0x193: {  	_ =	swait.ge [sflag:s12], $0x3E80  }
0x194: {  	[sflag:s12] =	ssyncset.done $0x0  }
0x195: {  	[sflag:s12] =	ssyncadd.s32 $0xFFFFC180  }
0x196: {  	_ =	swait.ge [sflag:s20], $0x3E80  }
0x197: {  	[sflag:s20] =	ssyncset.done $0x0  }
0x198: {  	s7 =	simm.s32 $0x1F00;
	[sflag:s20] =	ssyncadd.s32 $0xFFFFC180  }
0x199: {  	[tilespmem:s14], [sflag:$0x3] =	stream.indirect.gather [hbm4b:s1+s9], $0x80, s7, s9, $0xb8;
	[tilespmem:$0x1E080] =	vst v63  }
0x19a: {  	s7 =	simm.s32 $0x1E80  }
0x19b: {  	[spmem:s2] =	stream.indirect.scatter.add.f32 [tilespmem:s19], [sflag:$0x4], $0x80, s7, s9, $0xb8;
	[tilespmem:$0x1E080] =	vst v63  }
0x19c: {  	_ =	swait.ge [sflag:s16], $0x3E80  }
0x19d: {  	[sflag:s16] =	ssyncset.done $0x0  }
0x19e: {  	[sflag:s16] =	ssyncadd.s32 $0xFFFFC180  }
0x19f: {  	_ =	swait.ge [sflag:s17], $0x3E80  }
0x1a0: {  	[sflag:s17] =	ssyncset.done $0x0  }
0x1a1: {  	s7 =	simm.s32 $0x2000;
	[sflag:s17] =	ssyncadd.s32 $0xFFFFC180  }
0x1a2: {  	[tilespmem:s19], [sflag:$0x2] =	stream.indirect.gather [hbm4b:s1+s9], $0x80, s7, s9, $0xb8;
	[tilespmem:$0x1E080] =	vst v63  }
0x1a3: {  	s7 =	simm.s32 $0x1F80  }
0x1a4: {  	[spmem:s2] =	stream.indirect.scatter.add.f32 [tilespmem:s14], [sflag:$0x5], $0x80, s7, s9, $0xb8;
	[tilespmem:$0x1E080] =	vst v63  }
0x1a5: {  	_ =	swait.ge [sflag:s12], $0x3E80  }
0x1a6: {  	[sflag:s12] =	ssyncset.done $0x0  }
0x1a7: {  	[sflag:s12] =	ssyncadd.s32 $0xFFFFC180  }
0x1a8: {  	_ =	swait.ge [sflag:s20], $0x3E80  }
0x1a9: {  	[sflag:s20] =	ssyncset.done $0x0  }
0x1aa: {  	s7 =	simm.s32 $0x2100;
	[sflag:s20] =	ssyncadd.s32 $0xFFFFC180  }
0x1ab: {  	[tilespmem:s14], [sflag:$0x3] =	stream.indirect.gather [hbm4b:s1+s9], $0x80, s7, s9, $0xb8;
	[tilespmem:$0x1E080] =	vst v63  }
0x1ac: {  	s7 =	simm.s32 $0x2080  }
0x1ad: {  	[spmem:s2] =	stream.indirect.scatter.add.f32 [tilespmem:s19], [sflag:$0x4], $0x80, s7, s9, $0xb8;
	[tilespmem:$0x1E080] =	vst v63  }
0x1ae: {  	_ =	swait.ge [sflag:s16], $0x3E80  }
0x1af: {  	[sflag:s16] =	ssyncset.done $0x0  }
0x1b0: {  	[sflag:s16] =	ssyncadd.s32 $0xFFFFC180  }
0x1b1: {  	_ =	swait.ge [sflag:s17], $0x3E80  }
0x1b2: {  	[sflag:s17] =	ssyncset.done $0x0  }
0x1b3: {  	[sflag:s17] =	ssyncadd.s32 $0xFFFFC180  }
0x1b4: {  	[tilespmem:s19], [sflag:$0x2] =	stream.indirect.gather [hbm4b:s1+s9], $0x80, s0, s9, $0xb8;
	[tilespmem:$0x1E080] =	vst v63  }
0x1b5: {  	_ = 	snop  }
0x1b6: {  	[spmem:s2] =	stream.indirect.scatter.add.f32 [tilespmem:s14], [sflag:$0x5], $0x80, s22, s9, $0xb8;
	[tilespmem:$0x1E080] =	vst v63  }
0x1b7: {  	_ =	swait.ge [sflag:s12], $0x3E80  }
0x1b8: {  	[sflag:s12] =	ssyncset.done $0x0  }
0x1b9: {  	[sflag:s12] =	ssyncadd.s32 $0xFFFFC180  }
0x1ba: {  	_ =	swait.ge [sflag:s20], $0x3E80  }
0x1bb: {  	[sflag:s20] =	ssyncset.done $0x0  }
0x1bc: {  	[sflag:s20] =	ssyncadd.s32 $0xFFFFC180  }
0x1bd: {  	[tilespmem:s14], [sflag:$0x3] =	stream.indirect.gather [hbm4b:s1+s9], $0x80, s23, s9, $0xb8;
	[tilespmem:$0x1E080] =	vst v63  }
0x1be: {  	_ = 	snop  }
0x1bf: {  	[spmem:s2] =	stream.indirect.scatter.add.f32 [tilespmem:s19], [sflag:$0x4], $0x80, s24, s9, $0xb8;
	[tilespmem:$0x1E080] =	vst v63  }
0x1c0: {  	_ =	swait.ge [sflag:s16], $0x3E80  }
0x1c1: {  	[sflag:s16] =	ssyncset.done $0x0  }
0x1c2: {  	[sflag:s16] =	ssyncadd.s32 $0xFFFFC180  }
0x1c3: {  	_ =	swait.ge [sflag:s17], $0x3E80  }
0x1c4: {  	[sflag:s17] =	ssyncset.done $0x0  }
0x1c5: {  	[sflag:s17] =	ssyncadd.s32 $0xFFFFC180  }
0x1c6: {  	[tilespmem:s19], [sflag:$0x2] =	stream.indirect.gather [hbm4b:s1+s9], $0x80, s25, s9, $0xb8;
	[tilespmem:$0x1E080] =	vst v63  }
0x1c7: {  	_ = 	snop  }
0x1c8: {  	[spmem:s2] =	stream.indirect.scatter.add.f32 [tilespmem:s14], [sflag:$0x5], $0x80, s26, s9, $0xb8;
	[tilespmem:$0x1E080] =	vst v63  }
0x1c9: {  	_ =	swait.ge [sflag:s12], $0x3E80  }
0x1ca: {  	[sflag:s12] =	ssyncset.done $0x0  }
0x1cb: {  	[sflag:s12] =	ssyncadd.s32 $0xFFFFC180  }
0x1cc: {  	_ =	swait.ge [sflag:s20], $0x3E80  }
0x1cd: {  	[sflag:s20] =	ssyncset.done $0x0  }
0x1ce: {  	[sflag:s20] =	ssyncadd.s32 $0xFFFFC180  }
0x1cf: {  	[tilespmem:s14], [sflag:$0x3] =	stream.indirect.gather [hbm4b:s1+s9], $0x80, s28, s9, $0xb8;
	[tilespmem:$0x1E080] =	vst v63  }
0x1d0: {  	_ = 	snop  }
0x1d1: {  	[spmem:s2] =	stream.indirect.scatter.add.f32 [tilespmem:s19], [sflag:$0x4], $0x80, s29, s9, $0xb8;
	[tilespmem:$0x1E080] =	vst v63  }
0x1d2: {  	_ =	swait.ge [sflag:s16], $0x3E80  }
0x1d3: {  	[sflag:s16] =	ssyncset.done $0x0  }
0x1d4: {  	[sflag:s16] =	ssyncadd.s32 $0xFFFFC180  }
0x1d5: {  	_ =	swait.ge [sflag:s17], $0x3E80  }
0x1d6: {  	[sflag:s17] =	ssyncset.done $0x0  }
0x1d7: {  	[sflag:s17] =	ssyncadd.s32 $0xFFFFC180  }
0x1d8: {  	[tilespmem:s19], [sflag:$0x2] =	stream.indirect.gather [hbm4b:s1+s9], $0x80, s30, s9, $0xb8;
	[tilespmem:$0x1E080] =	vst v63  }
0x1d9: {  	_ = 	snop  }
0x1da: {  	[spmem:s2] =	stream.indirect.scatter.add.f32 [tilespmem:s14], [sflag:$0x5], $0x80, s6, s9, $0xb8;
	[tilespmem:$0x1E080] =	vst v63  }
0x1db: {  	_ =	swait.ge [sflag:s12], $0x3E80  }
0x1dc: {  	[sflag:s12] =	ssyncset.done $0x0  }
0x1dd: {  	[sflag:s12] =	ssyncadd.s32 $0xFFFFC180  }
0x1de: {  	_ =	swait.ge [sflag:s20], $0x3E80  }
0x1df: {  	[sflag:s20] =	ssyncset.done $0x0  }
0x1e0: {  	[sflag:s20] =	ssyncadd.s32 $0xFFFFC180  }
0x1e1: {  	[tilespmem:s14], [sflag:$0x3] =	stream.indirect.gather [hbm4b:s1+s9], $0x80, s13, s9, $0xb8;
	[tilespmem:$0x1E080] =	vst v63  }
0x1e2: {  	_ = 	snop  }
0x1e3: {  	[spmem:s2] =	stream.indirect.scatter.add.f32 [tilespmem:s19], [sflag:$0x4], $0x80, s15, s9, $0xb8;
	[tilespmem:$0x1E080] =	vst v63  }
0x1e4: {  	_ =	swait.ge [sflag:s16], $0x3E80  }
0x1e5: {  	p2 =	por p3, p3;
	[sflag:s16] =	ssyncset.done $0x0  }
.Ltmp1:
0x1e6: {  	[sflag:s16] =	ssyncadd.s32 $0xFFFFC180;
	(pc) =	sbr.rel @p2 .LBB2_4-.Ltmp1, $4  }
0x1e7: {  	_ =	swait.ge [sflag:s17], $0x3E80  }
0x1e8: {  	[sflag:s17] =	ssyncset.done $0x0  }
0x1e9: {  	p3 =	por $0x0, $0x0;
	[sflag:s17] =	ssyncadd.s32 $0xFFFFC180  }
0x1ea: {  	[spmem:s2] =	stream.indirect.scatter.add.f32 [tilespmem:s14], [sflag:$0x5], $0x80, s18, s9, $0xb8;
	[tilespmem:$0x1E080] =	vst v63  }
0x1eb: {  	_ =	swait.ge [sflag:s20], $0x3E80  }
0x1ec: {  	[sflag:s20] =	ssyncset.done $0x0  }
0x1ed: {  	[sflag:s20] =	ssyncadd.s32 $0xFFFFC180  }
0x1ee: {  	[bflag:$0x0] =	sbarrier.arrive $0xFFFF  }
0x1ef: {  	s19 =	rddreg [dreg:$0x9]  }
0x1f0: {  	s7 =	simm.s32 @p0 $0x1FC6;
	s21 =	rddreg [dreg:$0x15]  }
0x1f1: {  	[hbm:s19], [sflag:s7] =	dma.local @p0 [spmem:s21], $0x2800  }
0x1f2: {  	s7 =	simm.s32 @p0 $0x6  }
0x1f3: {  	s19 =	stileid.u32;
	_ =	swait.ge @p0 [sflag:s7], $0x2800  }
0x1f4: {  	s19 =	sshll.u32 @!p0 s19, $0x6;
	[sflag:s7] =	ssyncset.done @p0 $0x0  }
0x1f5: {  	[sflag:s7] =	ssyncadd.s32 @p0 $0xFFFFD800;
	s7 =	sor.u32 @!p0 $0x1C06, s19;
	s19 =	rddreg [dreg:$0x4]  }
0x1f6: {  	s21 =	rddreg [dreg:$0x8];
	s19 =	sshrl.u32 @!p0 s19, $0x3  }
0x1f7: {  	[hbm:s21], [sflag:s7] =	dma.local @!p0 [spmem:s19], $0x2700  }
0x1f8: {  	s7 =	simm.s32 @!p0 $0x6  }
0x1f9: {  	_ =	swait.ge @!p0 [sflag:s7], $0x2700  }
0x1fa: {  	s0 =	rddreg [dreg:$0x1a]  }
0x1fb: {  	s19 =	rddreg [dreg:$0xa];
	s0 =	sadd.s32 $0x1, s0  }
0x1fc: {  	p2 =	sne.s32 s0, s19  }
.Ltmp2:
0x1fd: {  	_ = 	snop;
	(pc) =	sbr.rel @p2 .LBB2_1-.Ltmp2, $3  }
0x1fe: {  	_ =	sdelay $0x1  }
0x1ff: {  	[sflag:s7] =	ssyncset.done @!p0 $0x0  }
0x200: {  	s21 =	simm.s32 $0x100;
	[sflag:s7] =	ssyncadd.s32 @!p0 $0xFFFFD900  }
0x201: {  	_ =	sfence.sel $0x180000  }
0x202: {  	[bflag:$0x0] =	sbarrier.arrive $0xFFFF  }
0x203: {  	_ =	strace $0x9000004D  }
0x204: {  	s0 =	stileid.u32;
	[bflag:$0x2] =	sbarrier.arrive $0xFFFF  }
0x205: {  	p0 =	sne.s32 s0, $0x0;
	s0 =	rddreg [dreg:$0x3]  }
0x206: {  	s0 =	sadd.s32 @!p0 $0x100000, s0  }
0x207: {  	[sflag:s0] =	ssyncadd.tile.s32 @!p0 $0x1;
	_ =	shalt  }
.Lfunc_end2:
_tile_overlayer_lowered:
.L_overlay_start_2:
0x208: {  	(tag) =	ssettag $0x2  }
0x209: {  	s0 =	rddreg [dreg:$0x0];
	s2 =	stileid.u32  }
0x20a: {  	s1 =	rddreg [dreg:$0x1];
	p0 =	sne.s32 s2, $0x0  }
0x20b: {  	s3 =	rddreg [dreg:$0x2];
	[bflag:$0x3] =	sbarrier.arrive $0xFFFF;
	s2 =	simm.s32 @!p0 $0x1C06  }
0x20c: {  	[timem:s3], [sflag:s2] =	dma.local @!p0 [hbm:s0], s1  }
0x20d: {  	s0 =	simm.s32 @!p0 $0x6  }
0x20e: {  	_ =	swait.ge @!p0 [sflag:s0], s1  }
0x20f: {  	s1 =	ssub.s32 @!p0 $0x0, s1;
	[sflag:s0] =	ssyncset.done @!p0 $0x0  }
0x210: {  	[sflag:s0] =	ssyncadd.s32 @!p0 s1  }
0x211: {  	[bflag:$0x3] =	sbarrier.arrive $0xFFFF  }
0x212: {  	_ =	shalt  }

// kernel: kernel.8.cloned.1.call-start
scs
__scs_entry_jumppad:
0x0: {  	(pc) =	sbr.rel $0x88, $3  }
0x1: {  	(tag) =	ssettag $0x0;
	lr =	simm.s32 $0x1  }
0x2: {  	[smem:$0x3F9B] =	sst lr;
	_ =	strace $0xD0000000  }
0x3: {  	_ = 	snop  }
0x4: {  	_ = 	snop  }
0x5: {  	_ = 	snop  }
0x6: {  	_ = 	snop  }
0x7: {  	_ = 	snop  }
__scs_overlays_trampoline_lowered:
0x8: {  	[smem:$0x3FAA] =	sst s0  }
0x9: {  	[smem:$0x3FAB] =	sst s1  }
0xa: {  	[smem:$0x3FAC] =	sst s2  }
0xb: {  	[smem:$0x3FAD] =	sst s3  }
0xc: {  	[smem:$0x3FAE] =	sst s4  }
0xd: {  	[smem:$0x3FAF] =	sst s5  }
0xe: {  	[smem:$0x3FB0] =	sst s6  }
0xf: {  	[smem:$0x3FB1] =	sst s7  }
0x10: {  	[smem:$0x3FB2] =	sst s8  }
0x11: {  	[smem:$0x3FB3] =	sst s9;
	s0 =	simm.s32 @!p0 $0x0  }
0x12: {  	s1 =	sld [smem:$0x3F99];
	s0 =	simm.s32 @p0 $0x1  }
0x13: {  	[smem:$0x3FB4] =	sst s0;
	s0 =	simm.s32 @!p1 $0x0  }
0x14: {  	s2 =	sld [smem:$0x3F98];
	s0 =	simm.s32 @p1 $0x1  }
0x15: {  	[smem:$0x3FB5] =	sst s0;
	s0 =	simm.s32 @!p2 $0x0  }
0x16: {  	s3 =	sld [smem:$0x3FDB];
	s0 =	simm.s32 @p2 $0x1  }
0x17: {  	s4 =	simm.s32 $0x1BF5;
	[smem:$0x3FB7] =	sst s0  }
0x18: {  	s0 =	sld [smem:$0x3F9A];
	_ =	swait.ge [sflag:s4], $0x0  }
0x19: {  	s7 =	sld [smem:$0x3F9B]  }
0x1a: {  	s8 =	sadd.s32 $0xFFFFE003, lr  }
0x1b: {  	s9 =	sadd.s32 $0xFFFFFEF7, lr;
	s5 =	simm.s32 $0xFFFFFFFF;
	p2 =	slt.u32 s8, $0xFFFFF086  }
0x1c: {  	p1 =	slt.u32 s9, $0xF7A;
	s5 =	simm.s32 @!p2 $0x0  }
0x1d: {  	s5 =	simm.s32 @p1 $0x1;
	p0 =	seq.s32 s7, s2  }
0x1e: {  	s7 =	smul.u32 @!p0 $0xF7A, s2;
	p2 =	seq.s32 @!p0 s5, $0x0  }
0x1f: {  	s9 =	smul.u32 $0xF7A, s1;
	s8 =	simm.s32 @!p0 $0x1BF5;
	p2 =	por !p2, p0  }
0x20: {  	[sflag:s8] =	ssyncset.s32 @!p0 $0xFFFFF086;
	s6 =	sadd.s32 @!p0 s3, s7;
	s7 =	simm.s32 @!p0 $0x108  }
0x21: {  	s3 =	sadd.s32 s3, s9;
	s6 =	sadd.s32 @!p0 $0x88, s6;
	s7 =	simm.s32 @p2 $0x1082  }
0x22: {  	[simem:s7], [sflag:s8] =	dma.local @!p0 [hbm:s6], $0xF7A  }
0x23: {  	s9 =	sor.u32 $0xD0000000, s2;
	s6 =	simm.s32 $0x108;
	_ =	swait.ge @!p0 [sflag:s8], $0x0  }
0x24: {  	s3 =	sadd.s32 $0x88, s3;
	s6 =	simm.s32 @!p1 $0x1082;
	[sflag:s4] =	ssyncset.s32 $0xFFFFF086  }
0x25: {  	[simem:s6], [sflag:s4] =	dma.local [hbm:s3], $0xF7A  }
0x26: {  	[smem:$0x3F9B] =	sst s1;
	(tag) =	ssettag s2;
	_ =	strace s9  }
0x27: {  	s1 =	sld [smem:$0x3FAB]  }
0x28: {  	s2 =	sld [smem:$0x3FAC]  }
0x29: {  	s4 =	sld [smem:$0x3FAE]  }
0x2a: {  	p0 =	seq.s32 s5, $0x0;
	s5 =	sld [smem:$0x3FAF]  }
0x2b: {  	s6 =	sld [smem:$0x3FB0]  }
0x2c: {  	s7 =	sld [smem:$0x3FB1]  }
0x2d: {  	s3 =	simm.s32 $0x108;
	s8 =	sld [smem:$0x3FB2]  }
0x2e: {  	s3 =	simm.s32 @!p0 $0x1082;
	s9 =	sld [smem:$0x3FB3]  }
0x2f: {  	lr =	sadd.s32 s0, s3;
	s0 =	sld [smem:$0x3FAA]  }
0x30: {  	s3 =	sld [smem:$0x3FAD]  }
0x31: {  	[smem:$0x3FB6] =	sst s10  }
0x32: {  	s10 =	sld [smem:$0x3FB4];
	_ =	sdelay $0x3  }
0x33: {  	p0 =	seq.s32 s10, $0x1;
	s10 =	sld [smem:$0x3FB6];
	_ =	sdelay $0x3  }
0x34: {  	[smem:$0x3FB6] =	sst s10  }
0x35: {  	s10 =	sld [smem:$0x3FB5];
	_ =	sdelay $0x3  }
0x36: {  	p1 =	seq.s32 s10, $0x1;
	s10 =	sld [smem:$0x3FB6];
	_ =	sdelay $0x3  }
0x37: {  	[smem:$0x3FB6] =	sst s10  }
0x38: {  	s10 =	sld [smem:$0x3FB7]  }
0x39: {  	_ = 	snop;
	(pc) =	sbr.ind lr, $3  }
0x3a: {  	_ = 	snop  }
0x3b: {  	_ = 	snop  }
0x3c: {  	p2 =	seq.s32 s10, $0x1;
	s10 =	sld [smem:$0x3FB6]  }
0x3d: {  	_ =	shalt  }
0x3e: {  	_ =	shalt  }
0x3f: {  	_ =	shalt  }
0x40: {  	_ =	shalt  }
0x41: {  	_ =	shalt  }
0x42: {  	_ =	shalt  }
0x43: {  	_ =	shalt  }
0x44: {  	_ =	shalt  }
0x45: {  	_ =	shalt  }
0x46: {  	_ =	shalt  }
0x47: {  	_ =	shalt  }
0x48: {  	_ =	shalt  }
0x49: {  	_ =	shalt  }
0x4a: {  	_ =	shalt  }
0x4b: {  	_ =	shalt  }
0x4c: {  	_ =	shalt  }
0x4d: {  	_ =	shalt  }
0x4e: {  	_ =	shalt  }
0x4f: {  	_ =	shalt  }
0x50: {  	_ =	shalt  }
0x51: {  	_ =	shalt  }
0x52: {  	_ =	shalt  }
0x53: {  	_ =	shalt  }
0x54: {  	_ =	shalt  }
0x55: {  	_ =	shalt  }
0x56: {  	_ =	shalt  }
0x57: {  	_ =	shalt  }
0x58: {  	_ =	shalt  }
0x59: {  	_ =	shalt  }
0x5a: {  	_ =	shalt  }
0x5b: {  	_ =	shalt  }
0x5c: {  	_ =	shalt  }
0x5d: {  	_ =	shalt  }
0x5e: {  	_ =	shalt  }
0x5f: {  	_ =	shalt  }
0x60: {  	_ =	shalt  }
0x61: {  	_ =	shalt  }
0x62: {  	_ =	shalt  }
0x63: {  	_ =	shalt  }
0x64: {  	_ =	shalt  }
0x65: {  	_ =	shalt  }
0x66: {  	_ =	shalt  }
0x67: {  	_ =	shalt  }
0x68: {  	_ =	shalt  }
0x69: {  	_ =	shalt  }
0x6a: {  	_ =	shalt  }
0x6b: {  	_ =	shalt  }
0x6c: {  	_ =	shalt  }
0x6d: {  	_ =	shalt  }
0x6e: {  	_ =	shalt  }
0x6f: {  	_ =	shalt  }
0x70: {  	_ =	shalt  }
0x71: {  	_ =	shalt  }
0x72: {  	_ =	shalt  }
0x73: {  	_ =	shalt  }
0x74: {  	_ =	shalt  }
0x75: {  	_ =	shalt  }
0x76: {  	_ =	shalt  }
0x77: {  	_ =	shalt  }
0x78: {  	_ =	shalt  }
0x79: {  	_ =	shalt  }
0x7a: {  	_ =	shalt  }
0x7b: {  	_ =	shalt  }
0x7c: {  	_ =	shalt  }
0x7d: {  	_ =	shalt  }
0x7e: {  	_ =	shalt  }
0x7f: {  	_ =	shalt  }
0x80: {  	_ =	shalt  }
0x81: {  	_ =	shalt  }
0x82: {  	_ =	shalt  }
0x83: {  	_ =	shalt  }
0x84: {  	_ =	shalt  }
0x85: {  	_ =	shalt  }
0x86: {  	_ =	shalt  }
0x87: {  	_ =	shalt  }
.Lfunc_end0:
.L_simem_size_0:
called_computation_lowered:
.L_overlay_start_0:
0x88: {  	s2 =	sld [smem:$0x3FD9]  }
0x89: {  	s3 =	sld [smem:$0x3FFE];
	_ =	sdelay $0x1  }
0x8a: {  	s1 =	srdreg.scid  }
0x8b: {  	s0 =	sand.u32 $0x1, s1  }
0x8c: {  	s17 =	sshll.u32 s0, $0xA;
	s2 =	sadd.s32 s3, s2  }
0x8d: {  	s2 =	sadd.s32 s2, s17  }
0x8e: {  	[smem:$0x3FC2] =	sst s2  }
0x8f: {  	_ = 	snop  }
0x90: {  	s2 =	sld [smem:$0x3FD0];
	(tm) =	ssettm $0x1  }
0x91: {  	s18 =	sld [smem:$0x3FFB];
	_ =	sdelay $0x3  }
0x92: {  	_ =	strace s18  }
0x93: {  	s3 =	sld [smem:$0x3FFC];
	_ =	sdelay $0x3  }
0x94: {  	_ =	strace s3  }
0x95: {  	s3 =	sld [smem:$0x3FFD];
	_ =	sdelay $0x3  }
0x96: {  	_ =	strace s3  }
0x97: {  	_ =	strace $0x8FFFFFFF  }
0x98: {  	s19 =	sld [smem:$0x3FDB];
	_ =	sdelay $0x1  }
0x99: {  	s4 =	simm.s32 $_scs_section_size  }
0x9a: {  	s5 =	simm.s32 $_size__tile_overlayer_lowered;
	s6 =	simm.s32 $_tile_overlayer_lowered  }
0x9b: {  	s22 =	simm.s32 $0x1BFF;
	s21 =	sshll.u32 s6, $0x1;
	s3 =	sadd.s32 s4, s19  }
0x9c: {  	s7 =	simm.s32 $0x0;
	s20 =	sshll.u32 s5, $0x1;
	s5 =	sadd.s32 s21, s3  }
0x9d: {  	[timem:s7], [sflag:s22] =	dma.local [hbm:s5], s20  }
0x9e: {  	_ =	swait.ge [sflag:s22], s20  }
0x9f: {  	s4 =	ssub.s32 $0x0, s20;
	[sflag:s22] =	ssyncset.done $0x0  }
0xa0: {  	[sflag:s22] =	ssyncadd.s32 s4;
	_ =	sdelay $0x1  }
0xa1: {  	s23 =	simm.s32 $0x1B8B  }
0xa2: {  	_ =	swait.ge [sflag:s23], $0x1  }
0xa3: {  	[sflag:s23] =	ssyncset.done $0x0  }
0xa4: {  	s25 =	simm.s32 $0x1B8E;
	s24 =	sld [smem:$0x3FFE];
	[sflag:s23] =	ssyncadd.s32 $0xFFFFFFFF  }
0xa5: {  	s26 =	simm.s32 $execute0_lowered;
	[smem:$0x3FD2] =	sst s25  }
0xa6: {  	s5 =	sshll.u32 s26, $0x1;
	_ =	strace $0x80000046;
	[dreg:$0x1] =	wrdreg $0xFFFFFFFF  }
0xa7: {  	s28 =	simm.s32 $_size_execute0_lowered;
	s3 =	sadd.s32 s3, s5;
	[dreg:$0x0] =	wrdreg $0x0  }
0xa8: {  	s5 =	sshll.u32 s28, $0x1;
	[dreg:$0x2] =	wrdreg s3  }
0xa9: {  	[dreg:$0x3] =	wrdreg s5  }
0xaa: {  	[dreg:$0x4] =	wrdreg $0xC0  }
0xab: {  	_ =	task [dreg:s7], $0x5FFFF  }
0xac: {  	[dreg:$0x1] =	wrdreg $0xFFFFFFFF  }
0xad: {  	[dreg:$0x0] =	wrdreg $0x60  }
0xae: {  	[dreg:$0x2] =	wrdreg s2  }
0xaf: {  	[dreg:$0x3] =	wrdreg s24  }
0xb0: {  	[dreg:$0x4] =	wrdreg $0x9  }
0xb1: {  	_ =	task.clear_ibuf [dreg:s7], $0x5FFFF;
	_ =	strace $0x90000046  }
0xb2: {  	s29 =	simm.s32 $0x9;
	_ =	strace $0x80000048  }
0xb3: {  	_ =	swait.ge [sflag:s29], $0x1  }
0xb4: {  	[sflag:s29] =	ssyncadd.s32 $0xFFFFFFFF  }
0xb5: {  	_ =	strace $0x90000048  }
0xb6: {  	_ =	sfence  }
0xb7: {  	s30 =	sld [smem:$0x0];
	_ =	sdelay $0x2  }
0xb8: {  	s31 =	sshll.u32 s1, $0xD;
	s1 =	sshrl.u32 s1, $0x2  }
0xb9: {  	s3 =	sand.u32 $0x4000, s31;
	s1 =	sadd.s32 s1, s30  }
0xba: {  	s0 =	sor.u32 s3, s0;
	s1 =	sshll.u32 s1, $0x11  }
0xbb: {  	s0 =	sor.u32 s1, s0  }
0xbc: {  	s0 =	sadd.s32 $0x8F2B, s0  }
0xbd: {  	[sflag:s0] =	ssyncadd.remote.s32 $0x1  }
0xbe: {  	_ =	sfence.sel $0xFFFF  }
0xbf: {  	[dreg:$0x0] =	wrdreg $0xFFFFFFFF;
	(pc) =	sbr.abs _section_cstart, $3  }
0xc0: {  	[dreg:$0x1] =	wrdreg $0xFFFFFFFF  }
0xc1: {  	_ =	task.clear_ibuf [dreg:s7], $0x2FFFF;
	_ =	strace $0x9FFFFFFF  }
0xc2: {  	(tm) =	ssettm $0x7FFFFFFF  }
0xc3: {  	_ =	shalt  }
tec
execute0_lowered:
.L_overlay_start_1:
0x0: {  	(tag) =	ssettag $0x1  }
0x1: {  	s0 =	srdreg.scid  }
0x2: {  	s4 =	rddreg [dreg:$0x0];
	s3 =	sand.u32 $0x1, s0  }
0x3: {  	s5 =	rddreg [dreg:$0x1];
	s0 =	stileid.u32;
	s1 =	sshll.u32 s3, $0x4  }
0x4: {  	s8 =	simm.s32 $0x1;
	s9 =	simm.s32 $0x2780;
	s1 =	sor.u32 s0, s1  }
0x5: {  	s10 =	simm.s32 $0x2;
	s2 =	sshll.u32 s0, $0x7;
	s1 =	sshrl.u32 s1, $0x3  }
0x6: {  	s7 =	sand.u32 $0x380, s2;
	s2 =	simm.s32 $0x0;
	s6 =	smul.u32 $0x13C00, s1  }
0x7: {  	s11 =	simm.s32 $0x0;
	s3 =	ssub.s32 $0x2, s3;
	[smem:$0x7FF] =	sst s2  }
0x8: {  	s31 =	sshrl.u32 s3, $0x1;
	s1 =	rddreg [dreg:$0x2];
	s6 =	sor.u32 s7, s6  }
0x9: {  	_ =	strace $0x80000047;
	s7 =	ssub.s32 s3, s31;
	s6 =	sshrl.u32 s6, $0x3  }
0xa: {  	s5 =	sadd.s32 s6, s5;
	s3 =	sadd.s32 s4, s6;
	s6 =	simm.s32 $0x80  }
0xb: {  	v0 =	vimm.f32 $0.0e+00;
	v1 =	vimm.f32 $1.000000000e+00;
	s4 =	sadd.s32 $0x2600, s5;
	s5 =	smax.u32 s7, $0x1;
	s7 =	simm.s32 $0x400  }
.LBB2_1:
0xc: {  	[tilespmem:s2], [sflag:$0x1] =	stream.strided.gather [hbm4b:s3+s6], $0x2780, s7, s6, $0x38;
	[tilespmem:$0x4F00] =	vst v63  }
0xd: {  	s12 =	simm.s32 $0x40;
	s13 =	simm.s32 $0x0  }
.LBB2_2:
0xe: {  	p0 =	sne.s32 s12, $0x9C00;
	[tilespmem:s13+$0x2780] =	vst v0;
	s13 =	smov.u32 s12;
	s12 =	sadd.s32 $0x40, s12  }
.Ltmp0:
0xf: {  	(pc) =	sbr.rel @p0 .LBB2_2-.Ltmp0, $2  }
0x10: {  	_ =	sdelay $0x2  }
0x11: {  	s13 =	sshra.s32 s13, $0x2  }
0x12: {  	[tilespmem:s13+$0x2780] =	vst v0  }
0x13: {  	_ =	swait.ge [sflag:s8], $0x2780  }
0x14: {  	[sflag:s8] =	ssyncset.done $0x0  }
0x15: {  	s13 =	simm.s32 $0x0;
	s12 =	simm.s32 $0x40;
	[sflag:s8] =	ssyncadd.s32 $0xFFFFD880  }
.LBB2_4:
0x16: {  	p0 =	sne.s32 s12, $0x9C00;
	v2 =	vld [tilespmem:s13+$0x0];
	_ =	sdelay $0x3  }
.Ltmp1:
0x17: {  	(pc) =	sbr.rel @p0 .LBB2_4-.Ltmp1, $2  }
0x18: {  	_ =	sdelay $0x2  }
0x19: {  	s13 =	sshra.s32 s12, $0x2;
	s12 =	sadd.s32 $0x40, s12;
	[tilespmem:v2+s9+$0x0] =	vst.idx.add.f32.msk $0xffff, v1  }
0x1a: {  	v2 =	vld [tilespmem:s13+$0x0];
	_ =	sdelay $0x5  }
0x1b: {  	s11 =	sadd.s32 $0x1, s11  }
0x1c: {  	p0 =	sne.s32 s11, s5  }
.Ltmp2:
0x1d: {  	[tilespmem:v2+s9+$0x0] =	vst.idx.add.f32.msk $0xffff, v1;
	(pc) =	sbr.rel @p0 .LBB2_1-.Ltmp2, $4  }
0x1e: {  	[hbm4b:s4+s6] =	stream.strided.scatter [tilespmem:s9], [sflag:$0x2], $0x2780, s7, s6, $0x38;
	[tilespmem:$0x4F00] =	vst v63  }
0x1f: {  	_ =	swait.ge [sflag:s10], $0x2780  }
0x20: {  	[sflag:s10] =	ssyncset.done $0x0  }
0x21: {  	[sflag:s10] =	ssyncadd.s32 $0xFFFFD880  }
0x22: {  	_ =	sfence.sel $0x180000  }
0x23: {  	[bflag:$0x0] =	sbarrier.arrive $0xFFFF  }
0x24: {  	p0 =	sne.s32 s0, $0x0;
	_ =	strace $0x90000047  }
0x25: {  	s0 =	sadd.s32 @!p0 $0x100000, s1;
	[bflag:$0x2] =	sbarrier.arrive $0xFFFF  }
0x26: {  	[sflag:s0] =	ssyncadd.tile.s32 @!p0 $0x1;
	_ =	shalt  }
.Lfunc_end2:
_tile_overlayer_lowered:
.L_overlay_start_2:
0x27: {  	(tag) =	ssettag $0x2  }
0x28: {  	s0 =	rddreg [dreg:$0x0];
	s2 =	stileid.u32  }
0x29: {  	s1 =	rddreg [dreg:$0x1];
	p0 =	sne.s32 s2, $0x0  }
0x2a: {  	s3 =	rddreg [dreg:$0x2];
	[bflag:$0x3] =	sbarrier.arrive $0xFFFF;
	s2 =	simm.s32 @!p0 $0x1C02  }
0x2b: {  	[timem:s3], [sflag:s2] =	dma.local @!p0 [hbm:s0], s1  }
0x2c: {  	s0 =	simm.s32 @!p0 $0x2  }
0x2d: {  	_ =	swait.ge @!p0 [sflag:s0], s1  }
0x2e: {  	s1 =	ssub.s32 @!p0 $0x0, s1;
	[sflag:s0] =	ssyncset.done @!p0 $0x0  }
0x2f: {  	[sflag:s0] =	ssyncadd.s32 @!p0 s1  }
0x30: {  	[bflag:$0x3] =	sbarrier.arrive $0xFFFF  }
0x31: {  	_ =	shalt  }

</sc_bundles>
